<compile_context>
chip_gen: v7x
topology: tpu7x:2x2x1
jax: 0.10.2.dev20260603
libtpu: 0.0.44.dev20260713+nightly
codegen_flags: <defaults>
</compile_context>

<pallas_src>
import functools

import jax
import jax.numpy as jnp
from jax import lax
from jax.experimental import pallas as pl
from jax.experimental.pallas import tpu as pltpu
from jax.experimental.pallas import tpu_sc as plsc

L = 16
G = 16
B = 4
N = 50000
D = 128
DL = D // L
SEGS = B * G
TOTAL = B * N
NC, NS = 2, 16
NW = NC * NS
S_SC = 64000
RANGE = S_SC // NW
CHUNK = 256
NWIN = -(-(RANGE + 7) // CHUNK) + (-(-(RANGE + 7) // CHUNK) & 1)
GRP = 16
TC_BLK = 2000
TC_OFF = S_SC // TC_BLK
TC_NBLK = (TOTAL - S_SC) // TC_BLK


def _mesh():
    return plsc.VectorSubcoreMesh(core_axis_name="c", subcore_axis_name="s")


@functools.partial(
    pl.kernel,
    out_type=(
        jax.ShapeDtypeStruct((NW, SEGS, L), jnp.float32),
        jax.ShapeDtypeStruct((NW, SEGS, L), jnp.float32),
    ),
    mesh=_mesh(),
    scratch_types=[
        pltpu.VMEM((CHUNK, D), jnp.float32),
        pltpu.VMEM((CHUNK, D), jnp.float32),
        pltpu.VMEM((CHUNK + L,), jnp.int32),
        pltpu.VMEM((CHUNK + L,), jnp.int32),
        pltpu.VMEM((D,), jnp.float32),
        pltpu.VMEM((SEGS, L), jnp.float32),
        pltpu.VMEM((SEGS, L), jnp.float32),
        pltpu.SemaphoreType.DMA,
        pltpu.SemaphoreType.DMA,
        pltpu.SemaphoreType.DMA,
        pltpu.SemaphoreType.DMA,
    ],
)
def _partials(nodes, gidx, wt, part_out, cnt_out, nbuf0, nbuf1, ibuf0, ibuf1,
              wbuf, acc, cnt, *sems):
    nbufs, ibufs = (nbuf0, nbuf1), (ibuf0, ibuf1)
    w = lax.axis_index("s") * NC + lax.axis_index("c")
    start = w * RANGE
    end = start + RANGE
    a0 = (start // 8) * 8

    pltpu.sync_copy(wt, wbuf)
    zrow = jnp.zeros((L,), jnp.float32)
    ones = jnp.ones((L,), jnp.float32)
    for g in range(SEGS):
        acc[g] = zrow
        cnt[g] = zrow
    wv = [wbuf[pl.ds(d * L, L)] for d in range(DL)]

    def win_base(k):
        wk = a0 + k * CHUNK
        return wk, jnp.minimum(wk, TOTAL - CHUNK)

    def dma_start(k, par):
        _, wkc = win_base(k)
        pltpu.make_async_copy(nodes.at[pl.ds(wkc, CHUNK)], nbufs[par],
                              sems[2 * par]).start()
        pltpu.make_async_copy(gidx.at[pl.ds(wkc, CHUNK)],
                              ibufs[par].at[pl.ds(0, CHUNK)],
                              sems[2 * par + 1]).start()

    def dma_wait(par):
        pltpu.make_async_copy(nodes.at[pl.ds(0, CHUNK)], nbufs[par],
                              sems[2 * par]).wait()
        pltpu.make_async_copy(gidx.at[pl.ds(0, CHUNK)],
                              ibufs[par].at[pl.ds(0, CHUNK)],
                              sems[2 * par + 1]).wait()

    def process(k, par):
        wk, wkc = win_base(k)
        lo = jnp.maximum(start, wk) - wkc
        hi = jnp.minimum(end, wk + CHUNK) - wkc

        def node_dot(n):
            prods = [nbufs[par][n, pl.ds(d * L, L)] * wv[d] for d in range(DL)]
            while len(prods) > 1:
                prods = [prods[i] + prods[i + 1]
                         for i in range(0, len(prods) - 1, 2)] + prods[len(prods) & ~1:]
            return prods[0]

        @plsc.parallel_loop(lo, hi, unroll=GRP)
        def node_body(n):
            g = ibufs[par][pl.ds(n, L)][0]
            plsc.addupdate(acc.at[g], node_dot(n))
            plsc.addupdate(cnt.at[g], ones)

    dma_start(0, 0)

    def pair_body(p, _):
        for par in range(2):
            k = 2 * p + par

            @pl.when(k + 1 < NWIN)
            def _():
                dma_start(k + 1, 1 - par)

            dma_wait(par)
            process(k, par)
        return 0

    lax.fori_loop(0, NWIN // 2, pair_body, 0)
    pltpu.sync_copy(acc, part_out.at[w])
    pltpu.sync_copy(cnt, cnt_out.at[w])


def _tc_body(idx_ref, nodes_ref, we1_ref, outy_ref, outc_ref):
    i = pl.program_id(0)

    @pl.when(i == 0)
    def _():
        outy_ref[...] = jnp.zeros_like(outy_ref)
        outc_ref[...] = jnp.zeros_like(outc_ref)

    x = nodes_ref[...]
    ids = idx_ref[0, 0, :]
    iota = lax.broadcasted_iota(jnp.int32, (SEGS, TC_BLK), 0)
    oh = (iota == ids[None, :]).astype(jnp.float32)
    y16 = jnp.dot(x, we1_ref[...], preferred_element_type=jnp.float32)
    outy_ref[...] += jnp.dot(oh, y16, preferred_element_type=jnp.float32)
    lane0 = (lax.broadcasted_iota(jnp.int32, (SEGS, L), 1) == 0)
    cnts = jnp.sum(oh, axis=1, keepdims=True)
    outc_ref[...] += jnp.where(lane0, cnts, 0.0)


_tc_partials = pl.pallas_call(
    _tc_body,
    grid=(TC_NBLK,),
    in_specs=[
        pl.BlockSpec((1, 1, TC_BLK), lambda i: (TC_OFF + i, 0, 0)),
        pl.BlockSpec((TC_BLK, D), lambda i: (TC_OFF + i, 0)),
        pl.BlockSpec((D, L), lambda i: (0, 0)),
    ],
    out_specs=[
        pl.BlockSpec((SEGS, L), lambda i: (0, 0)),
        pl.BlockSpec((SEGS, L), lambda i: (0, 0)),
    ],
    out_shape=[jax.ShapeDtypeStruct((SEGS, L), jnp.float32)] * 2,
    compiler_params=pltpu.CompilerParams(
        dimension_semantics=("arbitrary",)),
)


@functools.partial(
    pl.kernel,
    out_type=jax.ShapeDtypeStruct((SEGS, L), jnp.float32),
    mesh=_mesh(),
    scratch_types=[
        pltpu.VMEM((NW, 2, L), jnp.float32),
        pltpu.VMEM((NW, 2, L), jnp.float32),
        pltpu.VMEM((2, L), jnp.float32),
        pltpu.VMEM((2, L), jnp.float32),
        pltpu.VMEM((L,), jnp.float32),
        pltpu.VMEM((2 * L,), jnp.float32),
        pltpu.VMEM((2, L), jnp.float32),
    ],
)
def _finish(part, cnts, tcy, tcc, bt, out, pbuf, cbuf, tybuf, tcbuf, bbuf,
            red, obuf):
    w = lax.axis_index("s") * NC + lax.axis_index("c")
    seg0 = w * 2
    pltpu.sync_copy(part.at[:, pl.ds(seg0, 2), :], pbuf)
    pltpu.sync_copy(cnts.at[:, pl.ds(seg0, 2), :], cbuf)
    pltpu.sync_copy(tcy.at[pl.ds(seg0, 2)], tybuf)
    pltpu.sync_copy(tcc.at[pl.ds(seg0, 2)], tcbuf)
    pltpu.sync_copy(bt, bbuf)

    zrow = jnp.zeros((L,), jnp.float32)

    def pbody(p, carry):
        s0, c0, s1, c1 = carry
        return (s0 + pbuf[p, 0], c0 + cbuf[p, 0],
                s1 + pbuf[p, 1], c1 + cbuf[p, 1])

    s0, c0, s1, c1 = lax.fori_loop(0, NW, pbody, (zrow, zrow, zrow, zrow))
    s0, c0 = s0 + tybuf[0], c0 + tcbuf[0]
    s1, c1 = s1 + tybuf[1], c1 + tcbuf[1]

    bias = bbuf[...]
    red[pl.ds(L, L)] = zrow
    for i, (s, c) in enumerate(((s0, c0), (s1, c1))):
        red[pl.ds(0, L)] = s
        for sh in (8, 4, 2, 1):
            red[pl.ds(0, L)] = red[pl.ds(0, L)] + red[pl.ds(sh, L)]
        tot = red[pl.ds(0, L)]
        obuf[i] = tot / jnp.maximum(c, 1.0) + bias

    pltpu.sync_copy(obuf, out.at[pl.ds(seg0, 2)])


def kernel(nodes, edges, receivers, senders, global_latent, node_graph_idx,
           edge_graph_idx, W, b):
    flat_nodes = nodes.reshape(B * N, D)
    flat_idx = (node_graph_idx
                + (jnp.arange(B, dtype=jnp.int32) * G)[:, None]).reshape(-1)
    wt = W.reshape(D)
    we1 = jnp.pad(W.reshape(D, 1), ((0, 0), (0, L - 1)))
    bt = jnp.broadcast_to(b.astype(jnp.float32), (L,))
    idx3 = flat_idx.reshape(TOTAL // TC_BLK, 1, TC_BLK)
    part, cnt = _partials(flat_nodes, flat_idx, wt)
    tcy, tcc = _tc_partials(idx3, flat_nodes, we1)
    res = _finish(part, cnt, tcy, tcc, bt)
    return res.reshape(B, G, L)[..., :1]

# --- scband reference (transcript-rebuilt; emitter-appended) ---
"""Pipeline reference for scband-gin-decoder-layer-68461778698669 (READ-ONLY COPY).

The authoritative reference and input builder live on the scoring server;
editing this copy changes nothing except your own understanding.
"""

import jax, jax.numpy as jnp
import numpy as np

GRAPHS_PER_PACK = 16


def setup_inputs(seed: int = 0) -> dict:
    key = jax.random.key(seed)
    ks = jax.random.split(key, 9)
    B, N, D = 4, 50000, 128
    E, DE = 800000, 16
    nodes = jax.random.normal(ks[0], (B, N, D), dtype=jnp.float32)
    edges = jax.random.normal(ks[1], (B, E, DE), dtype=jnp.float32)
    receivers = jax.random.randint(ks[2], (B, E), 0, N, dtype=jnp.int32)
    senders = jax.random.randint(ks[3], (B, E), 0, N, dtype=jnp.int32)
    global_latent = jax.random.normal(ks[4], (B, D), dtype=jnp.float32)
    node_graph_idx = jnp.sort(jax.random.randint(ks[5], (B, N), 0, GRAPHS_PER_PACK, dtype=jnp.int32), axis=-1)
    edge_graph_idx = jnp.sort(jax.random.randint(ks[6], (B, E), 0, GRAPHS_PER_PACK, dtype=jnp.int32), axis=-1)
    # Dense(1) params
    W = jax.random.normal(ks[7], (D, 1), dtype=jnp.float32) * 0.05
    b = jnp.zeros((1,), dtype=jnp.float32)
    return {"nodes": nodes, "edges": edges, "receivers": receivers, "senders": senders,
            "global_latent": global_latent, "node_graph_idx": node_graph_idx,
            "edge_graph_idx": edge_graph_idx, "W": W, "b": b}


def reference(nodes, edges, receivers, senders, global_latent, node_graph_idx, edge_graph_idx, W, b):
    # _batched_segment_mean with gather_scatter_method='debug':
    # per-batch tf.math.unsorted_segment_mean(x[i], indices[i], num_segments=GRAPHS_PER_PACK)
    def seg_mean(x, idx):
        s = jax.ops.segment_sum(x, idx, num_segments=GRAPHS_PER_PACK)
        c = jax.ops.segment_sum(jnp.ones((x.shape[0],), x.dtype), idx, num_segments=GRAPHS_PER_PACK)
        return s / jnp.maximum(c, 1.0)[:, None]

    graphwise_means = jax.vmap(seg_mean)(nodes, node_graph_idx)  # [B, G, D]
    output_prob = graphwise_means @ W + b  # Dense(1) -> [B, G, 1]
    return output_prob

if __name__ == "__main__":
    import jax
    _d = setup_inputs()
    print(jax.jit(kernel)(*tuple(_d.values())))

</pallas_src>

<mosaic_0001>
#map = affine_map<(d0, d1) -> (0, 0, 0)>
#map1 = affine_map<(d0, d1) -> (0, 0)>
#map2 = affine_map<(d0, d1) -> (0)>
module attributes {stable_mosaic.version = 14 : i64} {
  func.func @_finish(%arg0: i32, %arg1: i32, %arg2: memref<32x64x16xf32, #tpu.memory_space<hbm>>, %arg3: memref<32x64x16xf32, #tpu.memory_space<hbm>>, %arg4: memref<64x16xf32, #tpu.memory_space<hbm>>, %arg5: memref<64x16xf32, #tpu.memory_space<hbm>>, %arg6: memref<16xf32, #tpu.memory_space<hbm>>, %arg7: memref<64x16xf32, #tpu.memory_space<hbm>>, %arg8: memref<32x2x16xf32, #tpu.memory_space<vmem>>, %arg9: memref<32x2x16xf32, #tpu.memory_space<vmem>>, %arg10: memref<2x16xf32, #tpu.memory_space<vmem>>, %arg11: memref<2x16xf32, #tpu.memory_space<vmem>>, %arg12: memref<16xf32, #tpu.memory_space<vmem>>, %arg13: memref<32xf32, #tpu.memory_space<vmem>>, %arg14: memref<2x16xf32, #tpu.memory_space<vmem>>) attributes {dimension_semantics = [#tpu.dimension_semantics<core_parallel>, #tpu.dimension_semantics<subcore_parallel>], iteration_bounds = array<i64: 2, 16>, scalar_prefetch = 0 : i64, scratch_operands = 7 : i64, tpu.core_type = #tpu.core_type<sc_vector_subcore>, window_params = [{transform_indices = #map}, {transform_indices = #map}, {transform_indices = #map1}, {transform_indices = #map1}, {transform_indices = #map2}, {transform_indices = #map1}]} {
    %mul3A = arith.constant 2 : i32
    %mul3A_0 = arith.muli %arg1, %mul3A : i32
    %add3A = arith.addi %mul3A_0, %arg0 : i32
    %mul3A_1 = arith.constant 2 : i32
    %mul3A_2 = arith.muli %add3A, %mul3A_1 : i32
    "tpu.region"() ({
      %run_scoped3A = tpu.sem_alloc : memref<!tpu.dma_semaphore, #tpu.memory_space<semaphore_mem>>
      %dma_start3A = arith.constant 0 : i32
      %dma_start3A_160 = arith.constant 0 : i32
      %dma_start3A_161 = tpu.memref_slice %arg2[%dma_start3A, %mul3A_2, %dma_start3A_160] : memref<32x64x16xf32, #tpu.memory_space<hbm>> -> memref<32x2x16xf32, #tpu.memory_space<hbm>>
      %dma_start3A_162 = arith.constant 0 : i32
      %dma_start3A_163 = arith.constant 0 : i32
      %dma_start3A_164 = tpu.memref_slice %arg2[%dma_start3A_162, %mul3A_2, %dma_start3A_163] : memref<32x64x16xf32, #tpu.memory_space<hbm>> -> memref<32x2x16xf32, #tpu.memory_space<hbm>>
      tpu.enqueue_dma source(%dma_start3A_164 : memref<32x2x16xf32, #tpu.memory_space<hbm>>) target(%arg8 : memref<32x2x16xf32, #tpu.memory_space<vmem>>) target_semaphore(%run_scoped3A : memref<!tpu.dma_semaphore, #tpu.memory_space<semaphore_mem>>)
      %dma_wait3A = arith.constant 0 : i32
      %dma_wait3A_165 = arith.constant 0 : i32
      %dma_wait3A_166 = tpu.memref_slice %arg2[%dma_wait3A, %mul3A_2, %dma_wait3A_165] : memref<32x64x16xf32, #tpu.memory_space<hbm>> -> memref<32x2x16xf32, #tpu.memory_space<hbm>>
      %dma_wait3A_167 = arith.constant 0 : i32
      %dma_wait3A_168 = arith.constant 0 : i32
      %dma_wait3A_169 = tpu.memref_slice %arg2[%dma_wait3A_167, %mul3A_2, %dma_wait3A_168] : memref<32x64x16xf32, #tpu.memory_space<hbm>> -> memref<32x2x16xf32, #tpu.memory_space<hbm>>
      tpu.wait_dma2 semaphore(%run_scoped3A : memref<!tpu.dma_semaphore, #tpu.memory_space<semaphore_mem>>) src(%dma_wait3A_169 : memref<32x2x16xf32, #tpu.memory_space<hbm>>) dst(%arg8 : memref<32x2x16xf32, #tpu.memory_space<vmem>>)
      tpu.yield
    }) : () -> ()
    "tpu.region"() ({
      %run_scoped3A = tpu.sem_alloc : memref<!tpu.dma_semaphore, #tpu.memory_space<semaphore_mem>>
      %dma_start3A = arith.constant 0 : i32
      %dma_start3A_160 = arith.constant 0 : i32
      %dma_start3A_161 = tpu.memref_slice %arg3[%dma_start3A, %mul3A_2, %dma_start3A_160] : memref<32x64x16xf32, #tpu.memory_space<hbm>> -> memref<32x2x16xf32, #tpu.memory_space<hbm>>
      %dma_start3A_162 = arith.constant 0 : i32
      %dma_start3A_163 = arith.constant 0 : i32
      %dma_start3A_164 = tpu.memref_slice %arg3[%dma_start3A_162, %mul3A_2, %dma_start3A_163] : memref<32x64x16xf32, #tpu.memory_space<hbm>> -> memref<32x2x16xf32, #tpu.memory_space<hbm>>
      tpu.enqueue_dma source(%dma_start3A_164 : memref<32x2x16xf32, #tpu.memory_space<hbm>>) target(%arg9 : memref<32x2x16xf32, #tpu.memory_space<vmem>>) target_semaphore(%run_scoped3A : memref<!tpu.dma_semaphore, #tpu.memory_space<semaphore_mem>>)
      %dma_wait3A = arith.constant 0 : i32
      %dma_wait3A_165 = arith.constant 0 : i32
      %dma_wait3A_166 = tpu.memref_slice %arg3[%dma_wait3A, %mul3A_2, %dma_wait3A_165] : memref<32x64x16xf32, #tpu.memory_space<hbm>> -> memref<32x2x16xf32, #tpu.memory_space<hbm>>
      %dma_wait3A_167 = arith.constant 0 : i32
      %dma_wait3A_168 = arith.constant 0 : i32
      %dma_wait3A_169 = tpu.memref_slice %arg3[%dma_wait3A_167, %mul3A_2, %dma_wait3A_168] : memref<32x64x16xf32, #tpu.memory_space<hbm>> -> memref<32x2x16xf32, #tpu.memory_space<hbm>>
      tpu.wait_dma2 semaphore(%run_scoped3A : memref<!tpu.dma_semaphore, #tpu.memory_space<semaphore_mem>>) src(%dma_wait3A_169 : memref<32x2x16xf32, #tpu.memory_space<hbm>>) dst(%arg9 : memref<32x2x16xf32, #tpu.memory_space<vmem>>)
      tpu.yield
    }) : () -> ()
    "tpu.region"() ({
      %run_scoped3A = tpu.sem_alloc : memref<!tpu.dma_semaphore, #tpu.memory_space<semaphore_mem>>
      %dma_start3A = arith.constant 0 : i32
      %dma_start3A_160 = tpu.memref_slice %arg4[%mul3A_2, %dma_start3A] : memref<64x16xf32, #tpu.memory_space<hbm>> -> memref<2x16xf32, #tpu.memory_space<hbm>>
      %dma_start3A_161 = arith.constant 0 : i32
      %dma_start3A_162 = tpu.memref_slice %arg4[%mul3A_2, %dma_start3A_161] : memref<64x16xf32, #tpu.memory_space<hbm>> -> memref<2x16xf32, #tpu.memory_space<hbm>>
      tpu.enqueue_dma source(%dma_start3A_162 : memref<2x16xf32, #tpu.memory_space<hbm>>) target(%arg10 : memref<2x16xf32, #tpu.memory_space<vmem>>) target_semaphore(%run_scoped3A : memref<!tpu.dma_semaphore, #tpu.memory_space<semaphore_mem>>)
      %dma_wait3A = arith.constant 0 : i32
      %dma_wait3A_163 = tpu.memref_slice %arg4[%mul3A_2, %dma_wait3A] : memref<64x16xf32, #tpu.memory_space<hbm>> -> memref<2x16xf32, #tpu.memory_space<hbm>>
      %dma_wait3A_164 = arith.constant 0 : i32
      %dma_wait3A_165 = tpu.memref_slice %arg4[%mul3A_2, %dma_wait3A_164] : memref<64x16xf32, #tpu.memory_space<hbm>> -> memref<2x16xf32, #tpu.memory_space<hbm>>
      tpu.wait_dma2 semaphore(%run_scoped3A : memref<!tpu.dma_semaphore, #tpu.memory_space<semaphore_mem>>) src(%dma_wait3A_165 : memref<2x16xf32, #tpu.memory_space<hbm>>) dst(%arg10 : memref<2x16xf32, #tpu.memory_space<vmem>>)
      tpu.yield
    }) : () -> ()
    "tpu.region"() ({
      %run_scoped3A = tpu.sem_alloc : memref<!tpu.dma_semaphore, #tpu.memory_space<semaphore_mem>>
      %dma_start3A = arith.constant 0 : i32
      %dma_start3A_160 = tpu.memref_slice %arg5[%mul3A_2, %dma_start3A] : memref<64x16xf32, #tpu.memory_space<hbm>> -> memref<2x16xf32, #tpu.memory_space<hbm>>
      %dma_start3A_161 = arith.constant 0 : i32
      %dma_start3A_162 = tpu.memref_slice %arg5[%mul3A_2, %dma_start3A_161] : memref<64x16xf32, #tpu.memory_space<hbm>> -> memref<2x16xf32, #tpu.memory_space<hbm>>
      tpu.enqueue_dma source(%dma_start3A_162 : memref<2x16xf32, #tpu.memory_space<hbm>>) target(%arg11 : memref<2x16xf32, #tpu.memory_space<vmem>>) target_semaphore(%run_scoped3A : memref<!tpu.dma_semaphore, #tpu.memory_space<semaphore_mem>>)
      %dma_wait3A = arith.constant 0 : i32
      %dma_wait3A_163 = tpu.memref_slice %arg5[%mul3A_2, %dma_wait3A] : memref<64x16xf32, #tpu.memory_space<hbm>> -> memref<2x16xf32, #tpu.memory_space<hbm>>
      %dma_wait3A_164 = arith.constant 0 : i32
      %dma_wait3A_165 = tpu.memref_slice %arg5[%mul3A_2, %dma_wait3A_164] : memref<64x16xf32, #tpu.memory_space<hbm>> -> memref<2x16xf32, #tpu.memory_space<hbm>>
      tpu.wait_dma2 semaphore(%run_scoped3A : memref<!tpu.dma_semaphore, #tpu.memory_space<semaphore_mem>>) src(%dma_wait3A_165 : memref<2x16xf32, #tpu.memory_space<hbm>>) dst(%arg11 : memref<2x16xf32, #tpu.memory_space<vmem>>)
      tpu.yield
    }) : () -> ()
    "tpu.region"() ({
      %run_scoped3A = tpu.sem_alloc : memref<!tpu.dma_semaphore, #tpu.memory_space<semaphore_mem>>
      tpu.enqueue_dma source(%arg6 : memref<16xf32, #tpu.memory_space<hbm>>) target(%arg12 : memref<16xf32, #tpu.memory_space<vmem>>) target_semaphore(%run_scoped3A : memref<!tpu.dma_semaphore, #tpu.memory_space<semaphore_mem>>)
      tpu.wait_dma2 semaphore(%run_scoped3A : memref<!tpu.dma_semaphore, #tpu.memory_space<semaphore_mem>>) src(%arg6 : memref<16xf32, #tpu.memory_space<hbm>>) dst(%arg12 : memref<16xf32, #tpu.memory_space<vmem>>)
      tpu.yield
    }) : () -> ()
    %broadcast_in_dim3A = arith.constant 0.000000e+00 : f32
    %broadcast_in_dim3A_3 = vector.broadcast %broadcast_in_dim3A : f32 to vector<16xf32>
    %scan3A = arith.constant 0 : i32
    %scan3A_4 = arith.constant 32 : i32
    %scan3A_5 = arith.addi %scan3A, %scan3A_4 : i32
    %scan3A_6 = arith.constant 1 : i32
    %scan3A_7:4 = scf.for %scan3A_160 = %scan3A to %scan3A_5 step %scan3A_6 iter_args(%scan3A_161 = %broadcast_in_dim3A_3, %scan3A_162 = %broadcast_in_dim3A_3, %scan3A_163 = %broadcast_in_dim3A_3, %scan3A_164 = %broadcast_in_dim3A_3) -> (vector<16xf32>, vector<16xf32>, vector<16xf32>, vector<16xf32>)  : i32 {
      %get3A_165 = arith.constant 0 : i32
      %get3A_166 = arith.index_cast %scan3A_160 : i32 to index
      %get3A_167 = arith.index_cast %get3A_165 : i32 to index
      %get3A_168 = arith.constant 0 : index
      %get3A_169 = tpu.vector_load %arg8[%get3A_166, %get3A_167, %get3A_168] {strides = array<i32>} : memref<32x2x16xf32, #tpu.memory_space<vmem>>, vector<1x1x16xf32>,
      %get3A_170 = vector.shape_cast %get3A_169 : vector<1x1x16xf32> to vector<16xf32>
      %add3A_171 = arith.addf %scan3A_161, %get3A_170 : vector<16xf32>
      %get3A_172 = arith.constant 0 : i32
      %get3A_173 = arith.index_cast %scan3A_160 : i32 to index
      %get3A_174 = arith.index_cast %get3A_172 : i32 to index
      %get3A_175 = arith.constant 0 : index
      %get3A_176 = tpu.vector_load %arg9[%get3A_173, %get3A_174, %get3A_175] {strides = array<i32>} : memref<32x2x16xf32, #tpu.memory_space<vmem>>, vector<1x1x16xf32>,
      %get3A_177 = vector.shape_cast %get3A_176 : vector<1x1x16xf32> to vector<16xf32>
      %add3A_178 = arith.addf %scan3A_162, %get3A_177 : vector<16xf32>
      %get3A_179 = arith.constant 1 : i32
      %get3A_180 = arith.index_cast %scan3A_160 : i32 to index
      %get3A_181 = arith.index_cast %get3A_179 : i32 to index
      %get3A_182 = arith.constant 0 : index
      %get3A_183 = tpu.vector_load %arg8[%get3A_180, %get3A_181, %get3A_182] {strides = array<i32>} : memref<32x2x16xf32, #tpu.memory_space<vmem>>, vector<1x1x16xf32>,
      %get3A_184 = vector.shape_cast %get3A_183 : vector<1x1x16xf32> to vector<16xf32>
      %add3A_185 = arith.addf %scan3A_163, %get3A_184 : vector<16xf32>
      %get3A_186 = arith.constant 1 : i32
      %get3A_187 = arith.index_cast %scan3A_160 : i32 to index
      %get3A_188 = arith.index_cast %get3A_186 : i32 to index
      %get3A_189 = arith.constant 0 : index
      %get3A_190 = tpu.vector_load %arg9[%get3A_187, %get3A_188, %get3A_189] {strides = array<i32>} : memref<32x2x16xf32, #tpu.memory_space<vmem>>, vector<1x1x16xf32>,
      %get3A_191 = vector.shape_cast %get3A_190 : vector<1x1x16xf32> to vector<16xf32>
      %add3A_192 = arith.addf %scan3A_164, %get3A_191 : vector<16xf32>
      scf.yield %add3A_171, %add3A_178, %add3A_185, %add3A_192 : vector<16xf32>, vector<16xf32>, vector<16xf32>, vector<16xf32>
    }
    %scan3A_8 = arith.constant 32 : i32
    %get3A = arith.constant 0 : i32
    %get3A_9 = arith.index_cast %get3A : i32 to index
    %get3A_10 = arith.constant 0 : index
    %get3A_11 = tpu.vector_load %arg10[%get3A_9, %get3A_10] {strides = array<i32>} : memref<2x16xf32, #tpu.memory_space<vmem>>, vector<1x16xf32>,
    %get3A_12 = vector.shape_cast %get3A_11 : vector<1x16xf32> to vector<16xf32>
    %add3A_13 = arith.addf %scan3A_7#0, %get3A_12 : vector<16xf32>
    %get3A_14 = arith.constant 0 : i32
    %get3A_15 = arith.index_cast %get3A_14 : i32 to index
    %get3A_16 = arith.constant 0 : index
    %get3A_17 = tpu.vector_load %arg11[%get3A_15, %get3A_16] {strides = array<i32>} : memref<2x16xf32, #tpu.memory_space<vmem>>, vector<1x16xf32>,
    %get3A_18 = vector.shape_cast %get3A_17 : vector<1x16xf32> to vector<16xf32>
    %add3A_19 = arith.addf %scan3A_7#1, %get3A_18 : vector<16xf32>
    %get3A_20 = arith.constant 1 : i32
    %get3A_21 = arith.index_cast %get3A_20 : i32 to index
    %get3A_22 = arith.constant 0 : index
    %get3A_23 = tpu.vector_load %arg10[%get3A_21, %get3A_22] {strides = array<i32>} : memref<2x16xf32, #tpu.memory_space<vmem>>, vector<1x16xf32>,
    %get3A_24 = vector.shape_cast %get3A_23 : vector<1x16xf32> to vector<16xf32>
    %add3A_25 = arith.addf %scan3A_7#2, %get3A_24 : vector<16xf32>
    %get3A_26 = arith.constant 1 : i32
    %get3A_27 = arith.index_cast %get3A_26 : i32 to index
    %get3A_28 = arith.constant 0 : index
    %get3A_29 = tpu.vector_load %arg11[%get3A_27, %get3A_28] {strides = array<i32>} : memref<2x16xf32, #tpu.memory_space<vmem>>, vector<1x16xf32>,
    %get3A_30 = vector.shape_cast %get3A_29 : vector<1x16xf32> to vector<16xf32>
    %add3A_31 = arith.addf %scan3A_7#3, %get3A_30 : vector<16xf32>
    %get3A_32 = arith.constant 0 : index
    %get3A_33 = tpu.vector_load %arg12[%get3A_32] {strides = array<i32>} : memref<16xf32, #tpu.memory_space<vmem>>, vector<16xf32>,
    %get3A_34 = vector.shape_cast %get3A_33 : vector<16xf32> to vector<16xf32>
    %swap3A = arith.constant 16 : index
    %swap3A_35 = tpu.vector_load %arg13[%swap3A] {strides = array<i32>} : memref<32xf32, #tpu.memory_space<vmem>>, vector<16xf32>,
    %swap3A_36 = vector.shape_cast %swap3A_35 : vector<16xf32> to vector<16xf32>
    %swap3A_37 = vector.shape_cast %broadcast_in_dim3A_3 : vector<16xf32> to vector<16xf32>
    tpu.vector_store %arg13[%swap3A], %swap3A_37 {strides = array<i32>} : memref<32xf32, #tpu.memory_space<vmem>>, vector<16xf32>,
    %swap3A_38 = arith.constant 0 : index
    %swap3A_39 = tpu.vector_load %arg13[%swap3A_38] {strides = array<i32>} : memref<32xf32, #tpu.memory_space<vmem>>, vector<16xf32>,
    %swap3A_40 = vector.shape_cast %swap3A_39 : vector<16xf32> to vector<16xf32>
    %swap3A_41 = vector.shape_cast %add3A_13 : vector<16xf32> to vector<16xf32>
    tpu.vector_store %arg13[%swap3A_38], %swap3A_41 {strides = array<i32>} : memref<32xf32, #tpu.memory_space<vmem>>, vector<16xf32>,
    %get3A_42 = arith.constant 0 : index
    %get3A_43 = tpu.vector_load %arg13[%get3A_42] {strides = array<i32>} : memref<32xf32, #tpu.memory_space<vmem>>, vector<16xf32>,
    %get3A_44 = vector.shape_cast %get3A_43 : vector<16xf32> to vector<16xf32>
    %get3A_45 = arith.constant 8 : index
    %get3A_46 = tpu.vector_load %arg13[%get3A_45] {strides = array<i32>} : memref<32xf32, #tpu.memory_space<vmem>>, vector<16xf32>,
    %get3A_47 = vector.shape_cast %get3A_46 : vector<16xf32> to vector<16xf32>
    %add3A_48 = arith.addf %get3A_44, %get3A_47 : vector<16xf32>
    %swap3A_49 = arith.constant 0 : index
    %swap3A_50 = tpu.vector_load %arg13[%swap3A_49] {strides = array<i32>} : memref<32xf32, #tpu.memory_space<vmem>>, vector<16xf32>,
    %swap3A_51 = vector.shape_cast %swap3A_50 : vector<16xf32> to vector<16xf32>
    %swap3A_52 = vector.shape_cast %add3A_48 : vector<16xf32> to vector<16xf32>
    tpu.vector_store %arg13[%swap3A_49], %swap3A_52 {strides = array<i32>} : memref<32xf32, #tpu.memory_space<vmem>>, vector<16xf32>,
    %get3A_53 = arith.constant 0 : index
    %get3A_54 = tpu.vector_load %arg13[%get3A_53] {strides = array<i32>} : memref<32xf32, #tpu.memory_space<vmem>>, vector<16xf32>,
    %get3A_55 = vector.shape_cast %get3A_54 : vector<16xf32> to vector<16xf32>
    %get3A_56 = arith.constant 4 : index
    %get3A_57 = tpu.vector_load %arg13[%get3A_56] {strides = array<i32>} : memref<32xf32, #tpu.memory_space<vmem>>, vector<16xf32>,
    %get3A_58 = vector.shape_cast %get3A_57 : vector<16xf32> to vector<16xf32>
    %add3A_59 = arith.addf %get3A_55, %get3A_58 : vector<16xf32>
    %swap3A_60 = arith.constant 0 : index
    %swap3A_61 = tpu.vector_load %arg13[%swap3A_60] {strides = array<i32>} : memref<32xf32, #tpu.memory_space<vmem>>, vector<16xf32>,
    %swap3A_62 = vector.shape_cast %swap3A_61 : vector<16xf32> to vector<16xf32>
    %swap3A_63 = vector.shape_cast %add3A_59 : vector<16xf32> to vector<16xf32>
    tpu.vector_store %arg13[%swap3A_60], %swap3A_63 {strides = array<i32>} : memref<32xf32, #tpu.memory_space<vmem>>, vector<16xf32>,
    %get3A_64 = arith.constant 0 : index
    %get3A_65 = tpu.vector_load %arg13[%get3A_64] {strides = array<i32>} : memref<32xf32, #tpu.memory_space<vmem>>, vector<16xf32>,
    %get3A_66 = vector.shape_cast %get3A_65 : vector<16xf32> to vector<16xf32>
    %get3A_67 = arith.constant 2 : index
    %get3A_68 = tpu.vector_load %arg13[%get3A_67] {strides = array<i32>} : memref<32xf32, #tpu.memory_space<vmem>>, vector<16xf32>,
    %get3A_69 = vector.shape_cast %get3A_68 : vector<16xf32> to vector<16xf32>
    %add3A_70 = arith.addf %get3A_66, %get3A_69 : vector<16xf32>
    %swap3A_71 = arith.constant 0 : index
    %swap3A_72 = tpu.vector_load %arg13[%swap3A_71] {strides = array<i32>} : memref<32xf32, #tpu.memory_space<vmem>>, vector<16xf32>,
    %swap3A_73 = vector.shape_cast %swap3A_72 : vector<16xf32> to vector<16xf32>
    %swap3A_74 = vector.shape_cast %add3A_70 : vector<16xf32> to vector<16xf32>
    tpu.vector_store %arg13[%swap3A_71], %swap3A_74 {strides = array<i32>} : memref<32xf32, #tpu.memory_space<vmem>>, vector<16xf32>,
    %get3A_75 = arith.constant 0 : index
    %get3A_76 = tpu.vector_load %arg13[%get3A_75] {strides = array<i32>} : memref<32xf32, #tpu.memory_space<vmem>>, vector<16xf32>,
    %get3A_77 = vector.shape_cast %get3A_76 : vector<16xf32> to vector<16xf32>
    %get3A_78 = arith.constant 1 : index
    %get3A_79 = tpu.vector_load %arg13[%get3A_78] {strides = array<i32>} : memref<32xf32, #tpu.memory_space<vmem>>, vector<16xf32>,
    %get3A_80 = vector.shape_cast %get3A_79 : vector<16xf32> to vector<16xf32>
    %add3A_81 = arith.addf %get3A_77, %get3A_80 : vector<16xf32>
    %swap3A_82 = arith.constant 0 : index
    %swap3A_83 = tpu.vector_load %arg13[%swap3A_82] {strides = array<i32>} : memref<32xf32, #tpu.memory_space<vmem>>, vector<16xf32>,
    %swap3A_84 = vector.shape_cast %swap3A_83 : vector<16xf32> to vector<16xf32>
    %swap3A_85 = vector.shape_cast %add3A_81 : vector<16xf32> to vector<16xf32>
    tpu.vector_store %arg13[%swap3A_82], %swap3A_85 {strides = array<i32>} : memref<32xf32, #tpu.memory_space<vmem>>, vector<16xf32>,
    %get3A_86 = arith.constant 0 : index
    %get3A_87 = tpu.vector_load %arg13[%get3A_86] {strides = array<i32>} : memref<32xf32, #tpu.memory_space<vmem>>, vector<16xf32>,
    %get3A_88 = vector.shape_cast %get3A_87 : vector<16xf32> to vector<16xf32>
    %max3A = arith.constant 1.000000e+00 : f32
    %max3A_89 = vector.broadcast %max3A : f32 to vector<16xf32>
    %max3A_90 = arith.maximumf %add3A_19, %max3A_89 : vector<16xf32>
    %div3A = arith.divf %get3A_88, %max3A_90 : vector<16xf32>
    %add3A_91 = arith.addf %div3A, %get3A_34 : vector<16xf32>
    %swap3A_92 = arith.constant 0 : i32
    %swap3A_93 = arith.index_cast %swap3A_92 : i32 to index
    %swap3A_94 = arith.constant 0 : index
    %swap3A_95 = tpu.vector_load %arg14[%swap3A_93, %swap3A_94] {strides = array<i32>} : memref<2x16xf32, #tpu.memory_space<vmem>>, vector<1x16xf32>,
    %swap3A_96 = vector.shape_cast %swap3A_95 : vector<1x16xf32> to vector<16xf32>
    %swap3A_97 = vector.shape_cast %add3A_91 : vector<16xf32> to vector<1x16xf32>
    tpu.vector_store %arg14[%swap3A_93, %swap3A_94], %swap3A_97 {strides = array<i32>} : memref<2x16xf32, #tpu.memory_space<vmem>>, vector<1x16xf32>,
    %swap3A_98 = arith.constant 0 : index
    %swap3A_99 = tpu.vector_load %arg13[%swap3A_98] {strides = array<i32>} : memref<32xf32, #tpu.memory_space<vmem>>, vector<16xf32>,
    %swap3A_100 = vector.shape_cast %swap3A_99 : vector<16xf32> to vector<16xf32>
    %swap3A_101 = vector.shape_cast %add3A_25 : vector<16xf32> to vector<16xf32>
    tpu.vector_store %arg13[%swap3A_98], %swap3A_101 {strides = array<i32>} : memref<32xf32, #tpu.memory_space<vmem>>, vector<16xf32>,
    %get3A_102 = arith.constant 0 : index
    %get3A_103 = tpu.vector_load %arg13[%get3A_102] {strides = array<i32>} : memref<32xf32, #tpu.memory_space<vmem>>, vector<16xf32>,
    %get3A_104 = vector.shape_cast %get3A_103 : vector<16xf32> to vector<16xf32>
    %get3A_105 = arith.constant 8 : index
    %get3A_106 = tpu.vector_load %arg13[%get3A_105] {strides = array<i32>} : memref<32xf32, #tpu.memory_space<vmem>>, vector<16xf32>,
    %get3A_107 = vector.shape_cast %get3A_106 : vector<16xf32> to vector<16xf32>
    %add3A_108 = arith.addf %get3A_104, %get3A_107 : vector<16xf32>
    %swap3A_109 = arith.constant 0 : index
    %swap3A_110 = tpu.vector_load %arg13[%swap3A_109] {strides = array<i32>} : memref<32xf32, #tpu.memory_space<vmem>>, vector<16xf32>,
    %swap3A_111 = vector.shape_cast %swap3A_110 : vector<16xf32> to vector<16xf32>
    %swap3A_112 = vector.shape_cast %add3A_108 : vector<16xf32> to vector<16xf32>
    tpu.vector_store %arg13[%swap3A_109], %swap3A_112 {strides = array<i32>} : memref<32xf32, #tpu.memory_space<vmem>>, vector<16xf32>,
    %get3A_113 = arith.constant 0 : index
    %get3A_114 = tpu.vector_load %arg13[%get3A_113] {strides = array<i32>} : memref<32xf32, #tpu.memory_space<vmem>>, vector<16xf32>,
    %get3A_115 = vector.shape_cast %get3A_114 : vector<16xf32> to vector<16xf32>
    %get3A_116 = arith.constant 4 : index
    %get3A_117 = tpu.vector_load %arg13[%get3A_116] {strides = array<i32>} : memref<32xf32, #tpu.memory_space<vmem>>, vector<16xf32>,
    %get3A_118 = vector.shape_cast %get3A_117 : vector<16xf32> to vector<16xf32>
    %add3A_119 = arith.addf %get3A_115, %get3A_118 : vector<16xf32>
    %swap3A_120 = arith.constant 0 : index
    %swap3A_121 = tpu.vector_load %arg13[%swap3A_120] {strides = array<i32>} : memref<32xf32, #tpu.memory_space<vmem>>, vector<16xf32>,
    %swap3A_122 = vector.shape_cast %swap3A_121 : vector<16xf32> to vector<16xf32>
    %swap3A_123 = vector.shape_cast %add3A_119 : vector<16xf32> to vector<16xf32>
    tpu.vector_store %arg13[%swap3A_120], %swap3A_123 {strides = array<i32>} : memref<32xf32, #tpu.memory_space<vmem>>, vector<16xf32>,
    %get3A_124 = arith.constant 0 : index
    %get3A_125 = tpu.vector_load %arg13[%get3A_124] {strides = array<i32>} : memref<32xf32, #tpu.memory_space<vmem>>, vector<16xf32>,
    %get3A_126 = vector.shape_cast %get3A_125 : vector<16xf32> to vector<16xf32>
    %get3A_127 = arith.constant 2 : index
    %get3A_128 = tpu.vector_load %arg13[%get3A_127] {strides = array<i32>} : memref<32xf32, #tpu.memory_space<vmem>>, vector<16xf32>,
    %get3A_129 = vector.shape_cast %get3A_128 : vector<16xf32> to vector<16xf32>
    %add3A_130 = arith.addf %get3A_126, %get3A_129 : vector<16xf32>
    %swap3A_131 = arith.constant 0 : index
    %swap3A_132 = tpu.vector_load %arg13[%swap3A_131] {strides = array<i32>} : memref<32xf32, #tpu.memory_space<vmem>>, vector<16xf32>,
    %swap3A_133 = vector.shape_cast %swap3A_132 : vector<16xf32> to vector<16xf32>
    %swap3A_134 = vector.shape_cast %add3A_130 : vector<16xf32> to vector<16xf32>
    tpu.vector_store %arg13[%swap3A_131], %swap3A_134 {strides = array<i32>} : memref<32xf32, #tpu.memory_space<vmem>>, vector<16xf32>,
    %get3A_135 = arith.constant 0 : index
    %get3A_136 = tpu.vector_load %arg13[%get3A_135] {strides = array<i32>} : memref<32xf32, #tpu.memory_space<vmem>>, vector<16xf32>,
    %get3A_137 = vector.shape_cast %get3A_136 : vector<16xf32> to vector<16xf32>
    %get3A_138 = arith.constant 1 : index
    %get3A_139 = tpu.vector_load %arg13[%get3A_138] {strides = array<i32>} : memref<32xf32, #tpu.memory_space<vmem>>, vector<16xf32>,
    %get3A_140 = vector.shape_cast %get3A_139 : vector<16xf32> to vector<16xf32>
    %add3A_141 = arith.addf %get3A_137, %get3A_140 : vector<16xf32>
    %swap3A_142 = arith.constant 0 : index
    %swap3A_143 = tpu.vector_load %arg13[%swap3A_142] {strides = array<i32>} : memref<32xf32, #tpu.memory_space<vmem>>, vector<16xf32>,
    %swap3A_144 = vector.shape_cast %swap3A_143 : vector<16xf32> to vector<16xf32>
    %swap3A_145 = vector.shape_cast %add3A_141 : vector<16xf32> to vector<16xf32>
    tpu.vector_store %arg13[%swap3A_142], %swap3A_145 {strides = array<i32>} : memref<32xf32, #tpu.memory_space<vmem>>, vector<16xf32>,
    %get3A_146 = arith.constant 0 : index
    %get3A_147 = tpu.vector_load %arg13[%get3A_146] {strides = array<i32>} : memref<32xf32, #tpu.memory_space<vmem>>, vector<16xf32>,
    %get3A_148 = vector.shape_cast %get3A_147 : vector<16xf32> to vector<16xf32>
    %max3A_149 = arith.constant 1.000000e+00 : f32
    %max3A_150 = vector.broadcast %max3A_149 : f32 to vector<16xf32>
    %max3A_151 = arith.maximumf %add3A_31, %max3A_150 : vector<16xf32>
    %div3A_152 = arith.divf %get3A_148, %max3A_151 : vector<16xf32>
    %add3A_153 = arith.addf %div3A_152, %get3A_34 : vector<16xf32>
    %swap3A_154 = arith.constant 1 : i32
    %swap3A_155 = arith.index_cast %swap3A_154 : i32 to index
    %swap3A_156 = arith.constant 0 : index
    %swap3A_157 = tpu.vector_load %arg14[%swap3A_155, %swap3A_156] {strides = array<i32>} : memref<2x16xf32, #tpu.memory_space<vmem>>, vector<1x16xf32>,
    %swap3A_158 = vector.shape_cast %swap3A_157 : vector<1x16xf32> to vector<16xf32>
    %swap3A_159 = vector.shape_cast %add3A_153 : vector<16xf32> to vector<1x16xf32>
    tpu.vector_store %arg14[%swap3A_155, %swap3A_156], %swap3A_159 {strides = array<i32>} : memref<2x16xf32, #tpu.memory_space<vmem>>, vector<1x16xf32>,
    "tpu.region"() ({
      %run_scoped3A = tpu.sem_alloc : memref<!tpu.dma_semaphore, #tpu.memory_space<semaphore_mem>>
      %dma_start3A = arith.constant 0 : i32
      %dma_start3A_160 = tpu.memref_slice %arg7[%mul3A_2, %dma_start3A] : memref<64x16xf32, #tpu.memory_space<hbm>> -> memref<2x16xf32, #tpu.memory_space<hbm>>
      %dma_start3A_161 = arith.constant 0 : i32
      %dma_start3A_162 = tpu.memref_slice %arg7[%mul3A_2, %dma_start3A_161] : memref<64x16xf32, #tpu.memory_space<hbm>> -> memref<2x16xf32, #tpu.memory_space<hbm>>
      tpu.enqueue_dma source(%arg14 : memref<2x16xf32, #tpu.memory_space<vmem>>) target(%dma_start3A_162 : memref<2x16xf32, #tpu.memory_space<hbm>>) target_semaphore(%run_scoped3A : memref<!tpu.dma_semaphore, #tpu.memory_space<semaphore_mem>>)
      %dma_wait3A = arith.constant 0 : i32
      %dma_wait3A_163 = tpu.memref_slice %arg7[%mul3A_2, %dma_wait3A] : memref<64x16xf32, #tpu.memory_space<hbm>> -> memref<2x16xf32, #tpu.memory_space<hbm>>
      %dma_wait3A_164 = arith.constant 0 : i32
      %dma_wait3A_165 = tpu.memref_slice %arg7[%mul3A_2, %dma_wait3A_164] : memref<64x16xf32, #tpu.memory_space<hbm>> -> memref<2x16xf32, #tpu.memory_space<hbm>>
      tpu.wait_dma2 semaphore(%run_scoped3A : memref<!tpu.dma_semaphore, #tpu.memory_space<semaphore_mem>>) src(%arg14 : memref<2x16xf32, #tpu.memory_space<vmem>>) dst(%dma_wait3A_165 : memref<2x16xf32, #tpu.memory_space<hbm>>)
      tpu.yield
    }) : () -> ()
    return
  }
}

#map = affine_map<(d0, d1) -> (0, 0)>
#map1 = affine_map<(d0, d1) -> (0)>
#map2 = affine_map<(d0, d1) -> (0, 0, 0)>
module attributes {stable_mosaic.version = 14 : i64} {
  func.func @_partials(%arg0: i32, %arg1: i32, %arg2: memref<200000x128xf32, #tpu.memory_space<hbm>>, %arg3: memref<200000xi32, #tpu.memory_space<hbm>>, %arg4: memref<128xf32, #tpu.memory_space<hbm>>, %arg5: memref<32x64x16xf32, #tpu.memory_space<hbm>>, %arg6: memref<32x64x16xf32, #tpu.memory_space<hbm>>, %arg7: memref<256x128xf32, #tpu.memory_space<vmem>>, %arg8: memref<256x128xf32, #tpu.memory_space<vmem>>, %arg9: memref<272xi32, #tpu.memory_space<vmem>>, %arg10: memref<272xi32, #tpu.memory_space<vmem>>, %arg11: memref<128xf32, #tpu.memory_space<vmem>>, %arg12: memref<64x16xf32, #tpu.memory_space<vmem>>, %arg13: memref<64x16xf32, #tpu.memory_space<vmem>>, %arg14: memref<!tpu.dma_semaphore, #tpu.memory_space<semaphore_mem>>, %arg15: memref<!tpu.dma_semaphore, #tpu.memory_space<semaphore_mem>>, %arg16: memref<!tpu.dma_semaphore, #tpu.memory_space<semaphore_mem>>, %arg17: memref<!tpu.dma_semaphore, #tpu.memory_space<semaphore_mem>>) attributes {dimension_semantics = [#tpu.dimension_semantics<core_parallel>, #tpu.dimension_semantics<subcore_parallel>], iteration_bounds = array<i64: 2, 16>, scalar_prefetch = 0 : i64, scratch_operands = 11 : i64, tpu.core_type = #tpu.core_type<sc_vector_subcore>, window_params = [{transform_indices = #map}, {transform_indices = #map1}, {transform_indices = #map1}, {transform_indices = #map2}, {transform_indices = #map2}]} {
    %mul3A = arith.constant 2 : i32
    %mul3A_0 = arith.muli %arg1, %mul3A : i32
    %add3A = arith.addi %mul3A_0, %arg0 : i32
    %mul3A_1 = arith.constant 2000 : i32
    %mul3A_2 = arith.muli %add3A, %mul3A_1 : i32
    %add3A_3 = arith.constant 2000 : i32
    %add3A_4 = arith.addi %mul3A_2, %add3A_3 : i32
    %jit3A = arith.constant 8 : i32
    %div3A = arith.divsi %mul3A_2, %jit3A : i32
    %sign3A = arith.constant 0 : i32
    %sign3A_5 = arith.cmpi sgt, %mul3A_2, %sign3A : i32
    %sign3A_6 = arith.extui %sign3A_5 : i1 to i32
    %sign3A_7 = arith.constant 0 : i32
    %sign3A_8 = arith.cmpi slt, %mul3A_2, %sign3A_7 : i32
    %sign3A_9 = arith.extui %sign3A_8 : i1 to i32
    %sign3A_10 = arith.subi %sign3A_6, %sign3A_9 : i32
    %sign3A_11 = arith.constant 0 : i32
    %sign3A_12 = arith.cmpi sgt, %jit3A, %sign3A_11 : i32
    %sign3A_13 = arith.extui %sign3A_12 : i1 to i32
    %sign3A_14 = arith.constant 0 : i32
    %sign3A_15 = arith.cmpi slt, %jit3A, %sign3A_14 : i32
    %sign3A_16 = arith.extui %sign3A_15 : i1 to i32
    %sign3A_17 = arith.subi %sign3A_13, %sign3A_16 : i32
    %ne3A = arith.cmpi ne, %sign3A_10, %sign3A_17 : i32
    %rem3A = arith.remsi %mul3A_2, %jit3A : i32
    %ne3A_18 = arith.constant 0 : i32
    %ne3A_19 = arith.cmpi ne, %rem3A, %ne3A_18 : i32
    %and3A = arith.andi %ne3A, %ne3A_19 : i1
    %sub3A = arith.constant 1 : i32
    %sub3A_20 = arith.subi %div3A, %sub3A : i32
    %select_n3A = arith.select %and3A, %sub3A_20, %div3A : i32
    %mul3A_21 = arith.constant 8 : i32
    %mul3A_22 = arith.muli %select_n3A, %mul3A_21 : i32
    "tpu.region"() ({
      %run_scoped3A = tpu.sem_alloc : memref<!tpu.dma_semaphore, #tpu.memory_space<semaphore_mem>>
      tpu.enqueue_dma source(%arg4 : memref<128xf32, #tpu.memory_space<hbm>>) target(%arg11 : memref<128xf32, #tpu.memory_space<vmem>>) target_semaphore(%run_scoped3A : memref<!tpu.dma_semaphore, #tpu.memory_space<semaphore_mem>>)
      tpu.wait_dma2 semaphore(%run_scoped3A : memref<!tpu.dma_semaphore, #tpu.memory_space<semaphore_mem>>) src(%arg4 : memref<128xf32, #tpu.memory_space<hbm>>) dst(%arg11 : memref<128xf32, #tpu.memory_space<vmem>>)
      tpu.yield
    }) : () -> ()
    %broadcast_in_dim3A = arith.constant 0.000000e+00 : f32
    %broadcast_in_dim3A_23 = vector.broadcast %broadcast_in_dim3A : f32 to vector<16xf32>
    %broadcast_in_dim3A_24 = arith.constant 1.000000e+00 : f32
    %broadcast_in_dim3A_25 = vector.broadcast %broadcast_in_dim3A_24 : f32 to vector<16xf32>
    %swap3A = arith.constant 0 : i32
    %swap3A_26 = arith.index_cast %swap3A : i32 to index
    %swap3A_27 = arith.constant 0 : index
    %swap3A_28 = tpu.vector_load %arg12[%swap3A_26, %swap3A_27] {strides = array<i32>} : memref<64x16xf32, #tpu.memory_space<vmem>>, vector<1x16xf32>,
    %swap3A_29 = vector.shape_cast %swap3A_28 : vector<1x16xf32> to vector<16xf32>
    %swap3A_30 = vector.shape_cast %broadcast_in_dim3A_23 : vector<16xf32> to vector<1x16xf32>
    tpu.vector_store %arg12[%swap3A_26, %swap3A_27], %swap3A_30 {strides = array<i32>} : memref<64x16xf32, #tpu.memory_space<vmem>>, vector<1x16xf32>,
    %swap3A_31 = arith.constant 0 : i32
    %swap3A_32 = arith.index_cast %swap3A_31 : i32 to index
    %swap3A_33 = arith.constant 0 : index
    %swap3A_34 = tpu.vector_load %arg13[%swap3A_32, %swap3A_33] {strides = array<i32>} : memref<64x16xf32, #tpu.memory_space<vmem>>, vector<1x16xf32>,
    %swap3A_35 = vector.shape_cast %swap3A_34 : vector<1x16xf32> to vector<16xf32>
    %swap3A_36 = vector.shape_cast %broadcast_in_dim3A_23 : vector<16xf32> to vector<1x16xf32>
    tpu.vector_store %arg13[%swap3A_32, %swap3A_33], %swap3A_36 {strides = array<i32>} : memref<64x16xf32, #tpu.memory_space<vmem>>, vector<1x16xf32>,
    %swap3A_37 = arith.constant 1 : i32
    %swap3A_38 = arith.index_cast %swap3A_37 : i32 to index
    %swap3A_39 = arith.constant 0 : index
    %swap3A_40 = tpu.vector_load %arg12[%swap3A_38, %swap3A_39] {strides = array<i32>} : memref<64x16xf32, #tpu.memory_space<vmem>>, vector<1x16xf32>,
    %swap3A_41 = vector.shape_cast %swap3A_40 : vector<1x16xf32> to vector<16xf32>
    %swap3A_42 = vector.shape_cast %broadcast_in_dim3A_23 : vector<16xf32> to vector<1x16xf32>
    tpu.vector_store %arg12[%swap3A_38, %swap3A_39], %swap3A_42 {strides = array<i32>} : memref<64x16xf32, #tpu.memory_space<vmem>>, vector<1x16xf32>,
    %swap3A_43 = arith.constant 1 : i32
    %swap3A_44 = arith.index_cast %swap3A_43 : i32 to index
    %swap3A_45 = arith.constant 0 : index
    %swap3A_46 = tpu.vector_load %arg13[%swap3A_44, %swap3A_45] {strides = array<i32>} : memref<64x16xf32, #tpu.memory_space<vmem>>, vector<1x16xf32>,
    %swap3A_47 = vector.shape_cast %swap3A_46 : vector<1x16xf32> to vector<16xf32>
    %swap3A_48 = vector.shape_cast %broadcast_in_dim3A_23 : vector<16xf32> to vector<1x16xf32>
    tpu.vector_store %arg13[%swap3A_44, %swap3A_45], %swap3A_48 {strides = array<i32>} : memref<64x16xf32, #tpu.memory_space<vmem>>, vector<1x16xf32>,
    %swap3A_49 = arith.constant 2 : i32
    %swap3A_50 = arith.index_cast %swap3A_49 : i32 to index
    %swap3A_51 = arith.constant 0 : index
    %swap3A_52 = tpu.vector_load %arg12[%swap3A_50, %swap3A_51] {strides = array<i32>} : memref<64x16xf32, #tpu.memory_space<vmem>>, vector<1x16xf32>,
    %swap3A_53 = vector.shape_cast %swap3A_52 : vector<1x16xf32> to vector<16xf32>
    %swap3A_54 = vector.shape_cast %broadcast_in_dim3A_23 : vector<16xf32> to vector<1x16xf32>
    tpu.vector_store %arg12[%swap3A_50, %swap3A_51], %swap3A_54 {strides = array<i32>} : memref<64x16xf32, #tpu.memory_space<vmem>>, vector<1x16xf32>,
    %swap3A_55 = arith.constant 2 : i32
    %swap3A_56 = arith.index_cast %swap3A_55 : i32 to index
    %swap3A_57 = arith.constant 0 : index
    %swap3A_58 = tpu.vector_load %arg13[%swap3A_56, %swap3A_57] {strides = array<i32>} : memref<64x16xf32, #tpu.memory_space<vmem>>, vector<1x16xf32>,
    %swap3A_59 = vector.shape_cast %swap3A_58 : vector<1x16xf32> to vector<16xf32>
    %swap3A_60 = vector.shape_cast %broadcast_in_dim3A_23 : vector<16xf32> to vector<1x16xf32>
    tpu.vector_store %arg13[%swap3A_56, %swap3A_57], %swap3A_60 {strides = array<i32>} : memref<64x16xf32, #tpu.memory_space<vmem>>, vector<1x16xf32>,
    %swap3A_61 = arith.constant 3 : i32
    %swap3A_62 = arith.index_cast %swap3A_61 : i32 to index
    %swap3A_63 = arith.constant 0 : index
    %swap3A_64 = tpu.vector_load %arg12[%swap3A_62, %swap3A_63] {strides = array<i32>} : memref<64x16xf32, #tpu.memory_space<vmem>>, vector<1x16xf32>,
    %swap3A_65 = vector.shape_cast %swap3A_64 : vector<1x16xf32> to vector<16xf32>
    %swap3A_66 = vector.shape_cast %broadcast_in_dim3A_23 : vector<16xf32> to vector<1x16xf32>
    tpu.vector_store %arg12[%swap3A_62, %swap3A_63], %swap3A_66 {strides = array<i32>} : memref<64x16xf32, #tpu.memory_space<vmem>>, vector<1x16xf32>,
    %swap3A_67 = arith.constant 3 : i32
    %swap3A_68 = arith.index_cast %swap3A_67 : i32 to index
    %swap3A_69 = arith.constant 0 : index
    %swap3A_70 = tpu.vector_load %arg13[%swap3A_68, %swap3A_69] {strides = array<i32>} : memref<64x16xf32, #tpu.memory_space<vmem>>, vector<1x16xf32>,
    %swap3A_71 = vector.shape_cast %swap3A_70 : vector<1x16xf32> to vector<16xf32>
    %swap3A_72 = vector.shape_cast %broadcast_in_dim3A_23 : vector<16xf32> to vector<1x16xf32>
    tpu.vector_store %arg13[%swap3A_68, %swap3A_69], %swap3A_72 {strides = array<i32>} : memref<64x16xf32, #tpu.memory_space<vmem>>, vector<1x16xf32>,
    %swap3A_73 = arith.constant 4 : i32
    %swap3A_74 = arith.index_cast %swap3A_73 : i32 to index
    %swap3A_75 = arith.constant 0 : index
    %swap3A_76 = tpu.vector_load %arg12[%swap3A_74, %swap3A_75] {strides = array<i32>} : memref<64x16xf32, #tpu.memory_space<vmem>>, vector<1x16xf32>,
    %swap3A_77 = vector.shape_cast %swap3A_76 : vector<1x16xf32> to vector<16xf32>
    %swap3A_78 = vector.shape_cast %broadcast_in_dim3A_23 : vector<16xf32> to vector<1x16xf32>
    tpu.vector_store %arg12[%swap3A_74, %swap3A_75], %swap3A_78 {strides = array<i32>} : memref<64x16xf32, #tpu.memory_space<vmem>>, vector<1x16xf32>,
    %swap3A_79 = arith.constant 4 : i32
    %swap3A_80 = arith.index_cast %swap3A_79 : i32 to index
    %swap3A_81 = arith.constant 0 : index
    %swap3A_82 = tpu.vector_load %arg13[%swap3A_80, %swap3A_81] {strides = array<i32>} : memref<64x16xf32, #tpu.memory_space<vmem>>, vector<1x16xf32>,
    %swap3A_83 = vector.shape_cast %swap3A_82 : vector<1x16xf32> to vector<16xf32>
    %swap3A_84 = vector.shape_cast %broadcast_in_dim3A_23 : vector<16xf32> to vector<1x16xf32>
    tpu.vector_store %arg13[%swap3A_80, %swap3A_81], %swap3A_84 {strides = array<i32>} : memref<64x16xf32, #tpu.memory_space<vmem>>, vector<1x16xf32>,
    %swap3A_85 = arith.constant 5 : i32
    %swap3A_86 = arith.index_cast %swap3A_85 : i32 to index
    %swap3A_87 = arith.constant 0 : index
    %swap3A_88 = tpu.vector_load %arg12[%swap3A_86, %swap3A_87] {strides = array<i32>} : memref<64x16xf32, #tpu.memory_space<vmem>>, vector<1x16xf32>,
    %swap3A_89 = vector.shape_cast %swap3A_88 : vector<1x16xf32> to vector<16xf32>
    %swap3A_90 = vector.shape_cast %broadcast_in_dim3A_23 : vector<16xf32> to vector<1x16xf32>
    tpu.vector_store %arg12[%swap3A_86, %swap3A_87], %swap3A_90 {strides = array<i32>} : memref<64x16xf32, #tpu.memory_space<vmem>>, vector<1x16xf32>,
    %swap3A_91 = arith.constant 5 : i32
    %swap3A_92 = arith.index_cast %swap3A_91 : i32 to index
    %swap3A_93 = arith.constant 0 : index
    %swap3A_94 = tpu.vector_load %arg13[%swap3A_92, %swap3A_93] {strides = array<i32>} : memref<64x16xf32, #tpu.memory_space<vmem>>, vector<1x16xf32>,
    %swap3A_95 = vector.shape_cast %swap3A_94 : vector<1x16xf32> to vector<16xf32>
    %swap3A_96 = vector.shape_cast %broadcast_in_dim3A_23 : vector<16xf32> to vector<1x16xf32>
    tpu.vector_store %arg13[%swap3A_92, %swap3A_93], %swap3A_96 {strides = array<i32>} : memref<64x16xf32, #tpu.memory_space<vmem>>, vector<1x16xf32>,
    %swap3A_97 = arith.constant 6 : i32
    %swap3A_98 = arith.index_cast %swap3A_97 : i32 to index
    %swap3A_99 = arith.constant 0 : index
    %swap3A_100 = tpu.vector_load %arg12[%swap3A_98, %swap3A_99] {strides = array<i32>} : memref<64x16xf32, #tpu.memory_space<vmem>>, vector<1x16xf32>,
    %swap3A_101 = vector.shape_cast %swap3A_100 : vector<1x16xf32> to vector<16xf32>
    %swap3A_102 = vector.shape_cast %broadcast_in_dim3A_23 : vector<16xf32> to vector<1x16xf32>
    tpu.vector_store %arg12[%swap3A_98, %swap3A_99], %swap3A_102 {strides = array<i32>} : memref<64x16xf32, #tpu.memory_space<vmem>>, vector<1x16xf32>,
    %swap3A_103 = arith.constant 6 : i32
    %swap3A_104 = arith.index_cast %swap3A_103 : i32 to index
    %swap3A_105 = arith.constant 0 : index
    %swap3A_106 = tpu.vector_load %arg13[%swap3A_104, %swap3A_105] {strides = array<i32>} : memref<64x16xf32, #tpu.memory_space<vmem>>, vector<1x16xf32>,
    %swap3A_107 = vector.shape_cast %swap3A_106 : vector<1x16xf32> to vector<16xf32>
    %swap3A_108 = vector.shape_cast %broadcast_in_dim3A_23 : vector<16xf32> to vector<1x16xf32>
    tpu.vector_store %arg13[%swap3A_104, %swap3A_105], %swap3A_108 {strides = array<i32>} : memref<64x16xf32, #tpu.memory_space<vmem>>, vector<1x16xf32>,
    %swap3A_109 = arith.constant 7 : i32
    %swap3A_110 = arith.index_cast %swap3A_109 : i32 to index
    %swap3A_111 = arith.constant 0 : index
    %swap3A_112 = tpu.vector_load %arg12[%swap3A_110, %swap3A_111] {strides = array<i32>} : memref<64x16xf32, #tpu.memory_space<vmem>>, vector<1x16xf32>,
    %swap3A_113 = vector.shape_cast %swap3A_112 : vector<1x16xf32> to vector<16xf32>
    %swap3A_114 = vector.shape_cast %broadcast_in_dim3A_23 : vector<16xf32> to vector<1x16xf32>
    tpu.vector_store %arg12[%swap3A_110, %swap3A_111], %swap3A_114 {strides = array<i32>} : memref<64x16xf32, #tpu.memory_space<vmem>>, vector<1x16xf32>,
    %swap3A_115 = arith.constant 7 : i32
    %swap3A_116 = arith.index_cast %swap3A_115 : i32 to index
    %swap3A_117 = arith.constant 0 : index
    %swap3A_118 = tpu.vector_load %arg13[%swap3A_116, %swap3A_117] {strides = array<i32>} : memref<64x16xf32, #tpu.memory_space<vmem>>, vector<1x16xf32>,
    %swap3A_119 = vector.shape_cast %swap3A_118 : vector<1x16xf32> to vector<16xf32>
    %swap3A_120 = vector.shape_cast %broadcast_in_dim3A_23 : vector<16xf32> to vector<1x16xf32>
    tpu.vector_store %arg13[%swap3A_116, %swap3A_117], %swap3A_120 {strides = array<i32>} : memref<64x16xf32, #tpu.memory_space<vmem>>, vector<1x16xf32>,
    %swap3A_121 = arith.constant 8 : i32
    %swap3A_122 = arith.index_cast %swap3A_121 : i32 to index
    %swap3A_123 = arith.constant 0 : index
    %swap3A_124 = tpu.vector_load %arg12[%swap3A_122, %swap3A_123] {strides = array<i32>} : memref<64x16xf32, #tpu.memory_space<vmem>>, vector<1x16xf32>,
    %swap3A_125 = vector.shape_cast %swap3A_124 : vector<1x16xf32> to vector<16xf32>
    %swap3A_126 = vector.shape_cast %broadcast_in_dim3A_23 : vector<16xf32> to vector<1x16xf32>
    tpu.vector_store %arg12[%swap3A_122, %swap3A_123], %swap3A_126 {strides = array<i32>} : memref<64x16xf32, #tpu.memory_space<vmem>>, vector<1x16xf32>,
    %swap3A_127 = arith.constant 8 : i32
    %swap3A_128 = arith.index_cast %swap3A_127 : i32 to index
    %swap3A_129 = arith.constant 0 : index
    %swap3A_130 = tpu.vector_load %arg13[%swap3A_128, %swap3A_129] {strides = array<i32>} : memref<64x16xf32, #tpu.memory_space<vmem>>, vector<1x16xf32>,
    %swap3A_131 = vector.shape_cast %swap3A_130 : vector<1x16xf32> to vector<16xf32>
    %swap3A_132 = vector.shape_cast %broadcast_in_dim3A_23 : vector<16xf32> to vector<1x16xf32>
    tpu.vector_store %arg13[%swap3A_128, %swap3A_129], %swap3A_132 {strides = array<i32>} : memref<64x16xf32, #tpu.memory_space<vmem>>, vector<1x16xf32>,
    %swap3A_133 = arith.constant 9 : i32
    %swap3A_134 = arith.index_cast %swap3A_133 : i32 to index
    %swap3A_135 = arith.constant 0 : index
    %swap3A_136 = tpu.vector_load %arg12[%swap3A_134, %swap3A_135] {strides = array<i32>} : memref<64x16xf32, #tpu.memory_space<vmem>>, vector<1x16xf32>,
    %swap3A_137 = vector.shape_cast %swap3A_136 : vector<1x16xf32> to vector<16xf32>
    %swap3A_138 = vector.shape_cast %broadcast_in_dim3A_23 : vector<16xf32> to vector<1x16xf32>
    tpu.vector_store %arg12[%swap3A_134, %swap3A_135], %swap3A_138 {strides = array<i32>} : memref<64x16xf32, #tpu.memory_space<vmem>>, vector<1x16xf32>,
    %swap3A_139 = arith.constant 9 : i32
    %swap3A_140 = arith.index_cast %swap3A_139 : i32 to index
    %swap3A_141 = arith.constant 0 : index
    %swap3A_142 = tpu.vector_load %arg13[%swap3A_140, %swap3A_141] {strides = array<i32>} : memref<64x16xf32, #tpu.memory_space<vmem>>, vector<1x16xf32>,
    %swap3A_143 = vector.shape_cast %swap3A_142 : vector<1x16xf32> to vector<16xf32>
    %swap3A_144 = vector.shape_cast %broadcast_in_dim3A_23 : vector<16xf32> to vector<1x16xf32>
    tpu.vector_store %arg13[%swap3A_140, %swap3A_141], %swap3A_144 {strides = array<i32>} : memref<64x16xf32, #tpu.memory_space<vmem>>, vector<1x16xf32>,
    %swap3A_145 = arith.constant 10 : i32
    %swap3A_146 = arith.index_cast %swap3A_145 : i32 to index
    %swap3A_147 = arith.constant 0 : index
    %swap3A_148 = tpu.vector_load %arg12[%swap3A_146, %swap3A_147] {strides = array<i32>} : memref<64x16xf32, #tpu.memory_space<vmem>>, vector<1x16xf32>,
    %swap3A_149 = vector.shape_cast %swap3A_148 : vector<1x16xf32> to vector<16xf32>
    %swap3A_150 = vector.shape_cast %broadcast_in_dim3A_23 : vector<16xf32> to vector<1x16xf32>
    tpu.vector_store %arg12[%swap3A_146, %swap3A_147], %swap3A_150 {strides = array<i32>} : memref<64x16xf32, #tpu.memory_space<vmem>>, vector<1x16xf32>,
    %swap3A_151 = arith.constant 10 : i32
    %swap3A_152 = arith.index_cast %swap3A_151 : i32 to index
    %swap3A_153 = arith.constant 0 : index
    %swap3A_154 = tpu.vector_load %arg13[%swap3A_152, %swap3A_153] {strides = array<i32>} : memref<64x16xf32, #tpu.memory_space<vmem>>, vector<1x16xf32>,
    %swap3A_155 = vector.shape_cast %swap3A_154 : vector<1x16xf32> to vector<16xf32>
    %swap3A_156 = vector.shape_cast %broadcast_in_dim3A_23 : vector<16xf32> to vector<1x16xf32>
    tpu.vector_store %arg13[%swap3A_152, %swap3A_153], %swap3A_156 {strides = array<i32>} : memref<64x16xf32, #tpu.memory_space<vmem>>, vector<1x16xf32>,
    %swap3A_157 = arith.constant 11 : i32
    %swap3A_158 = arith.index_cast %swap3A_157 : i32 to index
    %swap3A_159 = arith.constant 0 : index
    %swap3A_160 = tpu.vector_load %arg12[%swap3A_158, %swap3A_159] {strides = array<i32>} : memref<64x16xf32, #tpu.memory_space<vmem>>, vector<1x16xf32>,
    %swap3A_161 = vector.shape_cast %swap3A_160 : vector<1x16xf32> to vector<16xf32>
    %swap3A_162 = vector.shape_cast %broadcast_in_dim3A_23 : vector<16xf32> to vector<1x16xf32>
    tpu.vector_store %arg12[%swap3A_158, %swap3A_159], %swap3A_162 {strides = array<i32>} : memref<64x16xf32, #tpu.memory_space<vmem>>, vector<1x16xf32>,
    %swap3A_163 = arith.constant 11 : i32
    %swap3A_164 = arith.index_cast %swap3A_163 : i32 to index
    %swap3A_165 = arith.constant 0 : index
    %swap3A_166 = tpu.vector_load %arg13[%swap3A_164, %swap3A_165] {strides = array<i32>} : memref<64x16xf32, #tpu.memory_space<vmem>>, vector<1x16xf32>,
    %swap3A_167 = vector.shape_cast %swap3A_166 : vector<1x16xf32> to vector<16xf32>
    %swap3A_168 = vector.shape_cast %broadcast_in_dim3A_23 : vector<16xf32> to vector<1x16xf32>
    tpu.vector_store %arg13[%swap3A_164, %swap3A_165], %swap3A_168 {strides = array<i32>} : memref<64x16xf32, #tpu.memory_space<vmem>>, vector<1x16xf32>,
    %swap3A_169 = arith.constant 12 : i32
    %swap3A_170 = arith.index_cast %swap3A_169 : i32 to index
    %swap3A_171 = arith.constant 0 : index
    %swap3A_172 = tpu.vector_load %arg12[%swap3A_170, %swap3A_171] {strides = array<i32>} : memref<64x16xf32, #tpu.memory_space<vmem>>, vector<1x16xf32>,
    %swap3A_173 = vector.shape_cast %swap3A_172 : vector<1x16xf32> to vector<16xf32>
    %swap3A_174 = vector.shape_cast %broadcast_in_dim3A_23 : vector<16xf32> to vector<1x16xf32>
    tpu.vector_store %arg12[%swap3A_170, %swap3A_171], %swap3A_174 {strides = array<i32>} : memref<64x16xf32, #tpu.memory_space<vmem>>, vector<1x16xf32>,
    %swap3A_175 = arith.constant 12 : i32
    %swap3A_176 = arith.index_cast %swap3A_175 : i32 to index
    %swap3A_177 = arith.constant 0 : index
    %swap3A_178 = tpu.vector_load %arg13[%swap3A_176, %swap3A_177] {strides = array<i32>} : memref<64x16xf32, #tpu.memory_space<vmem>>, vector<1x16xf32>,
    %swap3A_179 = vector.shape_cast %swap3A_178 : vector<1x16xf32> to vector<16xf32>
    %swap3A_180 = vector.shape_cast %broadcast_in_dim3A_23 : vector<16xf32> to vector<1x16xf32>
    tpu.vector_store %arg13[%swap3A_176, %swap3A_177], %swap3A_180 {strides = array<i32>} : memref<64x16xf32, #tpu.memory_space<vmem>>, vector<1x16xf32>,
    %swap3A_181 = arith.constant 13 : i32
    %swap3A_182 = arith.index_cast %swap3A_181 : i32 to index
    %swap3A_183 = arith.constant 0 : index
    %swap3A_184 = tpu.vector_load %arg12[%swap3A_182, %swap3A_183] {strides = array<i32>} : memref<64x16xf32, #tpu.memory_space<vmem>>, vector<1x16xf32>,
    %swap3A_185 = vector.shape_cast %swap3A_184 : vector<1x16xf32> to vector<16xf32>
    %swap3A_186 = vector.shape_cast %broadcast_in_dim3A_23 : vector<16xf32> to vector<1x16xf32>
    tpu.vector_store %arg12[%swap3A_182, %swap3A_183], %swap3A_186 {strides = array<i32>} : memref<64x16xf32, #tpu.memory_space<vmem>>, vector<1x16xf32>,
    %swap3A_187 = arith.constant 13 : i32
    %swap3A_188 = arith.index_cast %swap3A_187 : i32 to index
    %swap3A_189 = arith.constant 0 : index
    %swap3A_190 = tpu.vector_load %arg13[%swap3A_188, %swap3A_189] {strides = array<i32>} : memref<64x16xf32, #tpu.memory_space<vmem>>, vector<1x16xf32>,
    %swap3A_191 = vector.shape_cast %swap3A_190 : vector<1x16xf32> to vector<16xf32>
    %swap3A_192 = vector.shape_cast %broadcast_in_dim3A_23 : vector<16xf32> to vector<1x16xf32>
    tpu.vector_store %arg13[%swap3A_188, %swap3A_189], %swap3A_192 {strides = array<i32>} : memref<64x16xf32, #tpu.memory_space<vmem>>, vector<1x16xf32>,
    %swap3A_193 = arith.constant 14 : i32
    %swap3A_194 = arith.index_cast %swap3A_193 : i32 to index
    %swap3A_195 = arith.constant 0 : index
    %swap3A_196 = tpu.vector_load %arg12[%swap3A_194, %swap3A_195] {strides = array<i32>} : memref<64x16xf32, #tpu.memory_space<vmem>>, vector<1x16xf32>,
    %swap3A_197 = vector.shape_cast %swap3A_196 : vector<1x16xf32> to vector<16xf32>
    %swap3A_198 = vector.shape_cast %broadcast_in_dim3A_23 : vector<16xf32> to vector<1x16xf32>
    tpu.vector_store %arg12[%swap3A_194, %swap3A_195], %swap3A_198 {strides = array<i32>} : memref<64x16xf32, #tpu.memory_space<vmem>>, vector<1x16xf32>,
    %swap3A_199 = arith.constant 14 : i32
    %swap3A_200 = arith.index_cast %swap3A_199 : i32 to index
    %swap3A_201 = arith.constant 0 : index
    %swap3A_202 = tpu.vector_load %arg13[%swap3A_200, %swap3A_201] {strides = array<i32>} : memref<64x16xf32, #tpu.memory_space<vmem>>, vector<1x16xf32>,
    %swap3A_203 = vector.shape_cast %swap3A_202 : vector<1x16xf32> to vector<16xf32>
    %swap3A_204 = vector.shape_cast %broadcast_in_dim3A_23 : vector<16xf32> to vector<1x16xf32>
    tpu.vector_store %arg13[%swap3A_200, %swap3A_201], %swap3A_204 {strides = array<i32>} : memref<64x16xf32, #tpu.memory_space<vmem>>, vector<1x16xf32>,
    %swap3A_205 = arith.constant 15 : i32
    %swap3A_206 = arith.index_cast %swap3A_205 : i32 to index
    %swap3A_207 = arith.constant 0 : index
    %swap3A_208 = tpu.vector_load %arg12[%swap3A_206, %swap3A_207] {strides = array<i32>} : memref<64x16xf32, #tpu.memory_space<vmem>>, vector<1x16xf32>,
    %swap3A_209 = vector.shape_cast %swap3A_208 : vector<1x16xf32> to vector<16xf32>
    %swap3A_210 = vector.shape_cast %broadcast_in_dim3A_23 : vector<16xf32> to vector<1x16xf32>
    tpu.vector_store %arg12[%swap3A_206, %swap3A_207], %swap3A_210 {strides = array<i32>} : memref<64x16xf32, #tpu.memory_space<vmem>>, vector<1x16xf32>,
    %swap3A_211 = arith.constant 15 : i32
    %swap3A_212 = arith.index_cast %swap3A_211 : i32 to index
    %swap3A_213 = arith.constant 0 : index
    %swap3A_214 = tpu.vector_load %arg13[%swap3A_212, %swap3A_213] {strides = array<i32>} : memref<64x16xf32, #tpu.memory_space<vmem>>, vector<1x16xf32>,
    %swap3A_215 = vector.shape_cast %swap3A_214 : vector<1x16xf32> to vector<16xf32>
    %swap3A_216 = vector.shape_cast %broadcast_in_dim3A_23 : vector<16xf32> to vector<1x16xf32>
    tpu.vector_store %arg13[%swap3A_212, %swap3A_213], %swap3A_216 {strides = array<i32>} : memref<64x16xf32, #tpu.memory_space<vmem>>, vector<1x16xf32>,
    %swap3A_217 = arith.constant 16 : i32
    %swap3A_218 = arith.index_cast %swap3A_217 : i32 to index
    %swap3A_219 = arith.constant 0 : index
    %swap3A_220 = tpu.vector_load %arg12[%swap3A_218, %swap3A_219] {strides = array<i32>} : memref<64x16xf32, #tpu.memory_space<vmem>>, vector<1x16xf32>,
    %swap3A_221 = vector.shape_cast %swap3A_220 : vector<1x16xf32> to vector<16xf32>
    %swap3A_222 = vector.shape_cast %broadcast_in_dim3A_23 : vector<16xf32> to vector<1x16xf32>
    tpu.vector_store %arg12[%swap3A_218, %swap3A_219], %swap3A_222 {strides = array<i32>} : memref<64x16xf32, #tpu.memory_space<vmem>>, vector<1x16xf32>,
    %swap3A_223 = arith.constant 16 : i32
    %swap3A_224 = arith.index_cast %swap3A_223 : i32 to index
    %swap3A_225 = arith.constant 0 : index
    %swap3A_226 = tpu.vector_load %arg13[%swap3A_224, %swap3A_225] {strides = array<i32>} : memref<64x16xf32, #tpu.memory_space<vmem>>, vector<1x16xf32>,
    %swap3A_227 = vector.shape_cast %swap3A_226 : vector<1x16xf32> to vector<16xf32>
    %swap3A_228 = vector.shape_cast %broadcast_in_dim3A_23 : vector<16xf32> to vector<1x16xf32>
    tpu.vector_store %arg13[%swap3A_224, %swap3A_225], %swap3A_228 {strides = array<i32>} : memref<64x16xf32, #tpu.memory_space<vmem>>, vector<1x16xf32>,
    %swap3A_229 = arith.constant 17 : i32
    %swap3A_230 = arith.index_cast %swap3A_229 : i32 to index
    %swap3A_231 = arith.constant 0 : index
    %swap3A_232 = tpu.vector_load %arg12[%swap3A_230, %swap3A_231] {strides = array<i32>} : memref<64x16xf32, #tpu.memory_space<vmem>>, vector<1x16xf32>,
    %swap3A_233 = vector.shape_cast %swap3A_232 : vector<1x16xf32> to vector<16xf32>
    %swap3A_234 = vector.shape_cast %broadcast_in_dim3A_23 : vector<16xf32> to vector<1x16xf32>
    tpu.vector_store %arg12[%swap3A_230, %swap3A_231], %swap3A_234 {strides = array<i32>} : memref<64x16xf32, #tpu.memory_space<vmem>>, vector<1x16xf32>,
    %swap3A_235 = arith.constant 17 : i32
    %swap3A_236 = arith.index_cast %swap3A_235 : i32 to index
    %swap3A_237 = arith.constant 0 : index
    %swap3A_238 = tpu.vector_load %arg13[%swap3A_236, %swap3A_237] {strides = array<i32>} : memref<64x16xf32, #tpu.memory_space<vmem>>, vector<1x16xf32>,
    %swap3A_239 = vector.shape_cast %swap3A_238 : vector<1x16xf32> to vector<16xf32>
    %swap3A_240 = vector.shape_cast %broadcast_in_dim3A_23 : vector<16xf32> to vector<1x16xf32>
    tpu.vector_store %arg13[%swap3A_236, %swap3A_237], %swap3A_240 {strides = array<i32>} : memref<64x16xf32, #tpu.memory_space<vmem>>, vector<1x16xf32>,
    %swap3A_241 = arith.constant 18 : i32
    %swap3A_242 = arith.index_cast %swap3A_241 : i32 to index
    %swap3A_243 = arith.constant 0 : index
    %swap3A_244 = tpu.vector_load %arg12[%swap3A_242, %swap3A_243] {strides = array<i32>} : memref<64x16xf32, #tpu.memory_space<vmem>>, vector<1x16xf32>,
    %swap3A_245 = vector.shape_cast %swap3A_244 : vector<1x16xf32> to vector<16xf32>
    %swap3A_246 = vector.shape_cast %broadcast_in_dim3A_23 : vector<16xf32> to vector<1x16xf32>
    tpu.vector_store %arg12[%swap3A_242, %swap3A_243], %swap3A_246 {strides = array<i32>} : memref<64x16xf32, #tpu.memory_space<vmem>>, vector<1x16xf32>,
    %swap3A_247 = arith.constant 18 : i32
    %swap3A_248 = arith.index_cast %swap3A_247 : i32 to index
    %swap3A_249 = arith.constant 0 : index
    %swap3A_250 = tpu.vector_load %arg13[%swap3A_248, %swap3A_249] {strides = array<i32>} : memref<64x16xf32, #tpu.memory_space<vmem>>, vector<1x16xf32>,
    %swap3A_251 = vector.shape_cast %swap3A_250 : vector<1x16xf32> to vector<16xf32>
    %swap3A_252 = vector.shape_cast %broadcast_in_dim3A_23 : vector<16xf32> to vector<1x16xf32>
    tpu.vector_store %arg13[%swap3A_248, %swap3A_249], %swap3A_252 {strides = array<i32>} : memref<64x16xf32, #tpu.memory_space<vmem>>, vector<1x16xf32>,
    %swap3A_253 = arith.constant 19 : i32
    %swap3A_254 = arith.index_cast %swap3A_253 : i32 to index
    %swap3A_255 = arith.constant 0 : index
    %swap3A_256 = tpu.vector_load %arg12[%swap3A_254, %swap3A_255] {strides = array<i32>} : memref<64x16xf32, #tpu.memory_space<vmem>>, vector<1x16xf32>,
    %swap3A_257 = vector.shape_cast %swap3A_256 : vector<1x16xf32> to vector<16xf32>
    %swap3A_258 = vector.shape_cast %broadcast_in_dim3A_23 : vector<16xf32> to vector<1x16xf32>
    tpu.vector_store %arg12[%swap3A_254, %swap3A_255], %swap3A_258 {strides = array<i32>} : memref<64x16xf32, #tpu.memory_space<vmem>>, vector<1x16xf32>,
    %swap3A_259 = arith.constant 19 : i32
    %swap3A_260 = arith.index_cast %swap3A_259 : i32 to index
    %swap3A_261 = arith.constant 0 : index
    %swap3A_262 = tpu.vector_load %arg13[%swap3A_260, %swap3A_261] {strides = array<i32>} : memref<64x16xf32, #tpu.memory_space<vmem>>, vector<1x16xf32>,
    %swap3A_263 = vector.shape_cast %swap3A_262 : vector<1x16xf32> to vector<16xf32>
    %swap3A_264 = vector.shape_cast %broadcast_in_dim3A_23 : vector<16xf32> to vector<1x16xf32>
    tpu.vector_store %arg13[%swap3A_260, %swap3A_261], %swap3A_264 {strides = array<i32>} : memref<64x16xf32, #tpu.memory_space<vmem>>, vector<1x16xf32>,
    %swap3A_265 = arith.constant 20 : i32
    %swap3A_266 = arith.index_cast %swap3A_265 : i32 to index
    %swap3A_267 = arith.constant 0 : index
    %swap3A_268 = tpu.vector_load %arg12[%swap3A_266, %swap3A_267] {strides = array<i32>} : memref<64x16xf32, #tpu.memory_space<vmem>>, vector<1x16xf32>,
    %swap3A_269 = vector.shape_cast %swap3A_268 : vector<1x16xf32> to vector<16xf32>
    %swap3A_270 = vector.shape_cast %broadcast_in_dim3A_23 : vector<16xf32> to vector<1x16xf32>
    tpu.vector_store %arg12[%swap3A_266, %swap3A_267], %swap3A_270 {strides = array<i32>} : memref<64x16xf32, #tpu.memory_space<vmem>>, vector<1x16xf32>,
    %swap3A_271 = arith.constant 20 : i32
    %swap3A_272 = arith.index_cast %swap3A_271 : i32 to index
    %swap3A_273 = arith.constant 0 : index
    %swap3A_274 = tpu.vector_load %arg13[%swap3A_272, %swap3A_273] {strides = array<i32>} : memref<64x16xf32, #tpu.memory_space<vmem>>, vector<1x16xf32>,
    %swap3A_275 = vector.shape_cast %swap3A_274 : vector<1x16xf32> to vector<16xf32>
    %swap3A_276 = vector.shape_cast %broadcast_in_dim3A_23 : vector<16xf32> to vector<1x16xf32>
    tpu.vector_store %arg13[%swap3A_272, %swap3A_273], %swap3A_276 {strides = array<i32>} : memref<64x16xf32, #tpu.memory_space<vmem>>, vector<1x16xf32>,
    %swap3A_277 = arith.constant 21 : i32
    %swap3A_278 = arith.index_cast %swap3A_277 : i32 to index
    %swap3A_279 = arith.constant 0 : index
    %swap3A_280 = tpu.vector_load %arg12[%swap3A_278, %swap3A_279] {strides = array<i32>} : memref<64x16xf32, #tpu.memory_space<vmem>>, vector<1x16xf32>,
    %swap3A_281 = vector.shape_cast %swap3A_280 : vector<1x16xf32> to vector<16xf32>
    %swap3A_282 = vector.shape_cast %broadcast_in_dim3A_23 : vector<16xf32> to vector<1x16xf32>
    tpu.vector_store %arg12[%swap3A_278, %swap3A_279], %swap3A_282 {strides = array<i32>} : memref<64x16xf32, #tpu.memory_space<vmem>>, vector<1x16xf32>,
    %swap3A_283 = arith.constant 21 : i32
    %swap3A_284 = arith.index_cast %swap3A_283 : i32 to index
    %swap3A_285 = arith.constant 0 : index
    %swap3A_286 = tpu.vector_load %arg13[%swap3A_284, %swap3A_285] {strides = array<i32>} : memref<64x16xf32, #tpu.memory_space<vmem>>, vector<1x16xf32>,
    %swap3A_287 = vector.shape_cast %swap3A_286 : vector<1x16xf32> to vector<16xf32>
    %swap3A_288 = vector.shape_cast %broadcast_in_dim3A_23 : vector<16xf32> to vector<1x16xf32>
    tpu.vector_store %arg13[%swap3A_284, %swap3A_285], %swap3A_288 {strides = array<i32>} : memref<64x16xf32, #tpu.memory_space<vmem>>, vector<1x16xf32>,
    %swap3A_289 = arith.constant 22 : i32
    %swap3A_290 = arith.index_cast %swap3A_289 : i32 to index
    %swap3A_291 = arith.constant 0 : index
    %swap3A_292 = tpu.vector_load %arg12[%swap3A_290, %swap3A_291] {strides = array<i32>} : memref<64x16xf32, #tpu.memory_space<vmem>>, vector<1x16xf32>,
    %swap3A_293 = vector.shape_cast %swap3A_292 : vector<1x16xf32> to vector<16xf32>
    %swap3A_294 = vector.shape_cast %broadcast_in_dim3A_23 : vector<16xf32> to vector<1x16xf32>
    tpu.vector_store %arg12[%swap3A_290, %swap3A_291], %swap3A_294 {strides = array<i32>} : memref<64x16xf32, #tpu.memory_space<vmem>>, vector<1x16xf32>,
    %swap3A_295 = arith.constant 22 : i32
    %swap3A_296 = arith.index_cast %swap3A_295 : i32 to index
    %swap3A_297 = arith.constant 0 : index
    %swap3A_298 = tpu.vector_load %arg13[%swap3A_296, %swap3A_297] {strides = array<i32>} : memref<64x16xf32, #tpu.memory_space<vmem>>, vector<1x16xf32>,
    %swap3A_299 = vector.shape_cast %swap3A_298 : vector<1x16xf32> to vector<16xf32>
    %swap3A_300 = vector.shape_cast %broadcast_in_dim3A_23 : vector<16xf32> to vector<1x16xf32>
    tpu.vector_store %arg13[%swap3A_296, %swap3A_297], %swap3A_300 {strides = array<i32>} : memref<64x16xf32, #tpu.memory_space<vmem>>, vector<1x16xf32>,
    %swap3A_301 = arith.constant 23 : i32
    %swap3A_302 = arith.index_cast %swap3A_301 : i32 to index
    %swap3A_303 = arith.constant 0 : index
    %swap3A_304 = tpu.vector_load %arg12[%swap3A_302, %swap3A_303] {strides = array<i32>} : memref<64x16xf32, #tpu.memory_space<vmem>>, vector<1x16xf32>,
    %swap3A_305 = vector.shape_cast %swap3A_304 : vector<1x16xf32> to vector<16xf32>
    %swap3A_306 = vector.shape_cast %broadcast_in_dim3A_23 : vector<16xf32> to vector<1x16xf32>
    tpu.vector_store %arg12[%swap3A_302, %swap3A_303], %swap3A_306 {strides = array<i32>} : memref<64x16xf32, #tpu.memory_space<vmem>>, vector<1x16xf32>,
    %swap3A_307 = arith.constant 23 : i32
    %swap3A_308 = arith.index_cast %swap3A_307 : i32 to index
    %swap3A_309 = arith.constant 0 : index
    %swap3A_310 = tpu.vector_load %arg13[%swap3A_308, %swap3A_309] {strides = array<i32>} : memref<64x16xf32, #tpu.memory_space<vmem>>, vector<1x16xf32>,
    %swap3A_311 = vector.shape_cast %swap3A_310 : vector<1x16xf32> to vector<16xf32>
    %swap3A_312 = vector.shape_cast %broadcast_in_dim3A_23 : vector<16xf32> to vector<1x16xf32>
    tpu.vector_store %arg13[%swap3A_308, %swap3A_309], %swap3A_312 {strides = array<i32>} : memref<64x16xf32, #tpu.memory_space<vmem>>, vector<1x16xf32>,
    %swap3A_313 = arith.constant 24 : i32
    %swap3A_314 = arith.index_cast %swap3A_313 : i32 to index
    %swap3A_315 = arith.constant 0 : index
    %swap3A_316 = tpu.vector_load %arg12[%swap3A_314, %swap3A_315] {strides = array<i32>} : memref<64x16xf32, #tpu.memory_space<vmem>>, vector<1x16xf32>,
    %swap3A_317 = vector.shape_cast %swap3A_316 : vector<1x16xf32> to vector<16xf32>
    %swap3A_318 = vector.shape_cast %broadcast_in_dim3A_23 : vector<16xf32> to vector<1x16xf32>
    tpu.vector_store %arg12[%swap3A_314, %swap3A_315], %swap3A_318 {strides = array<i32>} : memref<64x16xf32, #tpu.memory_space<vmem>>, vector<1x16xf32>,
    %swap3A_319 = arith.constant 24 : i32
    %swap3A_320 = arith.index_cast %swap3A_319 : i32 to index
    %swap3A_321 = arith.constant 0 : index
    %swap3A_322 = tpu.vector_load %arg13[%swap3A_320, %swap3A_321] {strides = array<i32>} : memref<64x16xf32, #tpu.memory_space<vmem>>, vector<1x16xf32>,
    %swap3A_323 = vector.shape_cast %swap3A_322 : vector<1x16xf32> to vector<16xf32>
    %swap3A_324 = vector.shape_cast %broadcast_in_dim3A_23 : vector<16xf32> to vector<1x16xf32>
    tpu.vector_store %arg13[%swap3A_320, %swap3A_321], %swap3A_324 {strides = array<i32>} : memref<64x16xf32, #tpu.memory_space<vmem>>, vector<1x16xf32>,
    %swap3A_325 = arith.constant 25 : i32
    %swap3A_326 = arith.index_cast %swap3A_325 : i32 to index
    %swap3A_327 = arith.constant 0 : index
    %swap3A_328 = tpu.vector_load %arg12[%swap3A_326, %swap3A_327] {strides = array<i32>} : memref<64x16xf32, #tpu.memory_space<vmem>>, vector<1x16xf32>,
    %swap3A_329 = vector.shape_cast %swap3A_328 : vector<1x16xf32> to vector<16xf32>
    %swap3A_330 = vector.shape_cast %broadcast_in_dim3A_23 : vector<16xf32> to vector<1x16xf32>
    tpu.vector_store %arg12[%swap3A_326, %swap3A_327], %swap3A_330 {strides = array<i32>} : memref<64x16xf32, #tpu.memory_space<vmem>>, vector<1x16xf32>,
    %swap3A_331 = arith.constant 25 : i32
    %swap3A_332 = arith.index_cast %swap3A_331 : i32 to index
    %swap3A_333 = arith.constant 0 : index
    %swap3A_334 = tpu.vector_load %arg13[%swap3A_332, %swap3A_333] {strides = array<i32>} : memref<64x16xf32, #tpu.memory_space<vmem>>, vector<1x16xf32>,
    %swap3A_335 = vector.shape_cast %swap3A_334 : vector<1x16xf32> to vector<16xf32>
    %swap3A_336 = vector.shape_cast %broadcast_in_dim3A_23 : vector<16xf32> to vector<1x16xf32>
    tpu.vector_store %arg13[%swap3A_332, %swap3A_333], %swap3A_336 {strides = array<i32>} : memref<64x16xf32, #tpu.memory_space<vmem>>, vector<1x16xf32>,
    %swap3A_337 = arith.constant 26 : i32
    %swap3A_338 = arith.index_cast %swap3A_337 : i32 to index
    %swap3A_339 = arith.constant 0 : index
    %swap3A_340 = tpu.vector_load %arg12[%swap3A_338, %swap3A_339] {strides = array<i32>} : memref<64x16xf32, #tpu.memory_space<vmem>>, vector<1x16xf32>,
    %swap3A_341 = vector.shape_cast %swap3A_340 : vector<1x16xf32> to vector<16xf32>
    %swap3A_342 = vector.shape_cast %broadcast_in_dim3A_23 : vector<16xf32> to vector<1x16xf32>
    tpu.vector_store %arg12[%swap3A_338, %swap3A_339], %swap3A_342 {strides = array<i32>} : memref<64x16xf32, #tpu.memory_space<vmem>>, vector<1x16xf32>,
    %swap3A_343 = arith.constant 26 : i32
    %swap3A_344 = arith.index_cast %swap3A_343 : i32 to index
    %swap3A_345 = arith.constant 0 : index
    %swap3A_346 = tpu.vector_load %arg13[%swap3A_344, %swap3A_345] {strides = array<i32>} : memref<64x16xf32, #tpu.memory_space<vmem>>, vector<1x16xf32>,
    %swap3A_347 = vector.shape_cast %swap3A_346 : vector<1x16xf32> to vector<16xf32>
    %swap3A_348 = vector.shape_cast %broadcast_in_dim3A_23 : vector<16xf32> to vector<1x16xf32>
    tpu.vector_store %arg13[%swap3A_344, %swap3A_345], %swap3A_348 {strides = array<i32>} : memref<64x16xf32, #tpu.memory_space<vmem>>, vector<1x16xf32>,
    %swap3A_349 = arith.constant 27 : i32
    %swap3A_350 = arith.index_cast %swap3A_349 : i32 to index
    %swap3A_351 = arith.constant 0 : index
    %swap3A_352 = tpu.vector_load %arg12[%swap3A_350, %swap3A_351] {strides = array<i32>} : memref<64x16xf32, #tpu.memory_space<vmem>>, vector<1x16xf32>,
    %swap3A_353 = vector.shape_cast %swap3A_352 : vector<1x16xf32> to vector<16xf32>
    %swap3A_354 = vector.shape_cast %broadcast_in_dim3A_23 : vector<16xf32> to vector<1x16xf32>
    tpu.vector_store %arg12[%swap3A_350, %swap3A_351], %swap3A_354 {strides = array<i32>} : memref<64x16xf32, #tpu.memory_space<vmem>>, vector<1x16xf32>,
    %swap3A_355 = arith.constant 27 : i32
    %swap3A_356 = arith.index_cast %swap3A_355 : i32 to index
    %swap3A_357 = arith.constant 0 : index
    %swap3A_358 = tpu.vector_load %arg13[%swap3A_356, %swap3A_357] {strides = array<i32>} : memref<64x16xf32, #tpu.memory_space<vmem>>, vector<1x16xf32>,
    %swap3A_359 = vector.shape_cast %swap3A_358 : vector<1x16xf32> to vector<16xf32>
    %swap3A_360 = vector.shape_cast %broadcast_in_dim3A_23 : vector<16xf32> to vector<1x16xf32>
    tpu.vector_store %arg13[%swap3A_356, %swap3A_357], %swap3A_360 {strides = array<i32>} : memref<64x16xf32, #tpu.memory_space<vmem>>, vector<1x16xf32>,
    %swap3A_361 = arith.constant 28 : i32
    %swap3A_362 = arith.index_cast %swap3A_361 : i32 to index
    %swap3A_363 = arith.constant 0 : index
    %swap3A_364 = tpu.vector_load %arg12[%swap3A_362, %swap3A_363] {strides = array<i32>} : memref<64x16xf32, #tpu.memory_space<vmem>>, vector<1x16xf32>,
    %swap3A_365 = vector.shape_cast %swap3A_364 : vector<1x16xf32> to vector<16xf32>
    %swap3A_366 = vector.shape_cast %broadcast_in_dim3A_23 : vector<16xf32> to vector<1x16xf32>
    tpu.vector_store %arg12[%swap3A_362, %swap3A_363], %swap3A_366 {strides = array<i32>} : memref<64x16xf32, #tpu.memory_space<vmem>>, vector<1x16xf32>,
    %swap3A_367 = arith.constant 28 : i32
    %swap3A_368 = arith.index_cast %swap3A_367 : i32 to index
    %swap3A_369 = arith.constant 0 : index
    %swap3A_370 = tpu.vector_load %arg13[%swap3A_368, %swap3A_369] {strides = array<i32>} : memref<64x16xf32, #tpu.memory_space<vmem>>, vector<1x16xf32>,
    %swap3A_371 = vector.shape_cast %swap3A_370 : vector<1x16xf32> to vector<16xf32>
    %swap3A_372 = vector.shape_cast %broadcast_in_dim3A_23 : vector<16xf32> to vector<1x16xf32>
    tpu.vector_store %arg13[%swap3A_368, %swap3A_369], %swap3A_372 {strides = array<i32>} : memref<64x16xf32, #tpu.memory_space<vmem>>, vector<1x16xf32>,
    %swap3A_373 = arith.constant 29 : i32
    %swap3A_374 = arith.index_cast %swap3A_373 : i32 to index
    %swap3A_375 = arith.constant 0 : index
    %swap3A_376 = tpu.vector_load %arg12[%swap3A_374, %swap3A_375] {strides = array<i32>} : memref<64x16xf32, #tpu.memory_space<vmem>>, vector<1x16xf32>,
    %swap3A_377 = vector.shape_cast %swap3A_376 : vector<1x16xf32> to vector<16xf32>
    %swap3A_378 = vector.shape_cast %broadcast_in_dim3A_23 : vector<16xf32> to vector<1x16xf32>
    tpu.vector_store %arg12[%swap3A_374, %swap3A_375], %swap3A_378 {strides = array<i32>} : memref<64x16xf32, #tpu.memory_space<vmem>>, vector<1x16xf32>,
    %swap3A_379 = arith.constant 29 : i32
    %swap3A_380 = arith.index_cast %swap3A_379 : i32 to index
    %swap3A_381 = arith.constant 0 : index
    %swap3A_382 = tpu.vector_load %arg13[%swap3A_380, %swap3A_381] {strides = array<i32>} : memref<64x16xf32, #tpu.memory_space<vmem>>, vector<1x16xf32>,
    %swap3A_383 = vector.shape_cast %swap3A_382 : vector<1x16xf32> to vector<16xf32>
    %swap3A_384 = vector.shape_cast %broadcast_in_dim3A_23 : vector<16xf32> to vector<1x16xf32>
    tpu.vector_store %arg13[%swap3A_380, %swap3A_381], %swap3A_384 {strides = array<i32>} : memref<64x16xf32, #tpu.memory_space<vmem>>, vector<1x16xf32>,
    %swap3A_385 = arith.constant 30 : i32
    %swap3A_386 = arith.index_cast %swap3A_385 : i32 to index
    %swap3A_387 = arith.constant 0 : index
    %swap3A_388 = tpu.vector_load %arg12[%swap3A_386, %swap3A_387] {strides = array<i32>} : memref<64x16xf32, #tpu.memory_space<vmem>>, vector<1x16xf32>,
    %swap3A_389 = vector.shape_cast %swap3A_388 : vector<1x16xf32> to vector<16xf32>
    %swap3A_390 = vector.shape_cast %broadcast_in_dim3A_23 : vector<16xf32> to vector<1x16xf32>
    tpu.vector_store %arg12[%swap3A_386, %swap3A_387], %swap3A_390 {strides = array<i32>} : memref<64x16xf32, #tpu.memory_space<vmem>>, vector<1x16xf32>,
    %swap3A_391 = arith.constant 30 : i32
    %swap3A_392 = arith.index_cast %swap3A_391 : i32 to index
    %swap3A_393 = arith.constant 0 : index
    %swap3A_394 = tpu.vector_load %arg13[%swap3A_392, %swap3A_393] {strides = array<i32>} : memref<64x16xf32, #tpu.memory_space<vmem>>, vector<1x16xf32>,
    %swap3A_395 = vector.shape_cast %swap3A_394 : vector<1x16xf32> to vector<16xf32>
    %swap3A_396 = vector.shape_cast %broadcast_in_dim3A_23 : vector<16xf32> to vector<1x16xf32>
    tpu.vector_store %arg13[%swap3A_392, %swap3A_393], %swap3A_396 {strides = array<i32>} : memref<64x16xf32, #tpu.memory_space<vmem>>, vector<1x16xf32>,
    %swap3A_397 = arith.constant 31 : i32
    %swap3A_398 = arith.index_cast %swap3A_397 : i32 to index
    %swap3A_399 = arith.constant 0 : index
    %swap3A_400 = tpu.vector_load %arg12[%swap3A_398, %swap3A_399] {strides = array<i32>} : memref<64x16xf32, #tpu.memory_space<vmem>>, vector<1x16xf32>,
    %swap3A_401 = vector.shape_cast %swap3A_400 : vector<1x16xf32> to vector<16xf32>
    %swap3A_402 = vector.shape_cast %broadcast_in_dim3A_23 : vector<16xf32> to vector<1x16xf32>
    tpu.vector_store %arg12[%swap3A_398, %swap3A_399], %swap3A_402 {strides = array<i32>} : memref<64x16xf32, #tpu.memory_space<vmem>>, vector<1x16xf32>,
    %swap3A_403 = arith.constant 31 : i32
    %swap3A_404 = arith.index_cast %swap3A_403 : i32 to index
    %swap3A_405 = arith.constant 0 : index
    %swap3A_406 = tpu.vector_load %arg13[%swap3A_404, %swap3A_405] {strides = array<i32>} : memref<64x16xf32, #tpu.memory_space<vmem>>, vector<1x16xf32>,
    %swap3A_407 = vector.shape_cast %swap3A_406 : vector<1x16xf32> to vector<16xf32>
    %swap3A_408 = vector.shape_cast %broadcast_in_dim3A_23 : vector<16xf32> to vector<1x16xf32>
    tpu.vector_store %arg13[%swap3A_404, %swap3A_405], %swap3A_408 {strides = array<i32>} : memref<64x16xf32, #tpu.memory_space<vmem>>, vector<1x16xf32>,
    %swap3A_409 = arith.constant 32 : i32
    %swap3A_410 = arith.index_cast %swap3A_409 : i32 to index
    %swap3A_411 = arith.constant 0 : index
    %swap3A_412 = tpu.vector_load %arg12[%swap3A_410, %swap3A_411] {strides = array<i32>} : memref<64x16xf32, #tpu.memory_space<vmem>>, vector<1x16xf32>,
    %swap3A_413 = vector.shape_cast %swap3A_412 : vector<1x16xf32> to vector<16xf32>
    %swap3A_414 = vector.shape_cast %broadcast_in_dim3A_23 : vector<16xf32> to vector<1x16xf32>
    tpu.vector_store %arg12[%swap3A_410, %swap3A_411], %swap3A_414 {strides = array<i32>} : memref<64x16xf32, #tpu.memory_space<vmem>>, vector<1x16xf32>,
    %swap3A_415 = arith.constant 32 : i32
    %swap3A_416 = arith.index_cast %swap3A_415 : i32 to index
    %swap3A_417 = arith.constant 0 : index
    %swap3A_418 = tpu.vector_load %arg13[%swap3A_416, %swap3A_417] {strides = array<i32>} : memref<64x16xf32, #tpu.memory_space<vmem>>, vector<1x16xf32>,
    %swap3A_419 = vector.shape_cast %swap3A_418 : vector<1x16xf32> to vector<16xf32>
    %swap3A_420 = vector.shape_cast %broadcast_in_dim3A_23 : vector<16xf32> to vector<1x16xf32>
    tpu.vector_store %arg13[%swap3A_416, %swap3A_417], %swap3A_420 {strides = array<i32>} : memref<64x16xf32, #tpu.memory_space<vmem>>, vector<1x16xf32>,
    %swap3A_421 = arith.constant 33 : i32
    %swap3A_422 = arith.index_cast %swap3A_421 : i32 to index
    %swap3A_423 = arith.constant 0 : index
    %swap3A_424 = tpu.vector_load %arg12[%swap3A_422, %swap3A_423] {strides = array<i32>} : memref<64x16xf32, #tpu.memory_space<vmem>>, vector<1x16xf32>,
    %swap3A_425 = vector.shape_cast %swap3A_424 : vector<1x16xf32> to vector<16xf32>
    %swap3A_426 = vector.shape_cast %broadcast_in_dim3A_23 : vector<16xf32> to vector<1x16xf32>
    tpu.vector_store %arg12[%swap3A_422, %swap3A_423], %swap3A_426 {strides = array<i32>} : memref<64x16xf32, #tpu.memory_space<vmem>>, vector<1x16xf32>,
    %swap3A_427 = arith.constant 33 : i32
    %swap3A_428 = arith.index_cast %swap3A_427 : i32 to index
    %swap3A_429 = arith.constant 0 : index
    %swap3A_430 = tpu.vector_load %arg13[%swap3A_428, %swap3A_429] {strides = array<i32>} : memref<64x16xf32, #tpu.memory_space<vmem>>, vector<1x16xf32>,
    %swap3A_431 = vector.shape_cast %swap3A_430 : vector<1x16xf32> to vector<16xf32>
    %swap3A_432 = vector.shape_cast %broadcast_in_dim3A_23 : vector<16xf32> to vector<1x16xf32>
    tpu.vector_store %arg13[%swap3A_428, %swap3A_429], %swap3A_432 {strides = array<i32>} : memref<64x16xf32, #tpu.memory_space<vmem>>, vector<1x16xf32>,
    %swap3A_433 = arith.constant 34 : i32
    %swap3A_434 = arith.index_cast %swap3A_433 : i32 to index
    %swap3A_435 = arith.constant 0 : index
    %swap3A_436 = tpu.vector_load %arg12[%swap3A_434, %swap3A_435] {strides = array<i32>} : memref<64x16xf32, #tpu.memory_space<vmem>>, vector<1x16xf32>,
    %swap3A_437 = vector.shape_cast %swap3A_436 : vector<1x16xf32> to vector<16xf32>
    %swap3A_438 = vector.shape_cast %broadcast_in_dim3A_23 : vector<16xf32> to vector<1x16xf32>
    tpu.vector_store %arg12[%swap3A_434, %swap3A_435], %swap3A_438 {strides = array<i32>} : memref<64x16xf32, #tpu.memory_space<vmem>>, vector<1x16xf32>,
    %swap3A_439 = arith.constant 34 : i32
    %swap3A_440 = arith.index_cast %swap3A_439 : i32 to index
    %swap3A_441 = arith.constant 0 : index
    %swap3A_442 = tpu.vector_load %arg13[%swap3A_440, %swap3A_441] {strides = array<i32>} : memref<64x16xf32, #tpu.memory_space<vmem>>, vector<1x16xf32>,
    %swap3A_443 = vector.shape_cast %swap3A_442 : vector<1x16xf32> to vector<16xf32>
    %swap3A_444 = vector.shape_cast %broadcast_in_dim3A_23 : vector<16xf32> to vector<1x16xf32>
    tpu.vector_store %arg13[%swap3A_440, %swap3A_441], %swap3A_444 {strides = array<i32>} : memref<64x16xf32, #tpu.memory_space<vmem>>, vector<1x16xf32>,
    %swap3A_445 = arith.constant 35 : i32
    %swap3A_446 = arith.index_cast %swap3A_445 : i32 to index
    %swap3A_447 = arith.constant 0 : index
    %swap3A_448 = tpu.vector_load %arg12[%swap3A_446, %swap3A_447] {strides = array<i32>} : memref<64x16xf32, #tpu.memory_space<vmem>>, vector<1x16xf32>,
    %swap3A_449 = vector.shape_cast %swap3A_448 : vector<1x16xf32> to vector<16xf32>
    %swap3A_450 = vector.shape_cast %broadcast_in_dim3A_23 : vector<16xf32> to vector<1x16xf32>
    tpu.vector_store %arg12[%swap3A_446, %swap3A_447], %swap3A_450 {strides = array<i32>} : memref<64x16xf32, #tpu.memory_space<vmem>>, vector<1x16xf32>,
    %swap3A_451 = arith.constant 35 : i32
    %swap3A_452 = arith.index_cast %swap3A_451 : i32 to index
    %swap3A_453 = arith.constant 0 : index
    %swap3A_454 = tpu.vector_load %arg13[%swap3A_452, %swap3A_453] {strides = array<i32>} : memref<64x16xf32, #tpu.memory_space<vmem>>, vector<1x16xf32>,
    %swap3A_455 = vector.shape_cast %swap3A_454 : vector<1x16xf32> to vector<16xf32>
    %swap3A_456 = vector.shape_cast %broadcast_in_dim3A_23 : vector<16xf32> to vector<1x16xf32>
    tpu.vector_store %arg13[%swap3A_452, %swap3A_453], %swap3A_456 {strides = array<i32>} : memref<64x16xf32, #tpu.memory_space<vmem>>, vector<1x16xf32>,
    %swap3A_457 = arith.constant 36 : i32
    %swap3A_458 = arith.index_cast %swap3A_457 : i32 to index
    %swap3A_459 = arith.constant 0 : index
    %swap3A_460 = tpu.vector_load %arg12[%swap3A_458, %swap3A_459] {strides = array<i32>} : memref<64x16xf32, #tpu.memory_space<vmem>>, vector<1x16xf32>,
    %swap3A_461 = vector.shape_cast %swap3A_460 : vector<1x16xf32> to vector<16xf32>
    %swap3A_462 = vector.shape_cast %broadcast_in_dim3A_23 : vector<16xf32> to vector<1x16xf32>
    tpu.vector_store %arg12[%swap3A_458, %swap3A_459], %swap3A_462 {strides = array<i32>} : memref<64x16xf32, #tpu.memory_space<vmem>>, vector<1x16xf32>,
    %swap3A_463 = arith.constant 36 : i32
    %swap3A_464 = arith.index_cast %swap3A_463 : i32 to index
    %swap3A_465 = arith.constant 0 : index
    %swap3A_466 = tpu.vector_load %arg13[%swap3A_464, %swap3A_465] {strides = array<i32>} : memref<64x16xf32, #tpu.memory_space<vmem>>, vector<1x16xf32>,
    %swap3A_467 = vector.shape_cast %swap3A_466 : vector<1x16xf32> to vector<16xf32>
    %swap3A_468 = vector.shape_cast %broadcast_in_dim3A_23 : vector<16xf32> to vector<1x16xf32>
    tpu.vector_store %arg13[%swap3A_464, %swap3A_465], %swap3A_468 {strides = array<i32>} : memref<64x16xf32, #tpu.memory_space<vmem>>, vector<1x16xf32>,
    %swap3A_469 = arith.constant 37 : i32
    %swap3A_470 = arith.index_cast %swap3A_469 : i32 to index
    %swap3A_471 = arith.constant 0 : index
    %swap3A_472 = tpu.vector_load %arg12[%swap3A_470, %swap3A_471] {strides = array<i32>} : memref<64x16xf32, #tpu.memory_space<vmem>>, vector<1x16xf32>,
    %swap3A_473 = vector.shape_cast %swap3A_472 : vector<1x16xf32> to vector<16xf32>
    %swap3A_474 = vector.shape_cast %broadcast_in_dim3A_23 : vector<16xf32> to vector<1x16xf32>
    tpu.vector_store %arg12[%swap3A_470, %swap3A_471], %swap3A_474 {strides = array<i32>} : memref<64x16xf32, #tpu.memory_space<vmem>>, vector<1x16xf32>,
    %swap3A_475 = arith.constant 37 : i32
    %swap3A_476 = arith.index_cast %swap3A_475 : i32 to index
    %swap3A_477 = arith.constant 0 : index
    %swap3A_478 = tpu.vector_load %arg13[%swap3A_476, %swap3A_477] {strides = array<i32>} : memref<64x16xf32, #tpu.memory_space<vmem>>, vector<1x16xf32>,
    %swap3A_479 = vector.shape_cast %swap3A_478 : vector<1x16xf32> to vector<16xf32>
    %swap3A_480 = vector.shape_cast %broadcast_in_dim3A_23 : vector<16xf32> to vector<1x16xf32>
    tpu.vector_store %arg13[%swap3A_476, %swap3A_477], %swap3A_480 {strides = array<i32>} : memref<64x16xf32, #tpu.memory_space<vmem>>, vector<1x16xf32>,
    %swap3A_481 = arith.constant 38 : i32
    %swap3A_482 = arith.index_cast %swap3A_481 : i32 to index
    %swap3A_483 = arith.constant 0 : index
    %swap3A_484 = tpu.vector_load %arg12[%swap3A_482, %swap3A_483] {strides = array<i32>} : memref<64x16xf32, #tpu.memory_space<vmem>>, vector<1x16xf32>,
    %swap3A_485 = vector.shape_cast %swap3A_484 : vector<1x16xf32> to vector<16xf32>
    %swap3A_486 = vector.shape_cast %broadcast_in_dim3A_23 : vector<16xf32> to vector<1x16xf32>
    tpu.vector_store %arg12[%swap3A_482, %swap3A_483], %swap3A_486 {strides = array<i32>} : memref<64x16xf32, #tpu.memory_space<vmem>>, vector<1x16xf32>,
    %swap3A_487 = arith.constant 38 : i32
    %swap3A_488 = arith.index_cast %swap3A_487 : i32 to index
    %swap3A_489 = arith.constant 0 : index
    %swap3A_490 = tpu.vector_load %arg13[%swap3A_488, %swap3A_489] {strides = array<i32>} : memref<64x16xf32, #tpu.memory_space<vmem>>, vector<1x16xf32>,
    %swap3A_491 = vector.shape_cast %swap3A_490 : vector<1x16xf32> to vector<16xf32>
    %swap3A_492 = vector.shape_cast %broadcast_in_dim3A_23 : vector<16xf32> to vector<1x16xf32>
    tpu.vector_store %arg13[%swap3A_488, %swap3A_489], %swap3A_492 {strides = array<i32>} : memref<64x16xf32, #tpu.memory_space<vmem>>, vector<1x16xf32>,
    %swap3A_493 = arith.constant 39 : i32
    %swap3A_494 = arith.index_cast %swap3A_493 : i32 to index
    %swap3A_495 = arith.constant 0 : index
    %swap3A_496 = tpu.vector_load %arg12[%swap3A_494, %swap3A_495] {strides = array<i32>} : memref<64x16xf32, #tpu.memory_space<vmem>>, vector<1x16xf32>,
    %swap3A_497 = vector.shape_cast %swap3A_496 : vector<1x16xf32> to vector<16xf32>
    %swap3A_498 = vector.shape_cast %broadcast_in_dim3A_23 : vector<16xf32> to vector<1x16xf32>
    tpu.vector_store %arg12[%swap3A_494, %swap3A_495], %swap3A_498 {strides = array<i32>} : memref<64x16xf32, #tpu.memory_space<vmem>>, vector<1x16xf32>,
    %swap3A_499 = arith.constant 39 : i32
    %swap3A_500 = arith.index_cast %swap3A_499 : i32 to index
    %swap3A_501 = arith.constant 0 : index
    %swap3A_502 = tpu.vector_load %arg13[%swap3A_500, %swap3A_501] {strides = array<i32>} : memref<64x16xf32, #tpu.memory_space<vmem>>, vector<1x16xf32>,
    %swap3A_503 = vector.shape_cast %swap3A_502 : vector<1x16xf32> to vector<16xf32>
    %swap3A_504 = vector.shape_cast %broadcast_in_dim3A_23 : vector<16xf32> to vector<1x16xf32>
    tpu.vector_store %arg13[%swap3A_500, %swap3A_501], %swap3A_504 {strides = array<i32>} : memref<64x16xf32, #tpu.memory_space<vmem>>, vector<1x16xf32>,
    %swap3A_505 = arith.constant 40 : i32
    %swap3A_506 = arith.index_cast %swap3A_505 : i32 to index
    %swap3A_507 = arith.constant 0 : index
    %swap3A_508 = tpu.vector_load %arg12[%swap3A_506, %swap3A_507] {strides = array<i32>} : memref<64x16xf32, #tpu.memory_space<vmem>>, vector<1x16xf32>,
    %swap3A_509 = vector.shape_cast %swap3A_508 : vector<1x16xf32> to vector<16xf32>
    %swap3A_510 = vector.shape_cast %broadcast_in_dim3A_23 : vector<16xf32> to vector<1x16xf32>
    tpu.vector_store %arg12[%swap3A_506, %swap3A_507], %swap3A_510 {strides = array<i32>} : memref<64x16xf32, #tpu.memory_space<vmem>>, vector<1x16xf32>,
    %swap3A_511 = arith.constant 40 : i32
    %swap3A_512 = arith.index_cast %swap3A_511 : i32 to index
    %swap3A_513 = arith.constant 0 : index
    %swap3A_514 = tpu.vector_load %arg13[%swap3A_512, %swap3A_513] {strides = array<i32>} : memref<64x16xf32, #tpu.memory_space<vmem>>, vector<1x16xf32>,
    %swap3A_515 = vector.shape_cast %swap3A_514 : vector<1x16xf32> to vector<16xf32>
    %swap3A_516 = vector.shape_cast %broadcast_in_dim3A_23 : vector<16xf32> to vector<1x16xf32>
    tpu.vector_store %arg13[%swap3A_512, %swap3A_513], %swap3A_516 {strides = array<i32>} : memref<64x16xf32, #tpu.memory_space<vmem>>, vector<1x16xf32>,
    %swap3A_517 = arith.constant 41 : i32
    %swap3A_518 = arith.index_cast %swap3A_517 : i32 to index
    %swap3A_519 = arith.constant 0 : index
    %swap3A_520 = tpu.vector_load %arg12[%swap3A_518, %swap3A_519] {strides = array<i32>} : memref<64x16xf32, #tpu.memory_space<vmem>>, vector<1x16xf32>,
    %swap3A_521 = vector.shape_cast %swap3A_520 : vector<1x16xf32> to vector<16xf32>
    %swap3A_522 = vector.shape_cast %broadcast_in_dim3A_23 : vector<16xf32> to vector<1x16xf32>
    tpu.vector_store %arg12[%swap3A_518, %swap3A_519], %swap3A_522 {strides = array<i32>} : memref<64x16xf32, #tpu.memory_space<vmem>>, vector<1x16xf32>,
    %swap3A_523 = arith.constant 41 : i32
    %swap3A_524 = arith.index_cast %swap3A_523 : i32 to index
    %swap3A_525 = arith.constant 0 : index
    %swap3A_526 = tpu.vector_load %arg13[%swap3A_524, %swap3A_525] {strides = array<i32>} : memref<64x16xf32, #tpu.memory_space<vmem>>, vector<1x16xf32>,
    %swap3A_527 = vector.shape_cast %swap3A_526 : vector<1x16xf32> to vector<16xf32>
    %swap3A_528 = vector.shape_cast %broadcast_in_dim3A_23 : vector<16xf32> to vector<1x16xf32>
    tpu.vector_store %arg13[%swap3A_524, %swap3A_525], %swap3A_528 {strides = array<i32>} : memref<64x16xf32, #tpu.memory_space<vmem>>, vector<1x16xf32>,
    %swap3A_529 = arith.constant 42 : i32
    %swap3A_530 = arith.index_cast %swap3A_529 : i32 to index
    %swap3A_531 = arith.constant 0 : index
    %swap3A_532 = tpu.vector_load %arg12[%swap3A_530, %swap3A_531] {strides = array<i32>} : memref<64x16xf32, #tpu.memory_space<vmem>>, vector<1x16xf32>,
    %swap3A_533 = vector.shape_cast %swap3A_532 : vector<1x16xf32> to vector<16xf32>
    %swap3A_534 = vector.shape_cast %broadcast_in_dim3A_23 : vector<16xf32> to vector<1x16xf32>
    tpu.vector_store %arg12[%swap3A_530, %swap3A_531], %swap3A_534 {strides = array<i32>} : memref<64x16xf32, #tpu.memory_space<vmem>>, vector<1x16xf32>,
    %swap3A_535 = arith.constant 42 : i32
    %swap3A_536 = arith.index_cast %swap3A_535 : i32 to index
    %swap3A_537 = arith.constant 0 : index
    %swap3A_538 = tpu.vector_load %arg13[%swap3A_536, %swap3A_537] {strides = array<i32>} : memref<64x16xf32, #tpu.memory_space<vmem>>, vector<1x16xf32>,
    %swap3A_539 = vector.shape_cast %swap3A_538 : vector<1x16xf32> to vector<16xf32>
    %swap3A_540 = vector.shape_cast %broadcast_in_dim3A_23 : vector<16xf32> to vector<1x16xf32>
    tpu.vector_store %arg13[%swap3A_536, %swap3A_537], %swap3A_540 {strides = array<i32>} : memref<64x16xf32, #tpu.memory_space<vmem>>, vector<1x16xf32>,
    %swap3A_541 = arith.constant 43 : i32
    %swap3A_542 = arith.index_cast %swap3A_541 : i32 to index
    %swap3A_543 = arith.constant 0 : index
    %swap3A_544 = tpu.vector_load %arg12[%swap3A_542, %swap3A_543] {strides = array<i32>} : memref<64x16xf32, #tpu.memory_space<vmem>>, vector<1x16xf32>,
    %swap3A_545 = vector.shape_cast %swap3A_544 : vector<1x16xf32> to vector<16xf32>
    %swap3A_546 = vector.shape_cast %broadcast_in_dim3A_23 : vector<16xf32> to vector<1x16xf32>
    tpu.vector_store %arg12[%swap3A_542, %swap3A_543], %swap3A_546 {strides = array<i32>} : memref<64x16xf32, #tpu.memory_space<vmem>>, vector<1x16xf32>,
    %swap3A_547 = arith.constant 43 : i32
    %swap3A_548 = arith.index_cast %swap3A_547 : i32 to index
    %swap3A_549 = arith.constant 0 : index
    %swap3A_550 = tpu.vector_load %arg13[%swap3A_548, %swap3A_549] {strides = array<i32>} : memref<64x16xf32, #tpu.memory_space<vmem>>, vector<1x16xf32>,
    %swap3A_551 = vector.shape_cast %swap3A_550 : vector<1x16xf32> to vector<16xf32>
    %swap3A_552 = vector.shape_cast %broadcast_in_dim3A_23 : vector<16xf32> to vector<1x16xf32>
    tpu.vector_store %arg13[%swap3A_548, %swap3A_549], %swap3A_552 {strides = array<i32>} : memref<64x16xf32, #tpu.memory_space<vmem>>, vector<1x16xf32>,
    %swap3A_553 = arith.constant 44 : i32
    %swap3A_554 = arith.index_cast %swap3A_553 : i32 to index
    %swap3A_555 = arith.constant 0 : index
    %swap3A_556 = tpu.vector_load %arg12[%swap3A_554, %swap3A_555] {strides = array<i32>} : memref<64x16xf32, #tpu.memory_space<vmem>>, vector<1x16xf32>,
    %swap3A_557 = vector.shape_cast %swap3A_556 : vector<1x16xf32> to vector<16xf32>
    %swap3A_558 = vector.shape_cast %broadcast_in_dim3A_23 : vector<16xf32> to vector<1x16xf32>
    tpu.vector_store %arg12[%swap3A_554, %swap3A_555], %swap3A_558 {strides = array<i32>} : memref<64x16xf32, #tpu.memory_space<vmem>>, vector<1x16xf32>,
    %swap3A_559 = arith.constant 44 : i32
    %swap3A_560 = arith.index_cast %swap3A_559 : i32 to index
    %swap3A_561 = arith.constant 0 : index
    %swap3A_562 = tpu.vector_load %arg13[%swap3A_560, %swap3A_561] {strides = array<i32>} : memref<64x16xf32, #tpu.memory_space<vmem>>, vector<1x16xf32>,
    %swap3A_563 = vector.shape_cast %swap3A_562 : vector<1x16xf32> to vector<16xf32>
    %swap3A_564 = vector.shape_cast %broadcast_in_dim3A_23 : vector<16xf32> to vector<1x16xf32>
    tpu.vector_store %arg13[%swap3A_560, %swap3A_561], %swap3A_564 {strides = array<i32>} : memref<64x16xf32, #tpu.memory_space<vmem>>, vector<1x16xf32>,
    %swap3A_565 = arith.constant 45 : i32
    %swap3A_566 = arith.index_cast %swap3A_565 : i32 to index
    %swap3A_567 = arith.constant 0 : index
    %swap3A_568 = tpu.vector_load %arg12[%swap3A_566, %swap3A_567] {strides = array<i32>} : memref<64x16xf32, #tpu.memory_space<vmem>>, vector<1x16xf32>,
    %swap3A_569 = vector.shape_cast %swap3A_568 : vector<1x16xf32> to vector<16xf32>
    %swap3A_570 = vector.shape_cast %broadcast_in_dim3A_23 : vector<16xf32> to vector<1x16xf32>
    tpu.vector_store %arg12[%swap3A_566, %swap3A_567], %swap3A_570 {strides = array<i32>} : memref<64x16xf32, #tpu.memory_space<vmem>>, vector<1x16xf32>,
    %swap3A_571 = arith.constant 45 : i32
    %swap3A_572 = arith.index_cast %swap3A_571 : i32 to index
    %swap3A_573 = arith.constant 0 : index
    %swap3A_574 = tpu.vector_load %arg13[%swap3A_572, %swap3A_573] {strides = array<i32>} : memref<64x16xf32, #tpu.memory_space<vmem>>, vector<1x16xf32>,
    %swap3A_575 = vector.shape_cast %swap3A_574 : vector<1x16xf32> to vector<16xf32>
    %swap3A_576 = vector.shape_cast %broadcast_in_dim3A_23 : vector<16xf32> to vector<1x16xf32>
    tpu.vector_store %arg13[%swap3A_572, %swap3A_573], %swap3A_576 {strides = array<i32>} : memref<64x16xf32, #tpu.memory_space<vmem>>, vector<1x16xf32>,
    %swap3A_577 = arith.constant 46 : i32
    %swap3A_578 = arith.index_cast %swap3A_577 : i32 to index
    %swap3A_579 = arith.constant 0 : index
    %swap3A_580 = tpu.vector_load %arg12[%swap3A_578, %swap3A_579] {strides = array<i32>} : memref<64x16xf32, #tpu.memory_space<vmem>>, vector<1x16xf32>,
    %swap3A_581 = vector.shape_cast %swap3A_580 : vector<1x16xf32> to vector<16xf32>
    %swap3A_582 = vector.shape_cast %broadcast_in_dim3A_23 : vector<16xf32> to vector<1x16xf32>
    tpu.vector_store %arg12[%swap3A_578, %swap3A_579], %swap3A_582 {strides = array<i32>} : memref<64x16xf32, #tpu.memory_space<vmem>>, vector<1x16xf32>,
    %swap3A_583 = arith.constant 46 : i32
    %swap3A_584 = arith.index_cast %swap3A_583 : i32 to index
    %swap3A_585 = arith.constant 0 : index
    %swap3A_586 = tpu.vector_load %arg13[%swap3A_584, %swap3A_585] {strides = array<i32>} : memref<64x16xf32, #tpu.memory_space<vmem>>, vector<1x16xf32>,
    %swap3A_587 = vector.shape_cast %swap3A_586 : vector<1x16xf32> to vector<16xf32>
    %swap3A_588 = vector.shape_cast %broadcast_in_dim3A_23 : vector<16xf32> to vector<1x16xf32>
    tpu.vector_store %arg13[%swap3A_584, %swap3A_585], %swap3A_588 {strides = array<i32>} : memref<64x16xf32, #tpu.memory_space<vmem>>, vector<1x16xf32>,
    %swap3A_589 = arith.constant 47 : i32
    %swap3A_590 = arith.index_cast %swap3A_589 : i32 to index
    %swap3A_591 = arith.constant 0 : index
    %swap3A_592 = tpu.vector_load %arg12[%swap3A_590, %swap3A_591] {strides = array<i32>} : memref<64x16xf32, #tpu.memory_space<vmem>>, vector<1x16xf32>,
    %swap3A_593 = vector.shape_cast %swap3A_592 : vector<1x16xf32> to vector<16xf32>
    %swap3A_594 = vector.shape_cast %broadcast_in_dim3A_23 : vector<16xf32> to vector<1x16xf32>
    tpu.vector_store %arg12[%swap3A_590, %swap3A_591], %swap3A_594 {strides = array<i32>} : memref<64x16xf32, #tpu.memory_space<vmem>>, vector<1x16xf32>,
    %swap3A_595 = arith.constant 47 : i32
    %swap3A_596 = arith.index_cast %swap3A_595 : i32 to index
    %swap3A_597 = arith.constant 0 : index
    %swap3A_598 = tpu.vector_load %arg13[%swap3A_596, %swap3A_597] {strides = array<i32>} : memref<64x16xf32, #tpu.memory_space<vmem>>, vector<1x16xf32>,
    %swap3A_599 = vector.shape_cast %swap3A_598 : vector<1x16xf32> to vector<16xf32>
    %swap3A_600 = vector.shape_cast %broadcast_in_dim3A_23 : vector<16xf32> to vector<1x16xf32>
    tpu.vector_store %arg13[%swap3A_596, %swap3A_597], %swap3A_600 {strides = array<i32>} : memref<64x16xf32, #tpu.memory_space<vmem>>, vector<1x16xf32>,
    %swap3A_601 = arith.constant 48 : i32
    %swap3A_602 = arith.index_cast %swap3A_601 : i32 to index
    %swap3A_603 = arith.constant 0 : index
    %swap3A_604 = tpu.vector_load %arg12[%swap3A_602, %swap3A_603] {strides = array<i32>} : memref<64x16xf32, #tpu.memory_space<vmem>>, vector<1x16xf32>,
    %swap3A_605 = vector.shape_cast %swap3A_604 : vector<1x16xf32> to vector<16xf32>
    %swap3A_606 = vector.shape_cast %broadcast_in_dim3A_23 : vector<16xf32> to vector<1x16xf32>
    tpu.vector_store %arg12[%swap3A_602, %swap3A_603], %swap3A_606 {strides = array<i32>} : memref<64x16xf32, #tpu.memory_space<vmem>>, vector<1x16xf32>,
    %swap3A_607 = arith.constant 48 : i32
    %swap3A_608 = arith.index_cast %swap3A_607 : i32 to index
    %swap3A_609 = arith.constant 0 : index
    %swap3A_610 = tpu.vector_load %arg13[%swap3A_608, %swap3A_609] {strides = array<i32>} : memref<64x16xf32, #tpu.memory_space<vmem>>, vector<1x16xf32>,
    %swap3A_611 = vector.shape_cast %swap3A_610 : vector<1x16xf32> to vector<16xf32>
    %swap3A_612 = vector.shape_cast %broadcast_in_dim3A_23 : vector<16xf32> to vector<1x16xf32>
    tpu.vector_store %arg13[%swap3A_608, %swap3A_609], %swap3A_612 {strides = array<i32>} : memref<64x16xf32, #tpu.memory_space<vmem>>, vector<1x16xf32>,
    %swap3A_613 = arith.constant 49 : i32
    %swap3A_614 = arith.index_cast %swap3A_613 : i32 to index
    %swap3A_615 = arith.constant 0 : index
    %swap3A_616 = tpu.vector_load %arg12[%swap3A_614, %swap3A_615] {strides = array<i32>} : memref<64x16xf32, #tpu.memory_space<vmem>>, vector<1x16xf32>,
    %swap3A_617 = vector.shape_cast %swap3A_616 : vector<1x16xf32> to vector<16xf32>
    %swap3A_618 = vector.shape_cast %broadcast_in_dim3A_23 : vector<16xf32> to vector<1x16xf32>
    tpu.vector_store %arg12[%swap3A_614, %swap3A_615], %swap3A_618 {strides = array<i32>} : memref<64x16xf32, #tpu.memory_space<vmem>>, vector<1x16xf32>,
    %swap3A_619 = arith.constant 49 : i32
    %swap3A_620 = arith.index_cast %swap3A_619 : i32 to index
    %swap3A_621 = arith.constant 0 : index
    %swap3A_622 = tpu.vector_load %arg13[%swap3A_620, %swap3A_621] {strides = array<i32>} : memref<64x16xf32, #tpu.memory_space<vmem>>, vector<1x16xf32>,
    %swap3A_623 = vector.shape_cast %swap3A_622 : vector<1x16xf32> to vector<16xf32>
    %swap3A_624 = vector.shape_cast %broadcast_in_dim3A_23 : vector<16xf32> to vector<1x16xf32>
    tpu.vector_store %arg13[%swap3A_620, %swap3A_621], %swap3A_624 {strides = array<i32>} : memref<64x16xf32, #tpu.memory_space<vmem>>, vector<1x16xf32>,
    %swap3A_625 = arith.constant 50 : i32
    %swap3A_626 = arith.index_cast %swap3A_625 : i32 to index
    %swap3A_627 = arith.constant 0 : index
    %swap3A_628 = tpu.vector_load %arg12[%swap3A_626, %swap3A_627] {strides = array<i32>} : memref<64x16xf32, #tpu.memory_space<vmem>>, vector<1x16xf32>,
    %swap3A_629 = vector.shape_cast %swap3A_628 : vector<1x16xf32> to vector<16xf32>
    %swap3A_630 = vector.shape_cast %broadcast_in_dim3A_23 : vector<16xf32> to vector<1x16xf32>
    tpu.vector_store %arg12[%swap3A_626, %swap3A_627], %swap3A_630 {strides = array<i32>} : memref<64x16xf32, #tpu.memory_space<vmem>>, vector<1x16xf32>,
    %swap3A_631 = arith.constant 50 : i32
    %swap3A_632 = arith.index_cast %swap3A_631 : i32 to index
    %swap3A_633 = arith.constant 0 : index
    %swap3A_634 = tpu.vector_load %arg13[%swap3A_632, %swap3A_633] {strides = array<i32>} : memref<64x16xf32, #tpu.memory_space<vmem>>, vector<1x16xf32>,
    %swap3A_635 = vector.shape_cast %swap3A_634 : vector<1x16xf32> to vector<16xf32>
    %swap3A_636 = vector.shape_cast %broadcast_in_dim3A_23 : vector<16xf32> to vector<1x16xf32>
    tpu.vector_store %arg13[%swap3A_632, %swap3A_633], %swap3A_636 {strides = array<i32>} : memref<64x16xf32, #tpu.memory_space<vmem>>, vector<1x16xf32>,
    %swap3A_637 = arith.constant 51 : i32
    %swap3A_638 = arith.index_cast %swap3A_637 : i32 to index
    %swap3A_639 = arith.constant 0 : index
    %swap3A_640 = tpu.vector_load %arg12[%swap3A_638, %swap3A_639] {strides = array<i32>} : memref<64x16xf32, #tpu.memory_space<vmem>>, vector<1x16xf32>,
    %swap3A_641 = vector.shape_cast %swap3A_640 : vector<1x16xf32> to vector<16xf32>
    %swap3A_642 = vector.shape_cast %broadcast_in_dim3A_23 : vector<16xf32> to vector<1x16xf32>
    tpu.vector_store %arg12[%swap3A_638, %swap3A_639], %swap3A_642 {strides = array<i32>} : memref<64x16xf32, #tpu.memory_space<vmem>>, vector<1x16xf32>,
    %swap3A_643 = arith.constant 51 : i32
    %swap3A_644 = arith.index_cast %swap3A_643 : i32 to index
    %swap3A_645 = arith.constant 0 : index
    %swap3A_646 = tpu.vector_load %arg13[%swap3A_644, %swap3A_645] {strides = array<i32>} : memref<64x16xf32, #tpu.memory_space<vmem>>, vector<1x16xf32>,
    %swap3A_647 = vector.shape_cast %swap3A_646 : vector<1x16xf32> to vector<16xf32>
    %swap3A_648 = vector.shape_cast %broadcast_in_dim3A_23 : vector<16xf32> to vector<1x16xf32>
    tpu.vector_store %arg13[%swap3A_644, %swap3A_645], %swap3A_648 {strides = array<i32>} : memref<64x16xf32, #tpu.memory_space<vmem>>, vector<1x16xf32>,
    %swap3A_649 = arith.constant 52 : i32
    %swap3A_650 = arith.index_cast %swap3A_649 : i32 to index
    %swap3A_651 = arith.constant 0 : index
    %swap3A_652 = tpu.vector_load %arg12[%swap3A_650, %swap3A_651] {strides = array<i32>} : memref<64x16xf32, #tpu.memory_space<vmem>>, vector<1x16xf32>,
    %swap3A_653 = vector.shape_cast %swap3A_652 : vector<1x16xf32> to vector<16xf32>
    %swap3A_654 = vector.shape_cast %broadcast_in_dim3A_23 : vector<16xf32> to vector<1x16xf32>
    tpu.vector_store %arg12[%swap3A_650, %swap3A_651], %swap3A_654 {strides = array<i32>} : memref<64x16xf32, #tpu.memory_space<vmem>>, vector<1x16xf32>,
    %swap3A_655 = arith.constant 52 : i32
    %swap3A_656 = arith.index_cast %swap3A_655 : i32 to index
    %swap3A_657 = arith.constant 0 : index
    %swap3A_658 = tpu.vector_load %arg13[%swap3A_656, %swap3A_657] {strides = array<i32>} : memref<64x16xf32, #tpu.memory_space<vmem>>, vector<1x16xf32>,
    %swap3A_659 = vector.shape_cast %swap3A_658 : vector<1x16xf32> to vector<16xf32>
    %swap3A_660 = vector.shape_cast %broadcast_in_dim3A_23 : vector<16xf32> to vector<1x16xf32>
    tpu.vector_store %arg13[%swap3A_656, %swap3A_657], %swap3A_660 {strides = array<i32>} : memref<64x16xf32, #tpu.memory_space<vmem>>, vector<1x16xf32>,
    %swap3A_661 = arith.constant 53 : i32
    %swap3A_662 = arith.index_cast %swap3A_661 : i32 to index
    %swap3A_663 = arith.constant 0 : index
    %swap3A_664 = tpu.vector_load %arg12[%swap3A_662, %swap3A_663] {strides = array<i32>} : memref<64x16xf32, #tpu.memory_space<vmem>>, vector<1x16xf32>,
    %swap3A_665 = vector.shape_cast %swap3A_664 : vector<1x16xf32> to vector<16xf32>
    %swap3A_666 = vector.shape_cast %broadcast_in_dim3A_23 : vector<16xf32> to vector<1x16xf32>
    tpu.vector_store %arg12[%swap3A_662, %swap3A_663], %swap3A_666 {strides = array<i32>} : memref<64x16xf32, #tpu.memory_space<vmem>>, vector<1x16xf32>,
    %swap3A_667 = arith.constant 53 : i32
    %swap3A_668 = arith.index_cast %swap3A_667 : i32 to index
    %swap3A_669 = arith.constant 0 : index
    %swap3A_670 = tpu.vector_load %arg13[%swap3A_668, %swap3A_669] {strides = array<i32>} : memref<64x16xf32, #tpu.memory_space<vmem>>, vector<1x16xf32>,
    %swap3A_671 = vector.shape_cast %swap3A_670 : vector<1x16xf32> to vector<16xf32>
    %swap3A_672 = vector.shape_cast %broadcast_in_dim3A_23 : vector<16xf32> to vector<1x16xf32>
    tpu.vector_store %arg13[%swap3A_668, %swap3A_669], %swap3A_672 {strides = array<i32>} : memref<64x16xf32, #tpu.memory_space<vmem>>, vector<1x16xf32>,
    %swap3A_673 = arith.constant 54 : i32
    %swap3A_674 = arith.index_cast %swap3A_673 : i32 to index
    %swap3A_675 = arith.constant 0 : index
    %swap3A_676 = tpu.vector_load %arg12[%swap3A_674, %swap3A_675] {strides = array<i32>} : memref<64x16xf32, #tpu.memory_space<vmem>>, vector<1x16xf32>,
    %swap3A_677 = vector.shape_cast %swap3A_676 : vector<1x16xf32> to vector<16xf32>
    %swap3A_678 = vector.shape_cast %broadcast_in_dim3A_23 : vector<16xf32> to vector<1x16xf32>
    tpu.vector_store %arg12[%swap3A_674, %swap3A_675], %swap3A_678 {strides = array<i32>} : memref<64x16xf32, #tpu.memory_space<vmem>>, vector<1x16xf32>,
    %swap3A_679 = arith.constant 54 : i32
    %swap3A_680 = arith.index_cast %swap3A_679 : i32 to index
    %swap3A_681 = arith.constant 0 : index
    %swap3A_682 = tpu.vector_load %arg13[%swap3A_680, %swap3A_681] {strides = array<i32>} : memref<64x16xf32, #tpu.memory_space<vmem>>, vector<1x16xf32>,
    %swap3A_683 = vector.shape_cast %swap3A_682 : vector<1x16xf32> to vector<16xf32>
    %swap3A_684 = vector.shape_cast %broadcast_in_dim3A_23 : vector<16xf32> to vector<1x16xf32>
    tpu.vector_store %arg13[%swap3A_680, %swap3A_681], %swap3A_684 {strides = array<i32>} : memref<64x16xf32, #tpu.memory_space<vmem>>, vector<1x16xf32>,
    %swap3A_685 = arith.constant 55 : i32
    %swap3A_686 = arith.index_cast %swap3A_685 : i32 to index
    %swap3A_687 = arith.constant 0 : index
    %swap3A_688 = tpu.vector_load %arg12[%swap3A_686, %swap3A_687] {strides = array<i32>} : memref<64x16xf32, #tpu.memory_space<vmem>>, vector<1x16xf32>,
    %swap3A_689 = vector.shape_cast %swap3A_688 : vector<1x16xf32> to vector<16xf32>
    %swap3A_690 = vector.shape_cast %broadcast_in_dim3A_23 : vector<16xf32> to vector<1x16xf32>
    tpu.vector_store %arg12[%swap3A_686, %swap3A_687], %swap3A_690 {strides = array<i32>} : memref<64x16xf32, #tpu.memory_space<vmem>>, vector<1x16xf32>,
    %swap3A_691 = arith.constant 55 : i32
    %swap3A_692 = arith.index_cast %swap3A_691 : i32 to index
    %swap3A_693 = arith.constant 0 : index
    %swap3A_694 = tpu.vector_load %arg13[%swap3A_692, %swap3A_693] {strides = array<i32>} : memref<64x16xf32, #tpu.memory_space<vmem>>, vector<1x16xf32>,
    %swap3A_695 = vector.shape_cast %swap3A_694 : vector<1x16xf32> to vector<16xf32>
    %swap3A_696 = vector.shape_cast %broadcast_in_dim3A_23 : vector<16xf32> to vector<1x16xf32>
    tpu.vector_store %arg13[%swap3A_692, %swap3A_693], %swap3A_696 {strides = array<i32>} : memref<64x16xf32, #tpu.memory_space<vmem>>, vector<1x16xf32>,
    %swap3A_697 = arith.constant 56 : i32
    %swap3A_698 = arith.index_cast %swap3A_697 : i32 to index
    %swap3A_699 = arith.constant 0 : index
    %swap3A_700 = tpu.vector_load %arg12[%swap3A_698, %swap3A_699] {strides = array<i32>} : memref<64x16xf32, #tpu.memory_space<vmem>>, vector<1x16xf32>,
    %swap3A_701 = vector.shape_cast %swap3A_700 : vector<1x16xf32> to vector<16xf32>
    %swap3A_702 = vector.shape_cast %broadcast_in_dim3A_23 : vector<16xf32> to vector<1x16xf32>
    tpu.vector_store %arg12[%swap3A_698, %swap3A_699], %swap3A_702 {strides = array<i32>} : memref<64x16xf32, #tpu.memory_space<vmem>>, vector<1x16xf32>,
    %swap3A_703 = arith.constant 56 : i32
    %swap3A_704 = arith.index_cast %swap3A_703 : i32 to index
    %swap3A_705 = arith.constant 0 : index
    %swap3A_706 = tpu.vector_load %arg13[%swap3A_704, %swap3A_705] {strides = array<i32>} : memref<64x16xf32, #tpu.memory_space<vmem>>, vector<1x16xf32>,
    %swap3A_707 = vector.shape_cast %swap3A_706 : vector<1x16xf32> to vector<16xf32>
    %swap3A_708 = vector.shape_cast %broadcast_in_dim3A_23 : vector<16xf32> to vector<1x16xf32>
    tpu.vector_store %arg13[%swap3A_704, %swap3A_705], %swap3A_708 {strides = array<i32>} : memref<64x16xf32, #tpu.memory_space<vmem>>, vector<1x16xf32>,
    %swap3A_709 = arith.constant 57 : i32
    %swap3A_710 = arith.index_cast %swap3A_709 : i32 to index
    %swap3A_711 = arith.constant 0 : index
    %swap3A_712 = tpu.vector_load %arg12[%swap3A_710, %swap3A_711] {strides = array<i32>} : memref<64x16xf32, #tpu.memory_space<vmem>>, vector<1x16xf32>,
    %swap3A_713 = vector.shape_cast %swap3A_712 : vector<1x16xf32> to vector<16xf32>
    %swap3A_714 = vector.shape_cast %broadcast_in_dim3A_23 : vector<16xf32> to vector<1x16xf32>
    tpu.vector_store %arg12[%swap3A_710, %swap3A_711], %swap3A_714 {strides = array<i32>} : memref<64x16xf32, #tpu.memory_space<vmem>>, vector<1x16xf32>,
    %swap3A_715 = arith.constant 57 : i32
    %swap3A_716 = arith.index_cast %swap3A_715 : i32 to index
    %swap3A_717 = arith.constant 0 : index
    %swap3A_718 = tpu.vector_load %arg13[%swap3A_716, %swap3A_717] {strides = array<i32>} : memref<64x16xf32, #tpu.memory_space<vmem>>, vector<1x16xf32>,
    %swap3A_719 = vector.shape_cast %swap3A_718 : vector<1x16xf32> to vector<16xf32>
    %swap3A_720 = vector.shape_cast %broadcast_in_dim3A_23 : vector<16xf32> to vector<1x16xf32>
    tpu.vector_store %arg13[%swap3A_716, %swap3A_717], %swap3A_720 {strides = array<i32>} : memref<64x16xf32, #tpu.memory_space<vmem>>, vector<1x16xf32>,
    %swap3A_721 = arith.constant 58 : i32
    %swap3A_722 = arith.index_cast %swap3A_721 : i32 to index
    %swap3A_723 = arith.constant 0 : index
    %swap3A_724 = tpu.vector_load %arg12[%swap3A_722, %swap3A_723] {strides = array<i32>} : memref<64x16xf32, #tpu.memory_space<vmem>>, vector<1x16xf32>,
    %swap3A_725 = vector.shape_cast %swap3A_724 : vector<1x16xf32> to vector<16xf32>
    %swap3A_726 = vector.shape_cast %broadcast_in_dim3A_23 : vector<16xf32> to vector<1x16xf32>
    tpu.vector_store %arg12[%swap3A_722, %swap3A_723], %swap3A_726 {strides = array<i32>} : memref<64x16xf32, #tpu.memory_space<vmem>>, vector<1x16xf32>,
    %swap3A_727 = arith.constant 58 : i32
    %swap3A_728 = arith.index_cast %swap3A_727 : i32 to index
    %swap3A_729 = arith.constant 0 : index
    %swap3A_730 = tpu.vector_load %arg13[%swap3A_728, %swap3A_729] {strides = array<i32>} : memref<64x16xf32, #tpu.memory_space<vmem>>, vector<1x16xf32>,
    %swap3A_731 = vector.shape_cast %swap3A_730 : vector<1x16xf32> to vector<16xf32>
    %swap3A_732 = vector.shape_cast %broadcast_in_dim3A_23 : vector<16xf32> to vector<1x16xf32>
    tpu.vector_store %arg13[%swap3A_728, %swap3A_729], %swap3A_732 {strides = array<i32>} : memref<64x16xf32, #tpu.memory_space<vmem>>, vector<1x16xf32>,
    %swap3A_733 = arith.constant 59 : i32
    %swap3A_734 = arith.index_cast %swap3A_733 : i32 to index
    %swap3A_735 = arith.constant 0 : index
    %swap3A_736 = tpu.vector_load %arg12[%swap3A_734, %swap3A_735] {strides = array<i32>} : memref<64x16xf32, #tpu.memory_space<vmem>>, vector<1x16xf32>,
    %swap3A_737 = vector.shape_cast %swap3A_736 : vector<1x16xf32> to vector<16xf32>
    %swap3A_738 = vector.shape_cast %broadcast_in_dim3A_23 : vector<16xf32> to vector<1x16xf32>
    tpu.vector_store %arg12[%swap3A_734, %swap3A_735], %swap3A_738 {strides = array<i32>} : memref<64x16xf32, #tpu.memory_space<vmem>>, vector<1x16xf32>,
    %swap3A_739 = arith.constant 59 : i32
    %swap3A_740 = arith.index_cast %swap3A_739 : i32 to index
    %swap3A_741 = arith.constant 0 : index
    %swap3A_742 = tpu.vector_load %arg13[%swap3A_740, %swap3A_741] {strides = array<i32>} : memref<64x16xf32, #tpu.memory_space<vmem>>, vector<1x16xf32>,
    %swap3A_743 = vector.shape_cast %swap3A_742 : vector<1x16xf32> to vector<16xf32>
    %swap3A_744 = vector.shape_cast %broadcast_in_dim3A_23 : vector<16xf32> to vector<1x16xf32>
    tpu.vector_store %arg13[%swap3A_740, %swap3A_741], %swap3A_744 {strides = array<i32>} : memref<64x16xf32, #tpu.memory_space<vmem>>, vector<1x16xf32>,
    %swap3A_745 = arith.constant 60 : i32
    %swap3A_746 = arith.index_cast %swap3A_745 : i32 to index
    %swap3A_747 = arith.constant 0 : index
    %swap3A_748 = tpu.vector_load %arg12[%swap3A_746, %swap3A_747] {strides = array<i32>} : memref<64x16xf32, #tpu.memory_space<vmem>>, vector<1x16xf32>,
    %swap3A_749 = vector.shape_cast %swap3A_748 : vector<1x16xf32> to vector<16xf32>
    %swap3A_750 = vector.shape_cast %broadcast_in_dim3A_23 : vector<16xf32> to vector<1x16xf32>
    tpu.vector_store %arg12[%swap3A_746, %swap3A_747], %swap3A_750 {strides = array<i32>} : memref<64x16xf32, #tpu.memory_space<vmem>>, vector<1x16xf32>,
    %swap3A_751 = arith.constant 60 : i32
    %swap3A_752 = arith.index_cast %swap3A_751 : i32 to index
    %swap3A_753 = arith.constant 0 : index
    %swap3A_754 = tpu.vector_load %arg13[%swap3A_752, %swap3A_753] {strides = array<i32>} : memref<64x16xf32, #tpu.memory_space<vmem>>, vector<1x16xf32>,
    %swap3A_755 = vector.shape_cast %swap3A_754 : vector<1x16xf32> to vector<16xf32>
    %swap3A_756 = vector.shape_cast %broadcast_in_dim3A_23 : vector<16xf32> to vector<1x16xf32>
    tpu.vector_store %arg13[%swap3A_752, %swap3A_753], %swap3A_756 {strides = array<i32>} : memref<64x16xf32, #tpu.memory_space<vmem>>, vector<1x16xf32>,
    %swap3A_757 = arith.constant 61 : i32
    %swap3A_758 = arith.index_cast %swap3A_757 : i32 to index
    %swap3A_759 = arith.constant 0 : index
    %swap3A_760 = tpu.vector_load %arg12[%swap3A_758, %swap3A_759] {strides = array<i32>} : memref<64x16xf32, #tpu.memory_space<vmem>>, vector<1x16xf32>,
    %swap3A_761 = vector.shape_cast %swap3A_760 : vector<1x16xf32> to vector<16xf32>
    %swap3A_762 = vector.shape_cast %broadcast_in_dim3A_23 : vector<16xf32> to vector<1x16xf32>
    tpu.vector_store %arg12[%swap3A_758, %swap3A_759], %swap3A_762 {strides = array<i32>} : memref<64x16xf32, #tpu.memory_space<vmem>>, vector<1x16xf32>,
    %swap3A_763 = arith.constant 61 : i32
    %swap3A_764 = arith.index_cast %swap3A_763 : i32 to index
    %swap3A_765 = arith.constant 0 : index
    %swap3A_766 = tpu.vector_load %arg13[%swap3A_764, %swap3A_765] {strides = array<i32>} : memref<64x16xf32, #tpu.memory_space<vmem>>, vector<1x16xf32>,
    %swap3A_767 = vector.shape_cast %swap3A_766 : vector<1x16xf32> to vector<16xf32>
    %swap3A_768 = vector.shape_cast %broadcast_in_dim3A_23 : vector<16xf32> to vector<1x16xf32>
    tpu.vector_store %arg13[%swap3A_764, %swap3A_765], %swap3A_768 {strides = array<i32>} : memref<64x16xf32, #tpu.memory_space<vmem>>, vector<1x16xf32>,
    %swap3A_769 = arith.constant 62 : i32
    %swap3A_770 = arith.index_cast %swap3A_769 : i32 to index
    %swap3A_771 = arith.constant 0 : index
    %swap3A_772 = tpu.vector_load %arg12[%swap3A_770, %swap3A_771] {strides = array<i32>} : memref<64x16xf32, #tpu.memory_space<vmem>>, vector<1x16xf32>,
    %swap3A_773 = vector.shape_cast %swap3A_772 : vector<1x16xf32> to vector<16xf32>
    %swap3A_774 = vector.shape_cast %broadcast_in_dim3A_23 : vector<16xf32> to vector<1x16xf32>
    tpu.vector_store %arg12[%swap3A_770, %swap3A_771], %swap3A_774 {strides = array<i32>} : memref<64x16xf32, #tpu.memory_space<vmem>>, vector<1x16xf32>,
    %swap3A_775 = arith.constant 62 : i32
    %swap3A_776 = arith.index_cast %swap3A_775 : i32 to index
    %swap3A_777 = arith.constant 0 : index
    %swap3A_778 = tpu.vector_load %arg13[%swap3A_776, %swap3A_777] {strides = array<i32>} : memref<64x16xf32, #tpu.memory_space<vmem>>, vector<1x16xf32>,
    %swap3A_779 = vector.shape_cast %swap3A_778 : vector<1x16xf32> to vector<16xf32>
    %swap3A_780 = vector.shape_cast %broadcast_in_dim3A_23 : vector<16xf32> to vector<1x16xf32>
    tpu.vector_store %arg13[%swap3A_776, %swap3A_777], %swap3A_780 {strides = array<i32>} : memref<64x16xf32, #tpu.memory_space<vmem>>, vector<1x16xf32>,
    %swap3A_781 = arith.constant 63 : i32
    %swap3A_782 = arith.index_cast %swap3A_781 : i32 to index
    %swap3A_783 = arith.constant 0 : index
    %swap3A_784 = tpu.vector_load %arg12[%swap3A_782, %swap3A_783] {strides = array<i32>} : memref<64x16xf32, #tpu.memory_space<vmem>>, vector<1x16xf32>,
    %swap3A_785 = vector.shape_cast %swap3A_784 : vector<1x16xf32> to vector<16xf32>
    %swap3A_786 = vector.shape_cast %broadcast_in_dim3A_23 : vector<16xf32> to vector<1x16xf32>
    tpu.vector_store %arg12[%swap3A_782, %swap3A_783], %swap3A_786 {strides = array<i32>} : memref<64x16xf32, #tpu.memory_space<vmem>>, vector<1x16xf32>,
    %swap3A_787 = arith.constant 63 : i32
    %swap3A_788 = arith.index_cast %swap3A_787 : i32 to index
    %swap3A_789 = arith.constant 0 : index
    %swap3A_790 = tpu.vector_load %arg13[%swap3A_788, %swap3A_789] {strides = array<i32>} : memref<64x16xf32, #tpu.memory_space<vmem>>, vector<1x16xf32>,
    %swap3A_791 = vector.shape_cast %swap3A_790 : vector<1x16xf32> to vector<16xf32>
    %swap3A_792 = vector.shape_cast %broadcast_in_dim3A_23 : vector<16xf32> to vector<1x16xf32>
    tpu.vector_store %arg13[%swap3A_788, %swap3A_789], %swap3A_792 {strides = array<i32>} : memref<64x16xf32, #tpu.memory_space<vmem>>, vector<1x16xf32>,
    %get3A = arith.constant 0 : index
    %get3A_793 = tpu.vector_load %arg11[%get3A] {strides = array<i32>} : memref<128xf32, #tpu.memory_space<vmem>>, vector<16xf32>,
    %get3A_794 = vector.shape_cast %get3A_793 : vector<16xf32> to vector<16xf32>
    %get3A_795 = arith.constant 16 : index
    %get3A_796 = tpu.vector_load %arg11[%get3A_795] {strides = array<i32>} : memref<128xf32, #tpu.memory_space<vmem>>, vector<16xf32>,
    %get3A_797 = vector.shape_cast %get3A_796 : vector<16xf32> to vector<16xf32>
    %get3A_798 = arith.constant 32 : index
    %get3A_799 = tpu.vector_load %arg11[%get3A_798] {strides = array<i32>} : memref<128xf32, #tpu.memory_space<vmem>>, vector<16xf32>,
    %get3A_800 = vector.shape_cast %get3A_799 : vector<16xf32> to vector<16xf32>
    %get3A_801 = arith.constant 48 : index
    %get3A_802 = tpu.vector_load %arg11[%get3A_801] {strides = array<i32>} : memref<128xf32, #tpu.memory_space<vmem>>, vector<16xf32>,
    %get3A_803 = vector.shape_cast %get3A_802 : vector<16xf32> to vector<16xf32>
    %get3A_804 = arith.constant 64 : index
    %get3A_805 = tpu.vector_load %arg11[%get3A_804] {strides = array<i32>} : memref<128xf32, #tpu.memory_space<vmem>>, vector<16xf32>,
    %get3A_806 = vector.shape_cast %get3A_805 : vector<16xf32> to vector<16xf32>
    %get3A_807 = arith.constant 80 : index
    %get3A_808 = tpu.vector_load %arg11[%get3A_807] {strides = array<i32>} : memref<128xf32, #tpu.memory_space<vmem>>, vector<16xf32>,
    %get3A_809 = vector.shape_cast %get3A_808 : vector<16xf32> to vector<16xf32>
    %get3A_810 = arith.constant 96 : index
    %get3A_811 = tpu.vector_load %arg11[%get3A_810] {strides = array<i32>} : memref<128xf32, #tpu.memory_space<vmem>>, vector<16xf32>,
    %get3A_812 = vector.shape_cast %get3A_811 : vector<16xf32> to vector<16xf32>
    %get3A_813 = arith.constant 112 : index
    %get3A_814 = tpu.vector_load %arg11[%get3A_813] {strides = array<i32>} : memref<128xf32, #tpu.memory_space<vmem>>, vector<16xf32>,
    %get3A_815 = vector.shape_cast %get3A_814 : vector<16xf32> to vector<16xf32>
    %add3A_816 = arith.constant 0 : i32
    %add3A_817 = arith.addi %mul3A_22, %add3A_816 : i32
    %min3A = arith.constant 199744 : i32
    %min3A_818 = arith.minsi %add3A_817, %min3A : i32
    %dma_start3A = arith.constant 0 : i32
    %dma_start3A_819 = tpu.memref_slice %arg2[%min3A_818, %dma_start3A] : memref<200000x128xf32, #tpu.memory_space<hbm>> -> memref<256x128xf32, #tpu.memory_space<hbm>>
    %dma_start3A_820 = arith.constant 0 : i32
    %dma_start3A_821 = tpu.memref_slice %arg2[%min3A_818, %dma_start3A_820] : memref<200000x128xf32, #tpu.memory_space<hbm>> -> memref<256x128xf32, #tpu.memory_space<hbm>>
    tpu.enqueue_dma source(%dma_start3A_821 : memref<256x128xf32, #tpu.memory_space<hbm>>) target(%arg7 : memref<256x128xf32, #tpu.memory_space<vmem>>) target_semaphore(%arg14 : memref<!tpu.dma_semaphore, #tpu.memory_space<semaphore_mem>>)
    %dma_start3A_822 = arith.constant 0 : i32
    %dma_start3A_823 = tpu.memref_slice %arg9[%dma_start3A_822] : memref<272xi32, #tpu.memory_space<vmem>> -> memref<256xi32, #tpu.memory_space<vmem>>
    %dma_start3A_824 = tpu.memref_slice %arg3[%min3A_818] : memref<200000xi32, #tpu.memory_space<hbm>> -> memref<256xi32, #tpu.memory_space<hbm>>
    %dma_start3A_825 = arith.constant 0 : i32
    %dma_start3A_826 = tpu.memref_slice %arg9[%dma_start3A_825] : memref<272xi32, #tpu.memory_space<vmem>> -> memref<256xi32, #tpu.memory_space<vmem>>
    %dma_start3A_827 = tpu.memref_slice %arg3[%min3A_818] : memref<200000xi32, #tpu.memory_space<hbm>> -> memref<256xi32, #tpu.memory_space<hbm>>
    tpu.enqueue_dma source(%dma_start3A_827 : memref<256xi32, #tpu.memory_space<hbm>>) target(%dma_start3A_826 : memref<256xi32, #tpu.memory_space<vmem>>) target_semaphore(%arg15 : memref<!tpu.dma_semaphore, #tpu.memory_space<semaphore_mem>>)
    %scan3A = arith.constant 0 : i32
    %scan3A_828 = arith.constant 0 : i32
    %scan3A_829 = arith.constant 4 : i32
    %scan3A_830 = arith.addi %scan3A_828, %scan3A_829 : i32
    %scan3A_831 = arith.constant 1 : i32
    %scan3A_832 = scf.for %scan3A_834 = %scan3A_828 to %scan3A_830 step %scan3A_831 iter_args(%scan3A_835 = %scan3A) -> (i32)  : i32 {
      %mul3A_836 = arith.constant 2 : i32
      %mul3A_837 = arith.muli %mul3A_836, %scan3A_834 : i32
      %add3A_838 = arith.constant 0 : i32
      %add3A_839 = arith.addi %mul3A_837, %add3A_838 : i32
      %add3A_840 = arith.constant 1 : i32
      %add3A_841 = arith.addi %add3A_839, %add3A_840 : i32
      %lt3A = arith.constant 8 : i32
      %lt3A_842 = arith.cmpi slt, %add3A_841, %lt3A : i32
      %convert_element_type3A = arith.extui %lt3A_842 : i1 to i32
      %cond3A = arith.constant 0 : i32
      %cond3A_843 = arith.cmpi ne, %convert_element_type3A, %cond3A : i32
      scf.if %cond3A_843 {
        %add3A_905 = arith.constant 1 : i32
        %add3A_906 = arith.addi %add3A_839, %add3A_905 : i32
        %mul3A_907 = arith.constant 256 : i32
        %mul3A_908 = arith.muli %add3A_906, %mul3A_907 : i32
        %add3A_909 = arith.addi %mul3A_22, %mul3A_908 : i32
        %min3A_910 = arith.constant 199744 : i32
        %min3A_911 = arith.minsi %add3A_909, %min3A_910 : i32
        %dma_start3A_912 = arith.constant 0 : i32
        %dma_start3A_913 = tpu.memref_slice %arg2[%min3A_911, %dma_start3A_912] : memref<200000x128xf32, #tpu.memory_space<hbm>> -> memref<256x128xf32, #tpu.memory_space<hbm>>
        %dma_start3A_914 = arith.constant 0 : i32
        %dma_start3A_915 = tpu.memref_slice %arg2[%min3A_911, %dma_start3A_914] : memref<200000x128xf32, #tpu.memory_space<hbm>> -> memref<256x128xf32, #tpu.memory_space<hbm>>
        tpu.enqueue_dma source(%dma_start3A_915 : memref<256x128xf32, #tpu.memory_space<hbm>>) target(%arg8 : memref<256x128xf32, #tpu.memory_space<vmem>>) target_semaphore(%arg16 : memref<!tpu.dma_semaphore, #tpu.memory_space<semaphore_mem>>)
        %dma_start3A_916 = arith.constant 0 : i32
        %dma_start3A_917 = tpu.memref_slice %arg10[%dma_start3A_916] : memref<272xi32, #tpu.memory_space<vmem>> -> memref<256xi32, #tpu.memory_space<vmem>>
        %dma_start3A_918 = tpu.memref_slice %arg3[%min3A_911] : memref<200000xi32, #tpu.memory_space<hbm>> -> memref<256xi32, #tpu.memory_space<hbm>>
        %dma_start3A_919 = arith.constant 0 : i32
        %dma_start3A_920 = tpu.memref_slice %arg10[%dma_start3A_919] : memref<272xi32, #tpu.memory_space<vmem>> -> memref<256xi32, #tpu.memory_space<vmem>>
        %dma_start3A_921 = tpu.memref_slice %arg3[%min3A_911] : memref<200000xi32, #tpu.memory_space<hbm>> -> memref<256xi32, #tpu.memory_space<hbm>>
        tpu.enqueue_dma source(%dma_start3A_921 : memref<256xi32, #tpu.memory_space<hbm>>) target(%dma_start3A_920 : memref<256xi32, #tpu.memory_space<vmem>>) target_semaphore(%arg17 : memref<!tpu.dma_semaphore, #tpu.memory_space<semaphore_mem>>)
      } else {
      }
      %dma_wait3A = arith.constant 0 : i32
      %dma_wait3A_844 = arith.constant 0 : i32
      %dma_wait3A_845 = tpu.memref_slice %arg2[%dma_wait3A, %dma_wait3A_844] : memref<200000x128xf32, #tpu.memory_space<hbm>> -> memref<256x128xf32, #tpu.memory_space<hbm>>
      %dma_wait3A_846 = arith.constant 0 : i32
      %dma_wait3A_847 = arith.constant 0 : i32
      %dma_wait3A_848 = tpu.memref_slice %arg2[%dma_wait3A_846, %dma_wait3A_847] : memref<200000x128xf32, #tpu.memory_space<hbm>> -> memref<256x128xf32, #tpu.memory_space<hbm>>
      tpu.wait_dma2 semaphore(%arg14 : memref<!tpu.dma_semaphore, #tpu.memory_space<semaphore_mem>>) src(%dma_wait3A_848 : memref<256x128xf32, #tpu.memory_space<hbm>>) dst(%arg7 : memref<256x128xf32, #tpu.memory_space<vmem>>)
      %dma_wait3A_849 = arith.constant 0 : i32
      %dma_wait3A_850 = tpu.memref_slice %arg9[%dma_wait3A_849] : memref<272xi32, #tpu.memory_space<vmem>> -> memref<256xi32, #tpu.memory_space<vmem>>
      %dma_wait3A_851 = arith.constant 0 : i32
      %dma_wait3A_852 = tpu.memref_slice %arg3[%dma_wait3A_851] : memref<200000xi32, #tpu.memory_space<hbm>> -> memref<256xi32, #tpu.memory_space<hbm>>
      %dma_wait3A_853 = arith.constant 0 : i32
      %dma_wait3A_854 = tpu.memref_slice %arg9[%dma_wait3A_853] : memref<272xi32, #tpu.memory_space<vmem>> -> memref<256xi32, #tpu.memory_space<vmem>>
      %dma_wait3A_855 = arith.constant 0 : i32
      %dma_wait3A_856 = tpu.memref_slice %arg3[%dma_wait3A_855] : memref<200000xi32, #tpu.memory_space<hbm>> -> memref<256xi32, #tpu.memory_space<hbm>>
      tpu.wait_dma2 semaphore(%arg15 : memref<!tpu.dma_semaphore, #tpu.memory_space<semaphore_mem>>) src(%dma_wait3A_856 : memref<256xi32, #tpu.memory_space<hbm>>) dst(%dma_wait3A_854 : memref<256xi32, #tpu.memory_space<vmem>>)
      %mul3A_857 = arith.constant 256 : i32
      %mul3A_858 = arith.muli %add3A_839, %mul3A_857 : i32
      %add3A_859 = arith.addi %mul3A_22, %mul3A_858 : i32
      %min3A_860 = arith.constant 199744 : i32
      %min3A_861 = arith.minsi %add3A_859, %min3A_860 : i32
      %max3A = arith.maxsi %mul3A_2, %add3A_859 : i32
      %sub3A_862 = arith.subi %max3A, %min3A_861 : i32
      %add3A_863 = arith.constant 256 : i32
      %add3A_864 = arith.addi %add3A_859, %add3A_863 : i32
      %min3A_865 = arith.minsi %add3A_4, %add3A_864 : i32
      %sub3A_866 = arith.subi %min3A_865, %min3A_861 : i32
      %parallel_loop3A = arith.constant 1 : i32
      scf.for %parallel_loop3A_905 = %sub3A_862 to %sub3A_866 step %parallel_loop3A  : i32 {
        %parallel_loop3A_906 = arith.index_cast %parallel_loop3A_905 : i32 to index
        %parallel_loop3A_907 = tpu.vector_load %arg9[%parallel_loop3A_906] {strides = array<i32>} : memref<272xi32, #tpu.memory_space<vmem>>, vector<16xi32>,
        %parallel_loop3A_908 = vector.shape_cast %parallel_loop3A_907 : vector<16xi32> to vector<16xi32>
        %parallel_loop3A_909 = vector.extract_strided_slice %parallel_loop3A_908 {offsets = [0], sizes = [1], strides = [1]} : vector<16xi32> to vector<1xi32>
        %parallel_loop3A_910 = vector.extract %parallel_loop3A_909[0] : i32 from vector<1xi32>
        %parallel_loop3A_911 = arith.index_cast %parallel_loop3A_905 : i32 to index
        %parallel_loop3A_912 = arith.constant 0 : index
        %parallel_loop3A_913 = tpu.vector_load %arg7[%parallel_loop3A_911, %parallel_loop3A_912] {strides = array<i32>} : memref<256x128xf32, #tpu.memory_space<vmem>>, vector<1x16xf32>,
        %parallel_loop3A_914 = vector.shape_cast %parallel_loop3A_913 : vector<1x16xf32> to vector<16xf32>
        %parallel_loop3A_915 = arith.mulf %parallel_loop3A_914, %get3A_794 : vector<16xf32>
        %parallel_loop3A_916 = arith.index_cast %parallel_loop3A_905 : i32 to index
        %parallel_loop3A_917 = arith.constant 16 : index
        %parallel_loop3A_918 = tpu.vector_load %arg7[%parallel_loop3A_916, %parallel_loop3A_917] {strides = array<i32>} : memref<256x128xf32, #tpu.memory_space<vmem>>, vector<1x16xf32>,
        %parallel_loop3A_919 = vector.shape_cast %parallel_loop3A_918 : vector<1x16xf32> to vector<16xf32>
        %parallel_loop3A_920 = arith.mulf %parallel_loop3A_919, %get3A_797 : vector<16xf32>
        %parallel_loop3A_921 = arith.index_cast %parallel_loop3A_905 : i32 to index
        %parallel_loop3A_922 = arith.constant 32 : index
        %parallel_loop3A_923 = tpu.vector_load %arg7[%parallel_loop3A_921, %parallel_loop3A_922] {strides = array<i32>} : memref<256x128xf32, #tpu.memory_space<vmem>>, vector<1x16xf32>,
        %parallel_loop3A_924 = vector.shape_cast %parallel_loop3A_923 : vector<1x16xf32> to vector<16xf32>
        %parallel_loop3A_925 = arith.mulf %parallel_loop3A_924, %get3A_800 : vector<16xf32>
        %parallel_loop3A_926 = arith.index_cast %parallel_loop3A_905 : i32 to index
        %parallel_loop3A_927 = arith.constant 48 : index
        %parallel_loop3A_928 = tpu.vector_load %arg7[%parallel_loop3A_926, %parallel_loop3A_927] {strides = array<i32>} : memref<256x128xf32, #tpu.memory_space<vmem>>, vector<1x16xf32>,
        %parallel_loop3A_929 = vector.shape_cast %parallel_loop3A_928 : vector<1x16xf32> to vector<16xf32>
        %parallel_loop3A_930 = arith.mulf %parallel_loop3A_929, %get3A_803 : vector<16xf32>
        %parallel_loop3A_931 = arith.index_cast %parallel_loop3A_905 : i32 to index
        %parallel_loop3A_932 = arith.constant 64 : index
        %parallel_loop3A_933 = tpu.vector_load %arg7[%parallel_loop3A_931, %parallel_loop3A_932] {strides = array<i32>} : memref<256x128xf32, #tpu.memory_space<vmem>>, vector<1x16xf32>,
        %parallel_loop3A_934 = vector.shape_cast %parallel_loop3A_933 : vector<1x16xf32> to vector<16xf32>
        %parallel_loop3A_935 = arith.mulf %parallel_loop3A_934, %get3A_806 : vector<16xf32>
        %parallel_loop3A_936 = arith.index_cast %parallel_loop3A_905 : i32 to index
        %parallel_loop3A_937 = arith.constant 80 : index
        %parallel_loop3A_938 = tpu.vector_load %arg7[%parallel_loop3A_936, %parallel_loop3A_937] {strides = array<i32>} : memref<256x128xf32, #tpu.memory_space<vmem>>, vector<1x16xf32>,
        %parallel_loop3A_939 = vector.shape_cast %parallel_loop3A_938 : vector<1x16xf32> to vector<16xf32>
        %parallel_loop3A_940 = arith.mulf %parallel_loop3A_939, %get3A_809 : vector<16xf32>
        %parallel_loop3A_941 = arith.index_cast %parallel_loop3A_905 : i32 to index
        %parallel_loop3A_942 = arith.constant 96 : index
        %parallel_loop3A_943 = tpu.vector_load %arg7[%parallel_loop3A_941, %parallel_loop3A_942] {strides = array<i32>} : memref<256x128xf32, #tpu.memory_space<vmem>>, vector<1x16xf32>,
        %parallel_loop3A_944 = vector.shape_cast %parallel_loop3A_943 : vector<1x16xf32> to vector<16xf32>
        %parallel_loop3A_945 = arith.mulf %parallel_loop3A_944, %get3A_812 : vector<16xf32>
        %parallel_loop3A_946 = arith.index_cast %parallel_loop3A_905 : i32 to index
        %parallel_loop3A_947 = arith.constant 112 : index
        %parallel_loop3A_948 = tpu.vector_load %arg7[%parallel_loop3A_946, %parallel_loop3A_947] {strides = array<i32>} : memref<256x128xf32, #tpu.memory_space<vmem>>, vector<1x16xf32>,
        %parallel_loop3A_949 = vector.shape_cast %parallel_loop3A_948 : vector<1x16xf32> to vector<16xf32>
        %parallel_loop3A_950 = arith.mulf %parallel_loop3A_949, %get3A_815 : vector<16xf32>
        %parallel_loop3A_951 = arith.addf %parallel_loop3A_915, %parallel_loop3A_920 : vector<16xf32>
        %parallel_loop3A_952 = arith.addf %parallel_loop3A_925, %parallel_loop3A_930 : vector<16xf32>
        %parallel_loop3A_953 = arith.addf %parallel_loop3A_935, %parallel_loop3A_940 : vector<16xf32>
        %parallel_loop3A_954 = arith.addf %parallel_loop3A_945, %parallel_loop3A_950 : vector<16xf32>
        %parallel_loop3A_955 = arith.addf %parallel_loop3A_951, %parallel_loop3A_952 : vector<16xf32>
        %parallel_loop3A_956 = arith.addf %parallel_loop3A_953, %parallel_loop3A_954 : vector<16xf32>
        %parallel_loop3A_957 = arith.addf %parallel_loop3A_955, %parallel_loop3A_956 : vector<16xf32>
        %parallel_loop3A_958 = arith.index_cast %parallel_loop3A_910 : i32 to index
        %parallel_loop3A_959 = arith.constant 0 : index
        %parallel_loop3A_960 = tpu.vector_load %arg12[%parallel_loop3A_958, %parallel_loop3A_959] {strides = array<i32>} : memref<64x16xf32, #tpu.memory_space<vmem>>, vector<1x16xf32>,
        %parallel_loop3A_961 = vector.shape_cast %parallel_loop3A_960 : vector<1x16xf32> to vector<16xf32>
        %parallel_loop3A_962 = vector.shape_cast %parallel_loop3A_957 : vector<16xf32> to vector<1x16xf32>
        tpu.vector_store %arg12[%parallel_loop3A_958, %parallel_loop3A_959], %parallel_loop3A_962 {add = true, strides = array<i32>} : memref<64x16xf32, #tpu.memory_space<vmem>>, vector<1x16xf32>,
        %parallel_loop3A_963 = arith.index_cast %parallel_loop3A_910 : i32 to index
        %parallel_loop3A_964 = arith.constant 0 : index
        %parallel_loop3A_965 = tpu.vector_load %arg13[%parallel_loop3A_963, %parallel_loop3A_964] {strides = array<i32>} : memref<64x16xf32, #tpu.memory_space<vmem>>, vector<1x16xf32>,
        %parallel_loop3A_966 = vector.shape_cast %parallel_loop3A_965 : vector<1x16xf32> to vector<16xf32>
        %parallel_loop3A_967 = vector.shape_cast %broadcast_in_dim3A_25 : vector<16xf32> to vector<1x16xf32>
        tpu.vector_store %arg13[%parallel_loop3A_963, %parallel_loop3A_964], %parallel_loop3A_967 {add = true, strides = array<i32>} : memref<64x16xf32, #tpu.memory_space<vmem>>, vector<1x16xf32>,
      } {sc.loop_unroll_factor = 16 : i64, sc.parallel_access}
      %mul3A_867 = arith.constant 2 : i32
      %mul3A_868 = arith.muli %mul3A_867, %scan3A_834 : i32
      %add3A_869 = arith.constant 1 : i32
      %add3A_870 = arith.addi %mul3A_868, %add3A_869 : i32
      %add3A_871 = arith.constant 1 : i32
      %add3A_872 = arith.addi %add3A_870, %add3A_871 : i32
      %lt3A_873 = arith.constant 8 : i32
      %lt3A_874 = arith.cmpi slt, %add3A_872, %lt3A_873 : i32
      %convert_element_type3A_875 = arith.extui %lt3A_874 : i1 to i32
      %cond3A_876 = arith.constant 0 : i32
      %cond3A_877 = arith.cmpi ne, %convert_element_type3A_875, %cond3A_876 : i32
      scf.if %cond3A_877 {
        %add3A_905 = arith.constant 1 : i32
        %add3A_906 = arith.addi %add3A_870, %add3A_905 : i32
        %mul3A_907 = arith.constant 256 : i32
        %mul3A_908 = arith.muli %add3A_906, %mul3A_907 : i32
        %add3A_909 = arith.addi %mul3A_22, %mul3A_908 : i32
        %min3A_910 = arith.constant 199744 : i32
        %min3A_911 = arith.minsi %add3A_909, %min3A_910 : i32
        %dma_start3A_912 = arith.constant 0 : i32
        %dma_start3A_913 = tpu.memref_slice %arg2[%min3A_911, %dma_start3A_912] : memref<200000x128xf32, #tpu.memory_space<hbm>> -> memref<256x128xf32, #tpu.memory_space<hbm>>
        %dma_start3A_914 = arith.constant 0 : i32
        %dma_start3A_915 = tpu.memref_slice %arg2[%min3A_911, %dma_start3A_914] : memref<200000x128xf32, #tpu.memory_space<hbm>> -> memref<256x128xf32, #tpu.memory_space<hbm>>
        tpu.enqueue_dma source(%dma_start3A_915 : memref<256x128xf32, #tpu.memory_space<hbm>>) target(%arg7 : memref<256x128xf32, #tpu.memory_space<vmem>>) target_semaphore(%arg14 : memref<!tpu.dma_semaphore, #tpu.memory_space<semaphore_mem>>)
        %dma_start3A_916 = arith.constant 0 : i32
        %dma_start3A_917 = tpu.memref_slice %arg9[%dma_start3A_916] : memref<272xi32, #tpu.memory_space<vmem>> -> memref<256xi32, #tpu.memory_space<vmem>>
        %dma_start3A_918 = tpu.memref_slice %arg3[%min3A_911] : memref<200000xi32, #tpu.memory_space<hbm>> -> memref<256xi32, #tpu.memory_space<hbm>>
        %dma_start3A_919 = arith.constant 0 : i32
        %dma_start3A_920 = tpu.memref_slice %arg9[%dma_start3A_919] : memref<272xi32, #tpu.memory_space<vmem>> -> memref<256xi32, #tpu.memory_space<vmem>>
        %dma_start3A_921 = tpu.memref_slice %arg3[%min3A_911] : memref<200000xi32, #tpu.memory_space<hbm>> -> memref<256xi32, #tpu.memory_space<hbm>>
        tpu.enqueue_dma source(%dma_start3A_921 : memref<256xi32, #tpu.memory_space<hbm>>) target(%dma_start3A_920 : memref<256xi32, #tpu.memory_space<vmem>>) target_semaphore(%arg15 : memref<!tpu.dma_semaphore, #tpu.memory_space<semaphore_mem>>)
      } else {
      }
      %dma_wait3A_878 = arith.constant 0 : i32
      %dma_wait3A_879 = arith.constant 0 : i32
      %dma_wait3A_880 = tpu.memref_slice %arg2[%dma_wait3A_878, %dma_wait3A_879] : memref<200000x128xf32, #tpu.memory_space<hbm>> -> memref<256x128xf32, #tpu.memory_space<hbm>>
      %dma_wait3A_881 = arith.constant 0 : i32
      %dma_wait3A_882 = arith.constant 0 : i32
      %dma_wait3A_883 = tpu.memref_slice %arg2[%dma_wait3A_881, %dma_wait3A_882] : memref<200000x128xf32, #tpu.memory_space<hbm>> -> memref<256x128xf32, #tpu.memory_space<hbm>>
      tpu.wait_dma2 semaphore(%arg16 : memref<!tpu.dma_semaphore, #tpu.memory_space<semaphore_mem>>) src(%dma_wait3A_883 : memref<256x128xf32, #tpu.memory_space<hbm>>) dst(%arg8 : memref<256x128xf32, #tpu.memory_space<vmem>>)
      %dma_wait3A_884 = arith.constant 0 : i32
      %dma_wait3A_885 = tpu.memref_slice %arg10[%dma_wait3A_884] : memref<272xi32, #tpu.memory_space<vmem>> -> memref<256xi32, #tpu.memory_space<vmem>>
      %dma_wait3A_886 = arith.constant 0 : i32
      %dma_wait3A_887 = tpu.memref_slice %arg3[%dma_wait3A_886] : memref<200000xi32, #tpu.memory_space<hbm>> -> memref<256xi32, #tpu.memory_space<hbm>>
      %dma_wait3A_888 = arith.constant 0 : i32
      %dma_wait3A_889 = tpu.memref_slice %arg10[%dma_wait3A_888] : memref<272xi32, #tpu.memory_space<vmem>> -> memref<256xi32, #tpu.memory_space<vmem>>
      %dma_wait3A_890 = arith.constant 0 : i32
      %dma_wait3A_891 = tpu.memref_slice %arg3[%dma_wait3A_890] : memref<200000xi32, #tpu.memory_space<hbm>> -> memref<256xi32, #tpu.memory_space<hbm>>
      tpu.wait_dma2 semaphore(%arg17 : memref<!tpu.dma_semaphore, #tpu.memory_space<semaphore_mem>>) src(%dma_wait3A_891 : memref<256xi32, #tpu.memory_space<hbm>>) dst(%dma_wait3A_889 : memref<256xi32, #tpu.memory_space<vmem>>)
      %mul3A_892 = arith.constant 256 : i32
      %mul3A_893 = arith.muli %add3A_870, %mul3A_892 : i32
      %add3A_894 = arith.addi %mul3A_22, %mul3A_893 : i32
      %min3A_895 = arith.constant 199744 : i32
      %min3A_896 = arith.minsi %add3A_894, %min3A_895 : i32
      %max3A_897 = arith.maxsi %mul3A_2, %add3A_894 : i32
      %sub3A_898 = arith.subi %max3A_897, %min3A_896 : i32
      %add3A_899 = arith.constant 256 : i32
      %add3A_900 = arith.addi %add3A_894, %add3A_899 : i32
      %min3A_901 = arith.minsi %add3A_4, %add3A_900 : i32
      %sub3A_902 = arith.subi %min3A_901, %min3A_896 : i32
      %parallel_loop3A_903 = arith.constant 1 : i32
      scf.for %parallel_loop3A_905 = %sub3A_898 to %sub3A_902 step %parallel_loop3A_903  : i32 {
        %parallel_loop3A_906 = arith.index_cast %parallel_loop3A_905 : i32 to index
        %parallel_loop3A_907 = tpu.vector_load %arg10[%parallel_loop3A_906] {strides = array<i32>} : memref<272xi32, #tpu.memory_space<vmem>>, vector<16xi32>,
        %parallel_loop3A_908 = vector.shape_cast %parallel_loop3A_907 : vector<16xi32> to vector<16xi32>
        %parallel_loop3A_909 = vector.extract_strided_slice %parallel_loop3A_908 {offsets = [0], sizes = [1], strides = [1]} : vector<16xi32> to vector<1xi32>
        %parallel_loop3A_910 = vector.extract %parallel_loop3A_909[0] : i32 from vector<1xi32>
        %parallel_loop3A_911 = arith.index_cast %parallel_loop3A_905 : i32 to index
        %parallel_loop3A_912 = arith.constant 0 : index
        %parallel_loop3A_913 = tpu.vector_load %arg8[%parallel_loop3A_911, %parallel_loop3A_912] {strides = array<i32>} : memref<256x128xf32, #tpu.memory_space<vmem>>, vector<1x16xf32>,
        %parallel_loop3A_914 = vector.shape_cast %parallel_loop3A_913 : vector<1x16xf32> to vector<16xf32>
        %parallel_loop3A_915 = arith.mulf %parallel_loop3A_914, %get3A_794 : vector<16xf32>
        %parallel_loop3A_916 = arith.index_cast %parallel_loop3A_905 : i32 to index
        %parallel_loop3A_917 = arith.constant 16 : index
        %parallel_loop3A_918 = tpu.vector_load %arg8[%parallel_loop3A_916, %parallel_loop3A_917] {strides = array<i32>} : memref<256x128xf32, #tpu.memory_space<vmem>>, vector<1x16xf32>,
        %parallel_loop3A_919 = vector.shape_cast %parallel_loop3A_918 : vector<1x16xf32> to vector<16xf32>
        %parallel_loop3A_920 = arith.mulf %parallel_loop3A_919, %get3A_797 : vector<16xf32>
        %parallel_loop3A_921 = arith.index_cast %parallel_loop3A_905 : i32 to index
        %parallel_loop3A_922 = arith.constant 32 : index
        %parallel_loop3A_923 = tpu.vector_load %arg8[%parallel_loop3A_921, %parallel_loop3A_922] {strides = array<i32>} : memref<256x128xf32, #tpu.memory_space<vmem>>, vector<1x16xf32>,
        %parallel_loop3A_924 = vector.shape_cast %parallel_loop3A_923 : vector<1x16xf32> to vector<16xf32>
        %parallel_loop3A_925 = arith.mulf %parallel_loop3A_924, %get3A_800 : vector<16xf32>
        %parallel_loop3A_926 = arith.index_cast %parallel_loop3A_905 : i32 to index
        %parallel_loop3A_927 = arith.constant 48 : index
        %parallel_loop3A_928 = tpu.vector_load %arg8[%parallel_loop3A_926, %parallel_loop3A_927] {strides = array<i32>} : memref<256x128xf32, #tpu.memory_space<vmem>>, vector<1x16xf32>,
        %parallel_loop3A_929 = vector.shape_cast %parallel_loop3A_928 : vector<1x16xf32> to vector<16xf32>
        %parallel_loop3A_930 = arith.mulf %parallel_loop3A_929, %get3A_803 : vector<16xf32>
        %parallel_loop3A_931 = arith.index_cast %parallel_loop3A_905 : i32 to index
        %parallel_loop3A_932 = arith.constant 64 : index
        %parallel_loop3A_933 = tpu.vector_load %arg8[%parallel_loop3A_931, %parallel_loop3A_932] {strides = array<i32>} : memref<256x128xf32, #tpu.memory_space<vmem>>, vector<1x16xf32>,
        %parallel_loop3A_934 = vector.shape_cast %parallel_loop3A_933 : vector<1x16xf32> to vector<16xf32>
        %parallel_loop3A_935 = arith.mulf %parallel_loop3A_934, %get3A_806 : vector<16xf32>
        %parallel_loop3A_936 = arith.index_cast %parallel_loop3A_905 : i32 to index
        %parallel_loop3A_937 = arith.constant 80 : index
        %parallel_loop3A_938 = tpu.vector_load %arg8[%parallel_loop3A_936, %parallel_loop3A_937] {strides = array<i32>} : memref<256x128xf32, #tpu.memory_space<vmem>>, vector<1x16xf32>,
        %parallel_loop3A_939 = vector.shape_cast %parallel_loop3A_938 : vector<1x16xf32> to vector<16xf32>
        %parallel_loop3A_940 = arith.mulf %parallel_loop3A_939, %get3A_809 : vector<16xf32>
        %parallel_loop3A_941 = arith.index_cast %parallel_loop3A_905 : i32 to index
        %parallel_loop3A_942 = arith.constant 96 : index
        %parallel_loop3A_943 = tpu.vector_load %arg8[%parallel_loop3A_941, %parallel_loop3A_942] {strides = array<i32>} : memref<256x128xf32, #tpu.memory_space<vmem>>, vector<1x16xf32>,
        %parallel_loop3A_944 = vector.shape_cast %parallel_loop3A_943 : vector<1x16xf32> to vector<16xf32>
        %parallel_loop3A_945 = arith.mulf %parallel_loop3A_944, %get3A_812 : vector<16xf32>
        %parallel_loop3A_946 = arith.index_cast %parallel_loop3A_905 : i32 to index
        %parallel_loop3A_947 = arith.constant 112 : index
        %parallel_loop3A_948 = tpu.vector_load %arg8[%parallel_loop3A_946, %parallel_loop3A_947] {strides = array<i32>} : memref<256x128xf32, #tpu.memory_space<vmem>>, vector<1x16xf32>,
        %parallel_loop3A_949 = vector.shape_cast %parallel_loop3A_948 : vector<1x16xf32> to vector<16xf32>
        %parallel_loop3A_950 = arith.mulf %parallel_loop3A_949, %get3A_815 : vector<16xf32>
        %parallel_loop3A_951 = arith.addf %parallel_loop3A_915, %parallel_loop3A_920 : vector<16xf32>
        %parallel_loop3A_952 = arith.addf %parallel_loop3A_925, %parallel_loop3A_930 : vector<16xf32>
        %parallel_loop3A_953 = arith.addf %parallel_loop3A_935, %parallel_loop3A_940 : vector<16xf32>
        %parallel_loop3A_954 = arith.addf %parallel_loop3A_945, %parallel_loop3A_950 : vector<16xf32>
        %parallel_loop3A_955 = arith.addf %parallel_loop3A_951, %parallel_loop3A_952 : vector<16xf32>
        %parallel_loop3A_956 = arith.addf %parallel_loop3A_953, %parallel_loop3A_954 : vector<16xf32>
        %parallel_loop3A_957 = arith.addf %parallel_loop3A_955, %parallel_loop3A_956 : vector<16xf32>
        %parallel_loop3A_958 = arith.index_cast %parallel_loop3A_910 : i32 to index
        %parallel_loop3A_959 = arith.constant 0 : index
        %parallel_loop3A_960 = tpu.vector_load %arg12[%parallel_loop3A_958, %parallel_loop3A_959] {strides = array<i32>} : memref<64x16xf32, #tpu.memory_space<vmem>>, vector<1x16xf32>,
        %parallel_loop3A_961 = vector.shape_cast %parallel_loop3A_960 : vector<1x16xf32> to vector<16xf32>
        %parallel_loop3A_962 = vector.shape_cast %parallel_loop3A_957 : vector<16xf32> to vector<1x16xf32>
        tpu.vector_store %arg12[%parallel_loop3A_958, %parallel_loop3A_959], %parallel_loop3A_962 {add = true, strides = array<i32>} : memref<64x16xf32, #tpu.memory_space<vmem>>, vector<1x16xf32>,
        %parallel_loop3A_963 = arith.index_cast %parallel_loop3A_910 : i32 to index
        %parallel_loop3A_964 = arith.constant 0 : index
        %parallel_loop3A_965 = tpu.vector_load %arg13[%parallel_loop3A_963, %parallel_loop3A_964] {strides = array<i32>} : memref<64x16xf32, #tpu.memory_space<vmem>>, vector<1x16xf32>,
        %parallel_loop3A_966 = vector.shape_cast %parallel_loop3A_965 : vector<1x16xf32> to vector<16xf32>
        %parallel_loop3A_967 = vector.shape_cast %broadcast_in_dim3A_25 : vector<16xf32> to vector<1x16xf32>
        tpu.vector_store %arg13[%parallel_loop3A_963, %parallel_loop3A_964], %parallel_loop3A_967 {add = true, strides = array<i32>} : memref<64x16xf32, #tpu.memory_space<vmem>>, vector<1x16xf32>,
      } {sc.loop_unroll_factor = 16 : i64, sc.parallel_access}
      %scan3A_904 = arith.constant 0 : i32
      scf.yield %scan3A_904 : i32
    }
    %scan3A_833 = arith.constant 4 : i32
    "tpu.region"() ({
      %run_scoped3A = tpu.sem_alloc : memref<!tpu.dma_semaphore, #tpu.memory_space<semaphore_mem>>
      %dma_start3A_834 = arith.constant 0 : i32
      %dma_start3A_835 = arith.constant 0 : i32
      %dma_start3A_836 = tpu.memref_slice %arg5[%add3A, %dma_start3A_834, %dma_start3A_835] : memref<32x64x16xf32, #tpu.memory_space<hbm>> -> memref<1x64x16xf32, #tpu.memory_space<hbm>>
      %dma_start3A_837 = tpu.memref_squeeze %dma_start3A_836 : memref<1x64x16xf32, #tpu.memory_space<hbm>> -> memref<64x16xf32, #tpu.memory_space<hbm>>
      %dma_start3A_838 = arith.constant 0 : i32
      %dma_start3A_839 = arith.constant 0 : i32
      %dma_start3A_840 = tpu.memref_slice %arg5[%add3A, %dma_start3A_838, %dma_start3A_839] : memref<32x64x16xf32, #tpu.memory_space<hbm>> -> memref<1x64x16xf32, #tpu.memory_space<hbm>>
      %dma_start3A_841 = tpu.memref_squeeze %dma_start3A_840 : memref<1x64x16xf32, #tpu.memory_space<hbm>> -> memref<64x16xf32, #tpu.memory_space<hbm>>
      tpu.enqueue_dma source(%arg12 : memref<64x16xf32, #tpu.memory_space<vmem>>) target(%dma_start3A_841 : memref<64x16xf32, #tpu.memory_space<hbm>>) target_semaphore(%run_scoped3A : memref<!tpu.dma_semaphore, #tpu.memory_space<semaphore_mem>>)
      %dma_wait3A = arith.constant 0 : i32
      %dma_wait3A_842 = arith.constant 0 : i32
      %dma_wait3A_843 = tpu.memref_slice %arg5[%add3A, %dma_wait3A, %dma_wait3A_842] : memref<32x64x16xf32, #tpu.memory_space<hbm>> -> memref<1x64x16xf32, #tpu.memory_space<hbm>>
      %dma_wait3A_844 = tpu.memref_squeeze %dma_wait3A_843 : memref<1x64x16xf32, #tpu.memory_space<hbm>> -> memref<64x16xf32, #tpu.memory_space<hbm>>
      %dma_wait3A_845 = arith.constant 0 : i32
      %dma_wait3A_846 = arith.constant 0 : i32
      %dma_wait3A_847 = tpu.memref_slice %arg5[%add3A, %dma_wait3A_845, %dma_wait3A_846] : memref<32x64x16xf32, #tpu.memory_space<hbm>> -> memref<1x64x16xf32, #tpu.memory_space<hbm>>
      %dma_wait3A_848 = tpu.memref_squeeze %dma_wait3A_847 : memref<1x64x16xf32, #tpu.memory_space<hbm>> -> memref<64x16xf32, #tpu.memory_space<hbm>>
      tpu.wait_dma2 semaphore(%run_scoped3A : memref<!tpu.dma_semaphore, #tpu.memory_space<semaphore_mem>>) src(%arg12 : memref<64x16xf32, #tpu.memory_space<vmem>>) dst(%dma_wait3A_848 : memref<64x16xf32, #tpu.memory_space<hbm>>)
      tpu.yield
    }) : () -> ()
    "tpu.region"() ({
      %run_scoped3A = tpu.sem_alloc : memref<!tpu.dma_semaphore, #tpu.memory_space<semaphore_mem>>
      %dma_start3A_834 = arith.constant 0 : i32
      %dma_start3A_835 = arith.constant 0 : i32
      %dma_start3A_836 = tpu.memref_slice %arg6[%add3A, %dma_start3A_834, %dma_start3A_835] : memref<32x64x16xf32, #tpu.memory_space<hbm>> -> memref<1x64x16xf32, #tpu.memory_space<hbm>>
      %dma_start3A_837 = tpu.memref_squeeze %dma_start3A_836 : memref<1x64x16xf32, #tpu.memory_space<hbm>> -> memref<64x16xf32, #tpu.memory_space<hbm>>
      %dma_start3A_838 = arith.constant 0 : i32
      %dma_start3A_839 = arith.constant 0 : i32
      %dma_start3A_840 = tpu.memref_slice %arg6[%add3A, %dma_start3A_838, %dma_start3A_839] : memref<32x64x16xf32, #tpu.memory_space<hbm>> -> memref<1x64x16xf32, #tpu.memory_space<hbm>>
      %dma_start3A_841 = tpu.memref_squeeze %dma_start3A_840 : memref<1x64x16xf32, #tpu.memory_space<hbm>> -> memref<64x16xf32, #tpu.memory_space<hbm>>
      tpu.enqueue_dma source(%arg13 : memref<64x16xf32, #tpu.memory_space<vmem>>) target(%dma_start3A_841 : memref<64x16xf32, #tpu.memory_space<hbm>>) target_semaphore(%run_scoped3A : memref<!tpu.dma_semaphore, #tpu.memory_space<semaphore_mem>>)
      %dma_wait3A = arith.constant 0 : i32
      %dma_wait3A_842 = arith.constant 0 : i32
      %dma_wait3A_843 = tpu.memref_slice %arg6[%add3A, %dma_wait3A, %dma_wait3A_842] : memref<32x64x16xf32, #tpu.memory_space<hbm>> -> memref<1x64x16xf32, #tpu.memory_space<hbm>>
      %dma_wait3A_844 = tpu.memref_squeeze %dma_wait3A_843 : memref<1x64x16xf32, #tpu.memory_space<hbm>> -> memref<64x16xf32, #tpu.memory_space<hbm>>
      %dma_wait3A_845 = arith.constant 0 : i32
      %dma_wait3A_846 = arith.constant 0 : i32
      %dma_wait3A_847 = tpu.memref_slice %arg6[%add3A, %dma_wait3A_845, %dma_wait3A_846] : memref<32x64x16xf32, #tpu.memory_space<hbm>> -> memref<1x64x16xf32, #tpu.memory_space<hbm>>
      %dma_wait3A_848 = tpu.memref_squeeze %dma_wait3A_847 : memref<1x64x16xf32, #tpu.memory_space<hbm>> -> memref<64x16xf32, #tpu.memory_space<hbm>>
      tpu.wait_dma2 semaphore(%run_scoped3A : memref<!tpu.dma_semaphore, #tpu.memory_space<semaphore_mem>>) src(%arg13 : memref<64x16xf32, #tpu.memory_space<vmem>>) dst(%dma_wait3A_848 : memref<64x16xf32, #tpu.memory_space<hbm>>)
      tpu.yield
    }) : () -> ()
    return
  }
}

module attributes {stable_mosaic.version = 14 : i64} {
  func.func @_tc_body(%arg0: i32, %arg1: memref<1x1x2000xi32, #tpu.memory_space<vmem>>, %arg2: memref<2000x128xf32, #tpu.memory_space<vmem>>, %arg3: memref<128x16xf32, #tpu.memory_space<vmem>>, %arg4: memref<64x16xf32, #tpu.memory_space<vmem>>, %arg5: memref<64x16xf32, #tpu.memory_space<vmem>>) attributes {dimension_semantics = [#tpu.dimension_semantics<arbitrary>], iteration_bounds = array<i64: 68>, scalar_prefetch = 0 : i64, scratch_operands = 0 : i64, tpu.core_type = #tpu.core_type<tc>, window_params = [{transform_indices = @transform_0, window_bounds = array<i64: 1, 1, 2000>}, {transform_indices = @transform_1, window_bounds = array<i64: 2000, 128>}, {pipeline_mode = #tpu.pipeline_mode<synchronous>, transform_indices = @transform_2, window_bounds = array<i64: 128, 16>}, {pipeline_mode = #tpu.pipeline_mode<synchronous>, transform_indices = @transform_3, window_bounds = array<i64: 64, 16>}, {pipeline_mode = #tpu.pipeline_mode<synchronous>, transform_indices = @transform_4, window_bounds = array<i64: 64, 16>}]} {
    %eq3A = arith.constant 0 : i32
    %eq3A_0 = arith.cmpi eq, %arg0, %eq3A : i32
    %convert_element_type3A = arith.extui %eq3A_0 : i1 to i32
    %cond3A = arith.constant 0 : i32
    %cond3A_1 = arith.cmpi ne, %convert_element_type3A, %cond3A : i32
    scf.if %cond3A_1 {
      %broadcast_in_dim3A_40 = arith.constant 0.000000e+00 : f32
      %broadcast_in_dim3A_41 = vector.broadcast %broadcast_in_dim3A_40 : f32 to vector<64x16xf32>
      %swap3A_42 = arith.constant 0 : index
      %swap3A_43 = arith.constant 0 : index
      %swap3A_44 = vector.load %arg4[%swap3A_42, %swap3A_43] : memref<64x16xf32, #tpu.memory_space<vmem>>, vector<64x16xf32>
      tpu.vector_store %arg4[%swap3A_42, %swap3A_43], %broadcast_in_dim3A_41 {strides = array<i32>} : memref<64x16xf32, #tpu.memory_space<vmem>>, vector<64x16xf32>,
      %broadcast_in_dim3A_45 = arith.constant 0.000000e+00 : f32
      %broadcast_in_dim3A_46 = vector.broadcast %broadcast_in_dim3A_45 : f32 to vector<64x16xf32>
      %swap3A_47 = arith.constant 0 : index
      %swap3A_48 = arith.constant 0 : index
      %swap3A_49 = vector.load %arg5[%swap3A_47, %swap3A_48] : memref<64x16xf32, #tpu.memory_space<vmem>>, vector<64x16xf32>
      tpu.vector_store %arg5[%swap3A_47, %swap3A_48], %broadcast_in_dim3A_46 {strides = array<i32>} : memref<64x16xf32, #tpu.memory_space<vmem>>, vector<64x16xf32>,
    } else {
    }
    %get3A = arith.constant 0 : index
    %get3A_2 = arith.constant 0 : index
    %get3A_3 = vector.load %arg2[%get3A, %get3A_2] : memref<2000x128xf32, #tpu.memory_space<vmem>>, vector<2000x128xf32>
    %get3A_4 = arith.constant 0 : index
    %get3A_5 = arith.constant 0 : index
    %get3A_6 = arith.constant 0 : index
    %get3A_7 = vector.load %arg1[%get3A_4, %get3A_5, %get3A_6] : memref<1x1x2000xi32, #tpu.memory_space<vmem>>, vector<1x1x2000xi32>
    %get3A_8 = vector.shape_cast %get3A_7 : vector<1x1x2000xi32> to vector<2000xi32>
    %iota3A = tpu.iota {dimensions = array<i32: 0>} : vector<64x2000xi32>
    %broadcast_in_dim3A = vector.shape_cast %get3A_8 : vector<2000xi32> to vector<1x2000xi32>
    %eq3A_9 = vector.broadcast %broadcast_in_dim3A : vector<1x2000xi32> to vector<64x2000xi32>
    %eq3A_10 = arith.cmpi eq, %iota3A, %eq3A_9 : vector<64x2000xi32>
    %convert_element_type3A_11 = arith.extui %eq3A_10 : vector<64x2000xi1> to vector<64x2000xi32>
    %convert_element_type3A_12 = arith.sitofp %convert_element_type3A_11 : vector<64x2000xi32> to vector<64x2000xf32>
    %get3A_13 = arith.constant 0 : index
    %get3A_14 = arith.constant 0 : index
    %get3A_15 = vector.load %arg3[%get3A_13, %get3A_14] : memref<128x16xf32, #tpu.memory_space<vmem>>, vector<128x16xf32>
    %dot_general3A = arith.constant dense<0.000000e+00> : vector<2000x16xf32>
    %dot_general3A_16 = tpu.matmul %get3A_3, %get3A_15, %dot_general3A {dimension_numbers = #tpu.dot_dimension_numbers<[1], [0], [0], [1], [0, 0, 1, 1], [], []>, transpose_lhs_hint = false} : vector<2000x128xf32>, vector<128x16xf32>, vector<2000x16xf32> -> vector<2000x16xf32>
    %get3A_17 = arith.constant 0 : index
    %get3A_18 = arith.constant 0 : index
    %get3A_19 = vector.load %arg4[%get3A_17, %get3A_18] : memref<64x16xf32, #tpu.memory_space<vmem>>, vector<64x16xf32>
    %dot_general3A_20 = arith.constant dense<0.000000e+00> : vector<64x16xf32>
    %dot_general3A_21 = tpu.matmul %convert_element_type3A_12, %dot_general3A_16, %dot_general3A_20 {dimension_numbers = #tpu.dot_dimension_numbers<[1], [0], [0], [1], [0, 0, 1, 1], [], []>, transpose_lhs_hint = false} : vector<64x2000xf32>, vector<2000x16xf32>, vector<64x16xf32> -> vector<64x16xf32>
    %add3A = arith.addf %get3A_19, %dot_general3A_21 : vector<64x16xf32>
    %swap3A = arith.constant 0 : index
    %swap3A_22 = arith.constant 0 : index
    %swap3A_23 = vector.load %arg4[%swap3A, %swap3A_22] : memref<64x16xf32, #tpu.memory_space<vmem>>, vector<64x16xf32>
    tpu.vector_store %arg4[%swap3A, %swap3A_22], %add3A {strides = array<i32>} : memref<64x16xf32, #tpu.memory_space<vmem>>, vector<64x16xf32>,
    %iota3A_24 = tpu.iota {dimensions = array<i32: 1>} : vector<64x16xi32>
    %eq3A_25 = arith.constant 0 : i32
    %eq3A_26 = vector.broadcast %eq3A_25 : i32 to vector<64x16xi32>
    %eq3A_27 = arith.cmpi eq, %iota3A_24, %eq3A_26 : vector<64x16xi32>
    %reduce_sum3A = arith.constant dense<0.000000e+00> : vector<64xf32>
    %reduce_sum3A_28 = vector.multi_reduction <add>, %convert_element_type3A_12, %reduce_sum3A [1] : vector<64x2000xf32> to vector<64xf32>
    %broadcast_in_dim3A_29 = vector.shape_cast %reduce_sum3A_28 : vector<64xf32> to vector<64x1xf32>
    %get3A_30 = arith.constant 0 : index
    %get3A_31 = arith.constant 0 : index
    %get3A_32 = vector.load %arg5[%get3A_30, %get3A_31] : memref<64x16xf32, #tpu.memory_space<vmem>>, vector<64x16xf32>
    %jit3A = arith.constant 0.000000e+00 : f32
    %broadcast_in_dim3A_33 = vector.shape_cast %broadcast_in_dim3A_29 : vector<64x1xf32> to vector<64x1xf32>
    %broadcast_in_dim3A_34 = vector.broadcast %broadcast_in_dim3A_33 : vector<64x1xf32> to vector<64x16xf32>
    %broadcast_in_dim3A_35 = vector.broadcast %jit3A : f32 to vector<64x16xf32>
    %select_n3A = arith.select %eq3A_27, %broadcast_in_dim3A_34, %broadcast_in_dim3A_35 : vector<64x16xi1>, vector<64x16xf32>
    %add3A_36 = arith.addf %get3A_32, %select_n3A : vector<64x16xf32>
    %swap3A_37 = arith.constant 0 : index
    %swap3A_38 = arith.constant 0 : index
    %swap3A_39 = vector.load %arg5[%swap3A_37, %swap3A_38] : memref<64x16xf32, #tpu.memory_space<vmem>>, vector<64x16xf32>
    tpu.vector_store %arg5[%swap3A_37, %swap3A_38], %add3A_36 {strides = array<i32>} : memref<64x16xf32, #tpu.memory_space<vmem>>, vector<64x16xf32>,
    return
  }
  func.func @transform_0(%arg0: i32) -> (i32, i32, i32) {
    %add3A = arith.constant 32 : i32
    %add3A_0 = arith.addi %add3A, %arg0 : i32
    %c0_i32 = arith.constant 0 : i32
    %c0_i32_1 = arith.constant 0 : i32
    %c0_i32_2 = arith.constant 0 : i32
    return %add3A_0, %c0_i32, %c0_i32_1 : i32, i32, i32
  }
  func.func @transform_1(%arg0: i32) -> (i32, i32) {
    %add3A = arith.constant 32 : i32
    %add3A_0 = arith.addi %add3A, %arg0 : i32
    %c0_i32 = arith.constant 0 : i32
    %c0_i32_1 = arith.constant 0 : i32
    return %add3A_0, %c0_i32 : i32, i32
  }
  func.func @transform_2(%arg0: i32) -> (i32, i32) {
    %c0_i32 = arith.constant 0 : i32
    %c0_i32_0 = arith.constant 0 : i32
    %c0_i32_1 = arith.constant 0 : i32
    return %c0_i32, %c0_i32_0 : i32, i32
  }
  func.func @transform_3(%arg0: i32) -> (i32, i32) {
    %c0_i32 = arith.constant 0 : i32
    %c0_i32_0 = arith.constant 0 : i32
    %c0_i32_1 = arith.constant 0 : i32
    return %c0_i32, %c0_i32_0 : i32, i32
  }
  func.func @transform_4(%arg0: i32) -> (i32, i32) {
    %c0_i32 = arith.constant 0 : i32
    %c0_i32_0 = arith.constant 0 : i32
    %c0_i32_1 = arith.constant 0 : i32
    return %c0_i32, %c0_i32_0 : i32, i32
  }
}

</mosaic_0001>

<sc_bundles>
// kernel: kernel.5.cloned.1.call-start
scs
__scs_entry_jumppad:
0x0: {  	(pc) =	sbr.rel $0x88, $3  }
0x1: {  	(tag) =	ssettag $0x0;
	lr =	simm.s32 $0x1  }
0x2: {  	[smem:$0x3F9D] =	sst lr;
	_ =	strace $0xD0000000  }
0x3: {  	_ = 	snop  }
0x4: {  	_ = 	snop  }
0x5: {  	_ = 	snop  }
0x6: {  	_ = 	snop  }
0x7: {  	_ = 	snop  }
__scs_overlays_trampoline_lowered:
0x8: {  	[smem:$0x3FAC] =	sst s0  }
0x9: {  	[smem:$0x3FAD] =	sst s1  }
0xa: {  	[smem:$0x3FAE] =	sst s2  }
0xb: {  	[smem:$0x3FAF] =	sst s3  }
0xc: {  	[smem:$0x3FB0] =	sst s4  }
0xd: {  	[smem:$0x3FB1] =	sst s5  }
0xe: {  	[smem:$0x3FB2] =	sst s6  }
0xf: {  	[smem:$0x3FB3] =	sst s7  }
0x10: {  	[smem:$0x3FB4] =	sst s8  }
0x11: {  	[smem:$0x3FB5] =	sst s9;
	s0 =	simm.s32 @!p0 $0x0  }
0x12: {  	s1 =	sld [smem:$0x3F9B];
	s0 =	simm.s32 @p0 $0x1  }
0x13: {  	[smem:$0x3FB6] =	sst s0;
	s0 =	simm.s32 @!p1 $0x0  }
0x14: {  	s2 =	sld [smem:$0x3F9A];
	s0 =	simm.s32 @p1 $0x1  }
0x15: {  	[smem:$0x3FB7] =	sst s0;
	s0 =	simm.s32 @!p2 $0x0  }
0x16: {  	s3 =	sld [smem:$0x3FDB];
	s0 =	simm.s32 @p2 $0x1  }
0x17: {  	s4 =	simm.s32 $0x1BF5;
	[smem:$0x3FB9] =	sst s0  }
0x18: {  	s0 =	sld [smem:$0x3F9C];
	_ =	swait.ge [sflag:s4], $0x0  }
0x19: {  	s7 =	sld [smem:$0x3F9D]  }
0x1a: {  	s8 =	sadd.s32 $0xFFFFE003, lr  }
0x1b: {  	s9 =	sadd.s32 $0xFFFFFEF7, lr;
	s5 =	simm.s32 $0xFFFFFFFF;
	p2 =	slt.u32 s8, $0xFFFFF086  }
0x1c: {  	p1 =	slt.u32 s9, $0xF7A;
	s5 =	simm.s32 @!p2 $0x0  }
0x1d: {  	s5 =	simm.s32 @p1 $0x1;
	p0 =	seq.s32 s7, s2  }
0x1e: {  	s7 =	smul.u32 @!p0 $0xF7A, s2;
	p2 =	seq.s32 @!p0 s5, $0x0  }
0x1f: {  	s9 =	smul.u32 $0xF7A, s1;
	s8 =	simm.s32 @!p0 $0x1BF5;
	p2 =	por !p2, p0  }
0x20: {  	[sflag:s8] =	ssyncset.s32 @!p0 $0xFFFFF086;
	s6 =	sadd.s32 @!p0 s3, s7;
	s7 =	simm.s32 @!p0 $0x108  }
0x21: {  	s3 =	sadd.s32 s3, s9;
	s6 =	sadd.s32 @!p0 $0x88, s6;
	s7 =	simm.s32 @p2 $0x1082  }
0x22: {  	[simem:s7], [sflag:s8] =	dma.local @!p0 [hbm:s6], $0xF7A  }
0x23: {  	s9 =	sor.u32 $0xD0000000, s2;
	s6 =	simm.s32 $0x108;
	_ =	swait.ge @!p0 [sflag:s8], $0x0  }
0x24: {  	s3 =	sadd.s32 $0x88, s3;
	s6 =	simm.s32 @!p1 $0x1082;
	[sflag:s4] =	ssyncset.s32 $0xFFFFF086  }
0x25: {  	[simem:s6], [sflag:s4] =	dma.local [hbm:s3], $0xF7A  }
0x26: {  	[smem:$0x3F9D] =	sst s1;
	(tag) =	ssettag s2;
	_ =	strace s9  }
0x27: {  	s1 =	sld [smem:$0x3FAD]  }
0x28: {  	s2 =	sld [smem:$0x3FAE]  }
0x29: {  	s4 =	sld [smem:$0x3FB0]  }
0x2a: {  	p0 =	seq.s32 s5, $0x0;
	s5 =	sld [smem:$0x3FB1]  }
0x2b: {  	s6 =	sld [smem:$0x3FB2]  }
0x2c: {  	s7 =	sld [smem:$0x3FB3]  }
0x2d: {  	s3 =	simm.s32 $0x108;
	s8 =	sld [smem:$0x3FB4]  }
0x2e: {  	s3 =	simm.s32 @!p0 $0x1082;
	s9 =	sld [smem:$0x3FB5]  }
0x2f: {  	lr =	sadd.s32 s0, s3;
	s0 =	sld [smem:$0x3FAC]  }
0x30: {  	s3 =	sld [smem:$0x3FAF]  }
0x31: {  	[smem:$0x3FB8] =	sst s10  }
0x32: {  	s10 =	sld [smem:$0x3FB6];
	_ =	sdelay $0x3  }
0x33: {  	p0 =	seq.s32 s10, $0x1;
	s10 =	sld [smem:$0x3FB8];
	_ =	sdelay $0x3  }
0x34: {  	[smem:$0x3FB8] =	sst s10  }
0x35: {  	s10 =	sld [smem:$0x3FB7];
	_ =	sdelay $0x3  }
0x36: {  	p1 =	seq.s32 s10, $0x1;
	s10 =	sld [smem:$0x3FB8];
	_ =	sdelay $0x3  }
0x37: {  	[smem:$0x3FB8] =	sst s10  }
0x38: {  	s10 =	sld [smem:$0x3FB9]  }
0x39: {  	_ = 	snop;
	(pc) =	sbr.ind lr, $3  }
0x3a: {  	_ = 	snop  }
0x3b: {  	_ = 	snop  }
0x3c: {  	p2 =	seq.s32 s10, $0x1;
	s10 =	sld [smem:$0x3FB8]  }
0x3d: {  	_ =	shalt  }
0x3e: {  	_ =	shalt  }
0x3f: {  	_ =	shalt  }
0x40: {  	_ =	shalt  }
0x41: {  	_ =	shalt  }
0x42: {  	_ =	shalt  }
0x43: {  	_ =	shalt  }
0x44: {  	_ =	shalt  }
0x45: {  	_ =	shalt  }
0x46: {  	_ =	shalt  }
0x47: {  	_ =	shalt  }
0x48: {  	_ =	shalt  }
0x49: {  	_ =	shalt  }
0x4a: {  	_ =	shalt  }
0x4b: {  	_ =	shalt  }
0x4c: {  	_ =	shalt  }
0x4d: {  	_ =	shalt  }
0x4e: {  	_ =	shalt  }
0x4f: {  	_ =	shalt  }
0x50: {  	_ =	shalt  }
0x51: {  	_ =	shalt  }
0x52: {  	_ =	shalt  }
0x53: {  	_ =	shalt  }
0x54: {  	_ =	shalt  }
0x55: {  	_ =	shalt  }
0x56: {  	_ =	shalt  }
0x57: {  	_ =	shalt  }
0x58: {  	_ =	shalt  }
0x59: {  	_ =	shalt  }
0x5a: {  	_ =	shalt  }
0x5b: {  	_ =	shalt  }
0x5c: {  	_ =	shalt  }
0x5d: {  	_ =	shalt  }
0x5e: {  	_ =	shalt  }
0x5f: {  	_ =	shalt  }
0x60: {  	_ =	shalt  }
0x61: {  	_ =	shalt  }
0x62: {  	_ =	shalt  }
0x63: {  	_ =	shalt  }
0x64: {  	_ =	shalt  }
0x65: {  	_ =	shalt  }
0x66: {  	_ =	shalt  }
0x67: {  	_ =	shalt  }
0x68: {  	_ =	shalt  }
0x69: {  	_ =	shalt  }
0x6a: {  	_ =	shalt  }
0x6b: {  	_ =	shalt  }
0x6c: {  	_ =	shalt  }
0x6d: {  	_ =	shalt  }
0x6e: {  	_ =	shalt  }
0x6f: {  	_ =	shalt  }
0x70: {  	_ =	shalt  }
0x71: {  	_ =	shalt  }
0x72: {  	_ =	shalt  }
0x73: {  	_ =	shalt  }
0x74: {  	_ =	shalt  }
0x75: {  	_ =	shalt  }
0x76: {  	_ =	shalt  }
0x77: {  	_ =	shalt  }
0x78: {  	_ =	shalt  }
0x79: {  	_ =	shalt  }
0x7a: {  	_ =	shalt  }
0x7b: {  	_ =	shalt  }
0x7c: {  	_ =	shalt  }
0x7d: {  	_ =	shalt  }
0x7e: {  	_ =	shalt  }
0x7f: {  	_ =	shalt  }
0x80: {  	_ =	shalt  }
0x81: {  	_ =	shalt  }
0x82: {  	_ =	shalt  }
0x83: {  	_ =	shalt  }
0x84: {  	_ =	shalt  }
0x85: {  	_ =	shalt  }
0x86: {  	_ =	shalt  }
0x87: {  	_ =	shalt  }
.Lfunc_end0:
.L_simem_size_0:
called_computation_lowered:
.L_overlay_start_0:
0x88: {  	s2 =	sld [smem:$0x3FD9]  }
0x89: {  	s3 =	sld [smem:$0x3FFE];
	_ =	sdelay $0x1  }
0x8a: {  	s1 =	srdreg.scid  }
0x8b: {  	s0 =	sand.u32 $0x1, s1  }
0x8c: {  	s17 =	sshll.u32 s0, $0xA;
	s2 =	sadd.s32 s3, s2  }
0x8d: {  	s2 =	sadd.s32 s2, s17  }
0x8e: {  	[smem:$0x3FC4] =	sst s2  }
0x8f: {  	_ = 	snop  }
0x90: {  	s2 =	sld [smem:$0x3FC9]  }
0x91: {  	s18 =	sld [smem:$0x3FC7];
	(tm) =	ssettm $0x1  }
0x92: {  	s4 =	sld [smem:$0x3FFB];
	_ =	sdelay $0x3  }
0x93: {  	_ =	strace s4  }
0x94: {  	s4 =	sld [smem:$0x3FFC];
	_ =	sdelay $0x3  }
0x95: {  	_ =	strace s4  }
0x96: {  	s4 =	sld [smem:$0x3FFD];
	_ =	sdelay $0x3  }
0x97: {  	_ =	strace s4  }
0x98: {  	_ =	strace $0x8FFFFFFF  }
0x99: {  	s19 =	sld [smem:$0x3FDB];
	_ =	sdelay $0x1  }
0x9a: {  	s5 =	simm.s32 $_scs_section_size  }
0x9b: {  	s6 =	simm.s32 $_size__tile_overlayer_lowered;
	s7 =	simm.s32 $_tile_overlayer_lowered  }
0x9c: {  	s22 =	simm.s32 $0x1BFF;
	s21 =	sshll.u32 s7, $0x1;
	s4 =	sadd.s32 s5, s19  }
0x9d: {  	s8 =	simm.s32 $0x0;
	s20 =	sshll.u32 s6, $0x1;
	s6 =	sadd.s32 s21, s4  }
0x9e: {  	[timem:s8], [sflag:s22] =	dma.local [hbm:s6], s20  }
0x9f: {  	_ =	swait.ge [sflag:s22], s20  }
0xa0: {  	s5 =	ssub.s32 $0x0, s20;
	[sflag:s22] =	ssyncset.done $0x0  }
0xa1: {  	[sflag:s22] =	ssyncadd.s32 s5;
	_ =	sdelay $0x1  }
0xa2: {  	s23 =	simm.s32 $0x1B8B  }
0xa3: {  	_ =	swait.ge [sflag:s23], $0x1  }
0xa4: {  	[sflag:s23] =	ssyncset.done $0x0  }
0xa5: {  	s25 =	simm.s32 $0x1B8E;
	s24 =	sld [smem:$0x3FFE];
	[sflag:s23] =	ssyncadd.s32 $0xFFFFFFFF  }
0xa6: {  	s26 =	simm.s32 $execute0_lowered;
	[smem:$0x3FD2] =	sst s25  }
0xa7: {  	s6 =	sshll.u32 s26, $0x1;
	_ =	strace $0x80000046;
	[dreg:$0x1] =	wrdreg $0xFFFFFFFF  }
0xa8: {  	s28 =	simm.s32 $_size_execute0_lowered;
	s4 =	sadd.s32 s4, s6;
	[dreg:$0x0] =	wrdreg $0x0  }
0xa9: {  	s6 =	sshll.u32 s28, $0x1;
	[dreg:$0x2] =	wrdreg s4  }
0xaa: {  	[dreg:$0x3] =	wrdreg s6  }
0xab: {  	[dreg:$0x4] =	wrdreg $0xC0  }
0xac: {  	_ =	task [dreg:s8], $0x5FFFF  }
0xad: {  	[dreg:$0x1] =	wrdreg $0xFFFFFFFF  }
0xae: {  	[dreg:$0x0] =	wrdreg $0x60  }
0xaf: {  	[dreg:$0x2] =	wrdreg s2  }
0xb0: {  	[dreg:$0x3] =	wrdreg s24  }
0xb1: {  	[dreg:$0x4] =	wrdreg s18  }
0xb2: {  	[dreg:$0x5] =	wrdreg $0x9  }
0xb3: {  	_ =	task.clear_ibuf [dreg:s8], $0x6FFFF;
	_ =	strace $0x90000046  }
0xb4: {  	s29 =	simm.s32 $0x9;
	_ =	strace $0x80000048  }
0xb5: {  	_ =	swait.ge [sflag:s29], $0x1  }
0xb6: {  	[sflag:s29] =	ssyncadd.s32 $0xFFFFFFFF  }
0xb7: {  	_ =	strace $0x90000048  }
0xb8: {  	_ =	sfence  }
0xb9: {  	s30 =	sld [smem:$0x0];
	_ =	sdelay $0x2  }
0xba: {  	s31 =	sshll.u32 s1, $0xD;
	s1 =	sshrl.u32 s1, $0x2  }
0xbb: {  	s3 =	sand.u32 $0x4000, s31;
	s1 =	sadd.s32 s1, s30  }
0xbc: {  	s0 =	sor.u32 s3, s0;
	s1 =	sshll.u32 s1, $0x11  }
0xbd: {  	s0 =	sor.u32 s1, s0  }
0xbe: {  	s0 =	sadd.s32 $0x8F2B, s0  }
0xbf: {  	[sflag:s0] =	ssyncadd.remote.s32 $0x1  }
0xc0: {  	_ =	sfence.sel $0xFFFF  }
0xc1: {  	[dreg:$0x0] =	wrdreg $0xFFFFFFFF;
	(pc) =	sbr.abs _section_cstart, $3  }
0xc2: {  	[dreg:$0x1] =	wrdreg $0xFFFFFFFF  }
0xc3: {  	_ =	task.clear_ibuf [dreg:s8], $0x2FFFF;
	_ =	strace $0x9FFFFFFF  }
0xc4: {  	(tm) =	ssettm $0x7FFFFFFF  }
0xc5: {  	_ =	shalt  }
tec
execute0_lowered:
.L_overlay_start_1:
0x0: {  	(tag) =	ssettag $0x1  }
0x1: {  	s25 =	rddreg [dreg:$0x0]  }
0x2: {  	s0 =	rddreg [dreg:$0x1]  }
0x3: {  	s1 =	srdreg.scid;
	s2 =	stileid.u32  }
0x4: {  	s4 =	simm.s32 $0x0;
	s19 =	simm.s32 $0x1;
	s20 =	simm.s32 $0x2  }
0x5: {  	s21 =	simm.s32 $0x3;
	s1 =	sand.u32 $0x1, s1;
	s2 =	sshll.u32 s2, $0x1  }
0x6: {  	s22 =	simm.s32 $0x4;
	[smem:$0x7FF] =	sst s4;
	s2 =	sor.u32 s1, s2  }
0x7: {  	s5 =	sadd.s32 $0x1400, s0;
	_ =	strace $0x80000047;
	s3 =	smul.u32 $0x7D0, s2  }
0x8: {  	s1 =	ssub.s32 $0x2, s1;
	s6 =	sshll.u32 s2, $0xA;
	s2 =	smul.u32 $0x7D00, s2  }
0x9: {  	s7 =	sshrl.u32 s1, $0x1;
	s0 =	sadd.s32 s6, s0;
	s28 =	sadd.s32 $0x7D0, s3  }
0xa: {  	s1 =	ssub.s32 s1, s7;
	s2 =	sadd.s32 s25, s2;
	[dreg:$0x4] =	wrdreg s28  }
.Ltmp0:
0xb: {  	s30 =	sadd.s32 $0x7600, s0;
	[dreg:$0x5] =	wrdreg s2;
	(pc) =	sbr.rel .LBB2_1-.Ltmp0, $4  }
0xc: {  	s29 =	sshrl.u32 s3, $0x3;
	s0 =	sadd.s32 $0xF600, s0;
	[dreg:$0x7] =	wrdreg s30  }
0xd: {  	s9 =	sadd.s32 $0x100, s3;
	s31 =	smax.u32 s1, $0x1;
	[dreg:$0x8] =	wrdreg s0  }
0xe: {  	s10 =	sadd.s32 $0x200, s3;
	s2 =	sadd.s32 s5, s29;
	[dreg:$0x9] =	wrdreg s31  }
0xf: {  	v1 =	vimm.f32 $1.000000000e+00;
	s1 =	simm.s32 $0x0;
	[dreg:$0x6] =	wrdreg s2;
	s2 =	simm.s32 $0x5  }
.LBB2_8:
0x10: {  	s0 =	rddreg [dreg:$0x7];
	s1 =	simm.s32 $0x10380;
	s2 =	simm.s32 $0x5  }
0x11: {  	[hbm4b:s0+s4] =	stream.linear.scatter [tilespmem:s1], [sflag:$0x5], $0x2000, $0x38;
	[tilespmem:$0x14380] =	vst v63  }
0x12: {  	_ =	swait.ge [sflag:s2], $0x2000  }
0x13: {  	[sflag:s2] =	ssyncset.done $0x0  }
0x14: {  	s29 =	simm.s32 $0x12380;
	s28 =	rddreg [dreg:$0x8];
	[sflag:s2] =	ssyncadd.s32 $0xFFFFE000  }
0x15: {  	[hbm4b:s28+s4] =	stream.linear.scatter [tilespmem:s29], [sflag:$0x5], $0x2000, $0x38;
	[tilespmem:$0x14380] =	vst v63  }
0x16: {  	_ =	swait.ge [sflag:s2], $0x2000  }
0x17: {  	s30 =	rddreg [dreg:$0xa]  }
0x18: {  	s31 =	rddreg [dreg:$0x9];
	s1 =	sadd.s32 $0x1, s30  }
0x19: {  	p0 =	sne.s32 s1, s31  }
.Ltmp1:
0x1a: {  	_ = 	snop;
	(pc) =	sbr.rel @!p0 .LBB2_9-.Ltmp1, $3  }
0x1b: {  	_ =	sdelay $0x1  }
0x1c: {  	[sflag:s2] =	ssyncset.done $0x0  }
0x1d: {  	[sflag:s2] =	ssyncadd.s32 $0xFFFFE000  }
.LBB2_1:
0x1e: {  	[dreg:$0xa] =	wrdreg s1  }
0x1f: {  	s0 =	rddreg [dreg:$0x2];
	s28 =	simm.s32 $0x10300  }
0x20: {  	[tilespmem:s28], [sflag:$0x5] =	stream.linear.gather [hbm4b:s0+s4], $0x80, $0x38;
	[tilespmem:$0x14380] =	vst v63  }
0x21: {  	_ =	swait.ge [sflag:s2], $0x80  }
0x22: {  	[sflag:s2] =	ssyncset.done $0x0  }
0x23: {  	v0 =	vimm.f32 $0.0e+00;
	[sflag:s2] =	ssyncadd.s32 $0xFFFFFF80  }
0x24: {  	[tilespmem:$0x10380] =	vst v0  }
0x25: {  	[tilespmem:$0x12380] =	vst v0  }
0x26: {  	[tilespmem:$0x10400] =	vst v0  }
0x27: {  	[tilespmem:$0x12400] =	vst v0  }
0x28: {  	[tilespmem:$0x10480] =	vst v0  }
0x29: {  	[tilespmem:$0x12480] =	vst v0  }
0x2a: {  	[tilespmem:$0x10500] =	vst v0  }
0x2b: {  	[tilespmem:$0x12500] =	vst v0  }
0x2c: {  	[tilespmem:$0x10580] =	vst v0  }
0x2d: {  	[tilespmem:$0x12580] =	vst v0  }
0x2e: {  	[tilespmem:$0x10600] =	vst v0  }
0x2f: {  	[tilespmem:$0x12600] =	vst v0  }
0x30: {  	[tilespmem:$0x10680] =	vst v0  }
0x31: {  	[tilespmem:$0x12680] =	vst v0  }
0x32: {  	[tilespmem:$0x10700] =	vst v0  }
0x33: {  	[tilespmem:$0x12700] =	vst v0  }
0x34: {  	[tilespmem:$0x10780] =	vst v0  }
0x35: {  	[tilespmem:$0x12780] =	vst v0  }
0x36: {  	[tilespmem:$0x10800] =	vst v0  }
0x37: {  	[tilespmem:$0x12800] =	vst v0  }
0x38: {  	[tilespmem:$0x10880] =	vst v0  }
0x39: {  	[tilespmem:$0x12880] =	vst v0  }
0x3a: {  	[tilespmem:$0x10900] =	vst v0  }
0x3b: {  	[tilespmem:$0x12900] =	vst v0  }
0x3c: {  	[tilespmem:$0x10980] =	vst v0  }
0x3d: {  	[tilespmem:$0x12980] =	vst v0  }
0x3e: {  	[tilespmem:$0x10A00] =	vst v0  }
0x3f: {  	[tilespmem:$0x12A00] =	vst v0  }
0x40: {  	[tilespmem:$0x10A80] =	vst v0  }
0x41: {  	[tilespmem:$0x12A80] =	vst v0  }
0x42: {  	[tilespmem:$0x10B00] =	vst v0  }
0x43: {  	[tilespmem:$0x12B00] =	vst v0  }
0x44: {  	[tilespmem:$0x10B80] =	vst v0  }
0x45: {  	[tilespmem:$0x12B80] =	vst v0  }
0x46: {  	[tilespmem:$0x10C00] =	vst v0  }
0x47: {  	[tilespmem:$0x12C00] =	vst v0  }
0x48: {  	[tilespmem:$0x10C80] =	vst v0  }
0x49: {  	[tilespmem:$0x12C80] =	vst v0  }
0x4a: {  	[tilespmem:$0x10D00] =	vst v0  }
0x4b: {  	[tilespmem:$0x12D00] =	vst v0  }
0x4c: {  	[tilespmem:$0x10D80] =	vst v0  }
0x4d: {  	[tilespmem:$0x12D80] =	vst v0  }
0x4e: {  	[tilespmem:$0x10E00] =	vst v0  }
0x4f: {  	[tilespmem:$0x12E00] =	vst v0  }
0x50: {  	[tilespmem:$0x10E80] =	vst v0  }
0x51: {  	[tilespmem:$0x12E80] =	vst v0  }
0x52: {  	[tilespmem:$0x10F00] =	vst v0  }
0x53: {  	[tilespmem:$0x12F00] =	vst v0  }
0x54: {  	[tilespmem:$0x10F80] =	vst v0  }
0x55: {  	[tilespmem:$0x12F80] =	vst v0  }
0x56: {  	[tilespmem:$0x11000] =	vst v0  }
0x57: {  	[tilespmem:$0x13000] =	vst v0  }
0x58: {  	[tilespmem:$0x11080] =	vst v0  }
0x59: {  	[tilespmem:$0x13080] =	vst v0  }
0x5a: {  	[tilespmem:$0x11100] =	vst v0  }
0x5b: {  	[tilespmem:$0x13100] =	vst v0  }
0x5c: {  	[tilespmem:$0x11180] =	vst v0  }
0x5d: {  	[tilespmem:$0x13180] =	vst v0  }
0x5e: {  	[tilespmem:$0x11200] =	vst v0  }
0x5f: {  	[tilespmem:$0x13200] =	vst v0  }
0x60: {  	[tilespmem:$0x11280] =	vst v0  }
0x61: {  	[tilespmem:$0x13280] =	vst v0  }
0x62: {  	[tilespmem:$0x11300] =	vst v0  }
0x63: {  	[tilespmem:$0x13300] =	vst v0  }
0x64: {  	[tilespmem:$0x11380] =	vst v0  }
0x65: {  	[tilespmem:$0x13380] =	vst v0  }
0x66: {  	[tilespmem:$0x11400] =	vst v0  }
0x67: {  	[tilespmem:$0x13400] =	vst v0  }
0x68: {  	[tilespmem:$0x11480] =	vst v0  }
0x69: {  	[tilespmem:$0x13480] =	vst v0  }
0x6a: {  	[tilespmem:$0x11500] =	vst v0  }
0x6b: {  	[tilespmem:$0x13500] =	vst v0  }
0x6c: {  	[tilespmem:$0x11580] =	vst v0  }
0x6d: {  	[tilespmem:$0x13580] =	vst v0  }
0x6e: {  	[tilespmem:$0x11600] =	vst v0  }
0x6f: {  	[tilespmem:$0x13600] =	vst v0  }
0x70: {  	[tilespmem:$0x11680] =	vst v0  }
0x71: {  	[tilespmem:$0x13680] =	vst v0  }
0x72: {  	[tilespmem:$0x11700] =	vst v0  }
0x73: {  	[tilespmem:$0x13700] =	vst v0  }
0x74: {  	[tilespmem:$0x11780] =	vst v0  }
0x75: {  	[tilespmem:$0x13780] =	vst v0  }
0x76: {  	[tilespmem:$0x11800] =	vst v0  }
0x77: {  	[tilespmem:$0x13800] =	vst v0  }
0x78: {  	[tilespmem:$0x11880] =	vst v0  }
0x79: {  	[tilespmem:$0x13880] =	vst v0  }
0x7a: {  	[tilespmem:$0x11900] =	vst v0  }
0x7b: {  	[tilespmem:$0x13900] =	vst v0  }
0x7c: {  	[tilespmem:$0x11980] =	vst v0  }
0x7d: {  	[tilespmem:$0x13980] =	vst v0  }
0x7e: {  	[tilespmem:$0x11A00] =	vst v0  }
0x7f: {  	[tilespmem:$0x13A00] =	vst v0  }
0x80: {  	[tilespmem:$0x11A80] =	vst v0  }
0x81: {  	[tilespmem:$0x13A80] =	vst v0  }
0x82: {  	[tilespmem:$0x11B00] =	vst v0  }
0x83: {  	[tilespmem:$0x13B00] =	vst v0  }
0x84: {  	[tilespmem:$0x11B80] =	vst v0  }
0x85: {  	[tilespmem:$0x13B80] =	vst v0  }
0x86: {  	[tilespmem:$0x11C00] =	vst v0  }
0x87: {  	[tilespmem:$0x13C00] =	vst v0  }
0x88: {  	[tilespmem:$0x11C80] =	vst v0  }
0x89: {  	[tilespmem:$0x13C80] =	vst v0  }
0x8a: {  	[tilespmem:$0x11D00] =	vst v0  }
0x8b: {  	[tilespmem:$0x13D00] =	vst v0  }
0x8c: {  	[tilespmem:$0x11D80] =	vst v0  }
0x8d: {  	[tilespmem:$0x13D80] =	vst v0  }
0x8e: {  	[tilespmem:$0x11E00] =	vst v0  }
0x8f: {  	[tilespmem:$0x13E00] =	vst v0  }
0x90: {  	[tilespmem:$0x11E80] =	vst v0  }
0x91: {  	[tilespmem:$0x13E80] =	vst v0  }
0x92: {  	[tilespmem:$0x11F00] =	vst v0  }
0x93: {  	[tilespmem:$0x13F00] =	vst v0  }
0x94: {  	[tilespmem:$0x11F80] =	vst v0  }
0x95: {  	[tilespmem:$0x13F80] =	vst v0  }
0x96: {  	[tilespmem:$0x12000] =	vst v0  }
0x97: {  	[tilespmem:$0x14000] =	vst v0  }
0x98: {  	[tilespmem:$0x12080] =	vst v0  }
0x99: {  	[tilespmem:$0x14080] =	vst v0  }
0x9a: {  	[tilespmem:$0x12100] =	vst v0  }
0x9b: {  	[tilespmem:$0x14100] =	vst v0  }
0x9c: {  	[tilespmem:$0x12180] =	vst v0  }
0x9d: {  	v2 =	vld [tilespmem:$0x10300];
	[tilespmem:$0x14180] =	vst v0  }
0x9e: {  	v3 =	vld [tilespmem:$0x10310];
	[tilespmem:$0x12200] =	vst v0  }
0x9f: {  	v4 =	vld [tilespmem:$0x10320];
	[tilespmem:$0x14200] =	vst v0  }
0xa0: {  	v5 =	vld [tilespmem:$0x10330];
	[tilespmem:$0x12280] =	vst v0  }
0xa1: {  	v6 =	vld [tilespmem:$0x10340];
	[tilespmem:$0x14280] =	vst v0  }
.Ltmp2:
0xa2: {  	v7 =	vld [tilespmem:$0x10350];
	[tilespmem:$0x12300] =	vst v0;
	(pc) =	sbr.rel .LBB2_2-.Ltmp2, $4  }
0xa3: {  	s29 =	rddreg [dreg:$0x5];
	v8 =	vld [tilespmem:$0x10360];
	[tilespmem:$0x14300] =	vst v0  }
0xa4: {  	v9 =	vld [tilespmem:$0x10370];
	[tilespmem:s4], [sflag:$0x1] =	stream.linear.gather [hbm4b:s29+s4], $0x8000, $0x38  }
0xa5: {  	s31 =	simm.s32 $0x10000;
	s26 =	simm.s32 $0x0;
	s30 =	rddreg [dreg:$0x6]  }
0xa6: {  	[tilespmem:s31], [sflag:$0x2] =	stream.linear.gather [hbm4b:s30+s4], $0x100, $0x38;
	[tilespmem:$0x14380] =	vst v63  }
.LBB2_7:
0xa7: {  	s26 =	sadd.s32 $0x1, s26  }
0xa8: {  	p0 =	seq.s32 s26, $0x4  }
.Ltmp3:
0xa9: {  	_ = 	snop;
	(pc) =	sbr.rel @p0 .LBB2_8-.Ltmp3, $1  }
0xaa: {  	_ =	sdelay $0x3  }
.LBB2_2:
0xab: {  	s29 =	sshll.u32 s26, $0x9  }
0xac: {  	s28 =	sadd.s32 s29, s9  }
0xad: {  	s0 =	sshll.u32 s28, $0x4  }
0xae: {  	s1 =	simm.s32 $0x8000;
	s17 =	sshrl.u32 s28, $0x3;
	s0 =	sadd.s32 s25, s0  }
0xaf: {  	[tilespmem:s1], [sflag:$0x3] =	stream.linear.gather [hbm4b:s0+s4], $0x8000, $0x38;
	[tilespmem:$0x14380] =	vst v63  }
0xb0: {  	s18 =	simm.s32 $0x10180;
	s0 =	sadd.s32 s5, s17  }
0xb1: {  	[tilespmem:s18], [sflag:$0x4] =	stream.linear.gather [hbm4b:s0+s4], $0x100, $0x38;
	[tilespmem:$0x14380] =	vst v63  }
0xb2: {  	_ =	swait.ge [sflag:s19], $0x8000  }
0xb3: {  	[sflag:s19] =	ssyncset.done $0x0  }
0xb4: {  	[sflag:s19] =	ssyncadd.s32 $0xFFFF8000  }
0xb5: {  	_ =	swait.ge [sflag:s20], $0x100  }
0xb6: {  	[sflag:s20] =	ssyncset.done $0x0  }
0xb7: {  	s23 =	simm.s32 $0x10008;
	[sflag:s20] =	ssyncadd.s32 $0xFFFFFF00  }
0xb8: {  	v10 =	vld [tilespmem:s23+$0x7]  }
0xb9: {  	v18 =	vld [tilespmem:s23+$0xFFFFFFF9]  }
0xba: {  	v19 =	vld [tilespmem:s23+$0xFFFFFFFA]  }
0xbb: {  	v20 =	vld [tilespmem:s23+$0xFFFFFFFB]  }
0xbc: {  	v21 =	vld [tilespmem:s23+$0xFFFFFFFC]  }
0xbd: {  	v22 =	vld [tilespmem:s23+$0xFFFFFFFD]  }
0xbe: {  	v23 =	vld [tilespmem:s23+$0xFFFFFFFE]  }
0xbf: {  	v25 =	vld [tilespmem:s23+$0xFFFFFFFF]  }
0xc0: {  	s30 =	simm.s32 $0x400;
	v26 =	vld [tilespmem:s23+$0x0]  }
0xc1: {  	v0 =	vld [tilespmem:s30+$0x380]  }
0xc2: {  	v27 =	vld [tilespmem:s23+$0x1]  }
0xc3: {  	v28 =	vld [tilespmem:s23+$0x2]  }
0xc4: {  	v30 =	vld [tilespmem:s23+$0x3]  }
0xc5: {  	v31 =	vld [tilespmem:s23+$0x4]  }
0xc6: {  	v32 =	vld [tilespmem:s23+$0x5];
	[tilespmem:$0x1FF80] =	vst v0  }
0xc7: {  	v0 =	vld [tilespmem:s30+$0x390];
	_ =	sdelay $0x4  }
0xc8: {  	[tilespmem:$0x1FF90] =	vst v0  }
0xc9: {  	v0 =	vld [tilespmem:s30+$0x3A0];
	_ =	sdelay $0x4  }
0xca: {  	[tilespmem:$0x1FFA0] =	vst v0  }
0xcb: {  	v0 =	vld [tilespmem:s30+$0x3B0];
	_ =	sdelay $0x4  }
0xcc: {  	[tilespmem:$0x1FFB0] =	vst v0  }
0xcd: {  	v0 =	vld [tilespmem:s30+$0x3C0];
	_ =	sdelay $0x4  }
0xce: {  	[tilespmem:$0x1FFC0] =	vst v0  }
0xcf: {  	v0 =	vld [tilespmem:s30+$0x3D0]  }
0xd0: {  	(v2sf) =	vpush v10, $0x0;
	_ =	sdelay $0x3  }
0xd1: {  	[tilespmem:$0x1FFD0] =	vst v0  }
0xd2: {  	v0 =	vld [tilespmem:s30+$0x3E0];
	_ =	sdelay $0x4  }
0xd3: {  	[tilespmem:$0x1FFE0] =	vst v0  }
0xd4: {  	v0 =	vld [tilespmem:s30+$0x3F0];
	_ =	sdelay $0x3  }
0xd5: {  	s24 =	spop (v2sf)  }
0xd6: {  	s0 =	sshll.u32 s24, $0x7;
	[tilespmem:$0x1FFF0] =	vst v0  }
0xd7: {  	[tilespmem:s0+$0x12380] =	vst.add.f32.msk $0xffff, v1  }
0xd8: {  	v35 =	vld [tilespmem:s23+$0x6]  }
0xd9: {  	v40 =	vld [tilespmem:s23+$0xFFFFFFF8]  }
0xda: {  	v41 =	vld [tilespmem:s30+$0xFFFFFC00]  }
0xdb: {  	v44 =	vld [tilespmem:s30+$0xFFFFFC10]  }
0xdc: {  	v45 =	vld [tilespmem:s30+$0xFFFFFC20]  }
0xdd: {  	v46 =	vld [tilespmem:s30+$0xFFFFFC30]  }
0xde: {  	v47 =	vld [tilespmem:s30+$0xFFFFFC40]  }
0xdf: {  	v48 =	vld [tilespmem:s30+$0xFFFFFC50]  }
0xe0: {  	v49 =	vld [tilespmem:s30+$0xFFFFFC60]  }
0xe1: {  	v50 =	vld [tilespmem:s30+$0xFFFFFC70]  }
0xe2: {  	v51 =	vld [tilespmem:s30+$0xFFFFFC80]  }
0xe3: {  	v52 =	vld [tilespmem:s30+$0xFFFFFC90]  }
0xe4: {  	v53 =	vld [tilespmem:s30+$0xFFFFFCA0]  }
0xe5: {  	v54 =	vld [tilespmem:s30+$0xFFFFFCB0]  }
0xe6: {  	v55 =	vld [tilespmem:s30+$0xFFFFFCC0]  }
0xe7: {  	v56 =	vld [tilespmem:s30+$0xFFFFFCD0]  }
0xe8: {  	v57 =	vld [tilespmem:s30+$0xFFFFFCE0]  }
0xe9: {  	v58 =	vld [tilespmem:s30+$0xFFFFFCF0]  }
0xea: {  	v59 =	vld [tilespmem:s30+$0xFFFFFD00]  }
0xeb: {  	v60 =	vld [tilespmem:s30+$0xFFFFFD10]  }
0xec: {  	v61 =	vld [tilespmem:s30+$0xFFFFFD20]  }
0xed: {  	v62 =	vld [tilespmem:s30+$0xFFFFFD30]  }
0xee: {  	v63 =	vld [tilespmem:s30+$0xFFFFFD40]  }
0xef: {  	v0 =	vld [tilespmem:s30+$0xFFFFFD50]  }
0xf0: {  	v10 =	vld [tilespmem:s30+$0xFFFFFD60]  }
0xf1: {  	v11 =	vld [tilespmem:s30+$0xFFFFFD70]  }
0xf2: {  	v12 =	vld [tilespmem:s30+$0xFFFFFD80]  }
0xf3: {  	v13 =	vld [tilespmem:s30+$0xFFFFFD90]  }
0xf4: {  	v14 =	vld [tilespmem:s30+$0xFFFFFDA0]  }
0xf5: {  	v15 =	vld [tilespmem:s30+$0xFFFFFDB0]  }
0xf6: {  	v16 =	vld [tilespmem:s30+$0xFFFFFDC0]  }
0xf7: {  	v17 =	vld [tilespmem:s30+$0xFFFFFDD0]  }
0xf8: {  	v24 =	vld [tilespmem:s30+$0xFFFFFDE0]  }
0xf9: {  	(v2sf) =	vpush v18, $0x0;
	v29 =	vld [tilespmem:s30+$0xFFFFFDF0]  }
0xfa: {  	(v2sf) =	vpush v19, $0x0;
	v43 =	vld [tilespmem:s30+$0xFFFFFE00]  }
0xfb: {  	(v2sf) =	vpush v20, $0x0;
	v42 =	vld [tilespmem:s30+$0xFFFFFE10]  }
0xfc: {  	(v2sf) =	vpush v21, $0x0;
	v36 =	vld [tilespmem:s30+$0xFFFFFE20]  }
0xfd: {  	(v2sf) =	vpush v22, $0x0;
	v37 =	vld [tilespmem:s30+$0xFFFFFE30]  }
0xfe: {  	(v2sf) =	vpush v23, $0x0;
	v33 =	vld [tilespmem:s30+$0xFFFFFE40]  }
0xff: {  	(v2sf) =	vpush v25, $0x0;
	v38 =	vld [tilespmem:s30+$0xFFFFFE50]  }
0x100: {  	(v2sf) =	vpush v26, $0x0;
	v34 =	vld [tilespmem:s30+$0xFFFFFE60]  }
0x101: {  	(v2sf) =	vpush v27, $0x0;
	v39 =	vld [tilespmem:s30+$0xFFFFFE70]  }
0x102: {  	(v2sf) =	vpush v28, $0x0;
	v21 =	vld [tilespmem:s30+$0xFFFFFE80]  }
0x103: {  	(v2sf) =	vpush v30, $0x0;
	v18 =	vld [tilespmem:s30+$0xFFFFFE90]  }
0x104: {  	(v2sf) =	vpush v31, $0x0;
	v22 =	vld [tilespmem:s30+$0xFFFFFEA0]  }
0x105: {  	(v2sf) =	vpush v32, $0x0;
	v32 =	vld [tilespmem:s30+$0xFFFFFF00]  }
0x106: {  	v25 =	vld [tilespmem:s30+$0xFFFFFEB0]  }
0x107: {  	v26 =	vld [tilespmem:s30+$0xFFFFFEC0]  }
0x108: {  	v23 =	vld [tilespmem:s30+$0xFFFFFED0]  }
0x109: {  	v27 =	vld [tilespmem:s30+$0xFFFFFEE0]  }
0x10a: {  	v30 =	vld [tilespmem:s30+$0xFFFFFEF0];
	[tilespmem:$0x1FF70] =	vst v32  }
0x10b: {  	v31 =	vmul.f32 v41, v2;
	v20 =	vld [tilespmem:s30+$0xFFFFFF10]  }
0x10c: {  	(v2sf) =	vpush v35, $0x0;
	v32 =	vmul.f32 v44, v3;
	v35 =	vmul.f32 v45, v4;
	v19 =	vld [tilespmem:s30+$0xFFFFFF20]  }
0x10d: {  	v41 =	vmul.f32 v47, v6;
	v44 =	vmul.f32 v48, v7;
	v48 =	vld [tilespmem:s30+$0xFFFFFF30]  }
0x10e: {  	v45 =	vmul.f32 v49, v8;
	v50 =	vmul.f32 v50, v9;
	v28 =	vld [tilespmem:s30+$0xFFFFFF40]  }
0x10f: {  	(v2sf) =	vpush v40, $0x0;
	v40 =	vmul.f32 v46, v5;
	v46 =	vmul.f32 v55, v6;
	v55 =	vld [tilespmem:s30+$0xFFFFFFC0]  }
0x110: {  	v57 =	vmul.f32 v57, v8;
	v58 =	vmul.f32 v58, v9;
	v49 =	vadd.f32 v32, v31;
	v31 =	vld [tilespmem:s30+$0xFFFFFF50]  }
0x111: {  	v63 =	vmul.f32 v63, v6;
	v0 =	vmul.f32 v0, v7;
	v32 =	vld [tilespmem:s30+$0xFFFFFF60]  }
0x112: {  	v10 =	vmul.f32 v10, v8;
	v11 =	vmul.f32 v11, v9;
	v41 =	vadd.f32 v44, v41;
	v44 =	vld [tilespmem:s30+$0xFFFFFF90]  }
0x113: {  	v50 =	vadd.f32 v50, v45;
	v0 =	vadd.f32 v0, v63;
	v63 =	vmul.f32 v29, v9;
	v29 =	vld [tilespmem:s30+$0x60]  }
0x114: {  	v52 =	vmul.f32 v52, v3;
	v10 =	vadd.f32 v11, v10;
	v40 =	vadd.f32 v40, v35;
	v35 =	vld [tilespmem:s30+$0xFFFFFF70]  }
0x115: {  	v61 =	vmul.f32 v61, v4;
	v41 =	vadd.f32 v50, v41;
	v50 =	vadd.f32 v58, v57;
	v57 =	vld [tilespmem:s30+$0xFFFFFFD0]  }
0x116: {  	v62 =	vmul.f32 v62, v5;
	v45 =	vmul.f32 v51, v2;
	v58 =	vld [tilespmem:s30+$0xFFFFFFE0]  }
0x117: {  	v0 =	vadd.f32 v10, v0;
	v10 =	vld [tilespmem:s30+$0x30]  }
0x118: {  	v45 =	vadd.f32 v52, v45;
	v52 =	vadd.f32 v62, v61;
	v61 =	vmul.f32 v17, v7;
	v17 =	vld [tilespmem:s30+$0x50]  }
0x119: {  	v62 =	vmul.f32 v24, v8;
	v24 =	vld [tilespmem:s30+$0xD0]  }
0x11a: {  	v56 =	vmul.f32 v56, v7;
	v47 =	vadd.f32 v40, v49;
	v40 =	vld [tilespmem:s30+$0xFFFFFF80]  }
0x11b: {  	v54 =	vmul.f32 v54, v5;
	v49 =	vmul.f32 v53, v4;
	v53 =	vld [tilespmem:s30+$0xFFFFFFB0]  }
0x11c: {  	v51 =	vadd.f32 v41, v47;
	v47 =	vld [tilespmem:s30+$0xFFFFFFA0];
	v41 =	vadd.f32 v56, v46  }
0x11d: {  	v49 =	vadd.f32 v54, v49;
	v46 =	vmul.f32 v59, v2;
	v59 =	vld [tilespmem:s30+$0xFFFFFFF0]  }
0x11e: {  	v60 =	vmul.f32 v60, v3;
	v50 =	vadd.f32 v50, v41;
	v41 =	vld [tilespmem:s30+$0x0]  }
0x11f: {  	v49 =	vadd.f32 v49, v45;
	v45 =	vld [tilespmem:s30+$0x10]  }
0x120: {  	v54 =	vadd.f32 v60, v46;
	v46 =	vld [tilespmem:s30+$0x20]  }
0x121: {  	v60 =	vmul.f32 v13, v3;
	v13 =	vld [tilespmem:s30+$0x40]  }
0x122: {  	s14 =	spop (v2sf);
	v11 =	vadd.f32 v50, v49;
	v50 =	vmul.f32 v42, v3;
	v42 =	vld [tilespmem:s30+$0x80]  }
0x123: {  	s15 =	spop (v2sf);
	v56 =	vadd.f32 v52, v54;
	v52 =	vmul.f32 v37, v5;
	v37 =	vld [tilespmem:s30+$0x90]  }
0x124: {  	s16 =	spop (v2sf);
	v49 =	vmul.f32 v43, v2;
	v43 =	vmul.f32 v27, v8;
	v27 =	vld [tilespmem:s30+$0x100]  }
0x125: {  	s14 =	sshll.u32 s14, $0x7;
	s17 =	spop (v2sf);
	v54 =	vmul.f32 v33, v6;
	v33 =	vmul.f32 v22, v4;
	v22 =	vld [tilespmem:s30+$0x120]  }
0x126: {  	s24 =	spop (v2sf);
	v14 =	vmul.f32 v14, v4;
	[tilespmem:s14+$0x10380] =	vst.add.f32.msk $0xffff, v11  }
0x127: {  	s23 =	spop (v2sf);
	v15 =	vmul.f32 v15, v5;
	v0 =	vadd.f32 v0, v56;
	v56 =	vmul.f32 v38, v7;
	v38 =	vld [tilespmem:s30+$0xA0]  }
0x128: {  	s18 =	spop (v2sf);
	v11 =	vmul.f32 v12, v2;
	v12 =	vadd.f32 v63, v62;
	v63 =	vmul.f32 v21, v2;
	v21 =	vld [tilespmem:s30+$0xE0]  }
0x129: {  	s12 =	spop (v2sf);
	v14 =	vadd.f32 v15, v14;
	v15 =	vadd.f32 v50, v49;
	v50 =	vmul.f32 v19, v4;
	v19 =	vld [tilespmem:s30+$0x140]  }
0x12a: {  	s15 =	sshll.u32 s15, $0x7;
	s11 =	spop (v2sf);
	v49 =	vmul.f32 v30, v9;
	v30 =	vld [tilespmem:s30+$0x160]  }
0x12b: {  	s8 =	spop (v2sf);
	v17 =	vmul.f32 v17, v7;
	[tilespmem:s15+$0x10380] =	vst.add.f32.msk $0xffff, v0  }
0x12c: {  	s7 =	spop (v2sf);
	v13 =	vmul.f32 v13, v6;
	v0 =	vmul.f32 v16, v6;
	v16 =	vld [tilespmem:s30+$0x70]  }
0x12d: {  	s3 =	spop (v2sf);
	v11 =	vadd.f32 v60, v11;
	v60 =	vmul.f32 v34, v8;
	v34 =	vmul.f32 v25, v5;
	v25 =	vld [tilespmem:s30+$0xF0]  }
0x12e: {  	s6 =	smov.u32 s25;
	s25 =	spop (v2sf);
	v13 =	vadd.f32 v17, v13;
	v17 =	vld [tilespmem:s30+$0x250]  }
0x12f: {  	s2 =	spop (v2sf);
	v0 =	vadd.f32 v61, v0;
	v61 =	vmul.f32 v39, v9;
	v39 =	vld [tilespmem:s30+$0xB0]  }
0x130: {  	s13 =	spop (v2sf);
	v11 =	vadd.f32 v14, v11;
	v14 =	vadd.f32 v34, v33;
	v34 =	vld [tilespmem:s30+$0x180]  }
0x131: {  	s13 =	sshll.u32 s13, $0x7;
	v33 =	vld [tilespmem:s30+$0x1C0]  }
0x132: {  	v42 =	vmul.f32 v42, v2;
	v37 =	vmul.f32 v37, v3;
	[tilespmem:s13+$0x10380] =	vst.add.f32.msk $0xffff, v51  }
0x133: {  	v51 =	vmul.f32 v36, v4;
	v36 =	vld [tilespmem:s30+$0xC0]  }
0x134: {  	v37 =	vadd.f32 v37, v42;
	v42 =	vmul.f32 v24, v7;
	v24 =	vld [tilespmem:s30+$0x290]  }
0x135: {  	v0 =	vadd.f32 v12, v0;
	v12 =	vadd.f32 v56, v54;
	v56 =	vmul.f32 v32, v8;
	v32 =	vld [tilespmem:s30+$0x170]  }
0x136: {  	v62 =	vadd.f32 v61, v60;
	v61 =	vmul.f32 v40, v2;
	v40 =	vld [tilespmem:s30+$0x190]  }
0x137: {  	v21 =	vmul.f32 v21, v8;
	v54 =	vmul.f32 v31, v7;
	v31 =	vld [tilespmem:s30+$0x1B0]  }
0x138: {  	v60 =	vmul.f32 v35, v9;
	v35 =	vld [tilespmem:s30+$0x1D0];
	v25 =	vmul.f32 v25, v9;
	v0 =	vadd.f32 v0, v11  }
0x139: {  	v11 =	vadd.f32 v52, v51;
	v12 =	vadd.f32 v62, v12;
	v62 =	vmul.f32 v44, v3;
	v44 =	vld [tilespmem:s30+$0x1A0]  }
0x13a: {  	s16 =	sshll.u32 s16, $0x7;
	v18 =	vmul.f32 v18, v3;
	v23 =	vmul.f32 v23, v7;
	v21 =	vadd.f32 v25, v21;
	v25 =	vld [tilespmem:s30+$0x2C0]  }
0x13b: {  	v38 =	vmul.f32 v38, v4;
	v39 =	vmul.f32 v39, v5;
	v11 =	vadd.f32 v11, v15;
	[tilespmem:s16+$0x10380] =	vst.add.f32.msk $0xffff, v0  }
0x13c: {  	v51 =	vmul.f32 v48, v5;
	v0 =	vmul.f32 v26, v6;
	v15 =	vadd.f32 v18, v63;
	v18 =	vld [tilespmem:s30+$0x110]  }
0x13d: {  	v48 =	vmul.f32 v53, v5;
	v26 =	vld [tilespmem:s30+$0x150];
	v38 =	vadd.f32 v39, v38;
	v11 =	vadd.f32 v12, v11  }
0x13e: {  	v63 =	vmul.f32 v47, v4;
	v0 =	vadd.f32 v23, v0;
	v12 =	vadd.f32 v49, v43;
	v23 =	vld [tilespmem:s30+$0x130]  }
0x13f: {  	v19 =	vmul.f32 v19, v6;
	v14 =	vadd.f32 v14, v15;
	v15 =	vadd.f32 v60, v56;
	v60 =	vld [tilespmem:s30+$0x210]  }
0x140: {  	v52 =	vmul.f32 v28, v6;
	v28 =	vadd.f32 v48, v63;
	v48 =	vld [tilespmem:s30+$0x2B0];
	v37 =	vadd.f32 v38, v37  }
0x141: {  	s17 =	sshll.u32 s17, $0x7;
	v38 =	vld [tilespmem:s30+$0x2D0];
	v0 =	vadd.f32 v12, v0;
	v12 =	vadd.f32 v51, v50;
	v50 =	vmul.f32 v57, v7  }
0x142: {  	[tilespmem:s17+$0x10380] =	vst.add.f32.msk $0xffff, v11;
	v51 =	vmul.f32 v58, v8;
	v57 =	vmul.f32 v41, v2  }
0x143: {  	v58 =	vmul.f32 v45, v3;
	v11 =	vld [tilespmem:$0x1FF70];
	v26 =	vmul.f32 v26, v7  }
0x144: {  	v0 =	vadd.f32 v0, v14;
	v14 =	vadd.f32 v54, v52;
	v52 =	vmul.f32 v59, v9;
	v59 =	vld [tilespmem:s30+$0x200]  }
0x145: {  	v41 =	vadd.f32 v58, v57;
	v57 =	vld [tilespmem:s30+$0x350]  }
0x146: {  	s24 =	sshll.u32 s24, $0x7;
	v20 =	vmul.f32 v20, v3;
	v19 =	vadd.f32 v26, v19;
	v26 =	vld [tilespmem:s30+$0x300]  }
0x147: {  	v22 =	vmul.f32 v22, v4;
	v16 =	vmul.f32 v16, v9;
	[tilespmem:s24+$0x10380] =	vst.add.f32.msk $0xffff, v0  }
0x148: {  	v23 =	vmul.f32 v23, v5;
	v0 =	vld [tilespmem:s30+$0x1E0];
	v11 =	vmul.f32 v11, v2  }
0x149: {  	v14 =	vadd.f32 v15, v14;
	v15 =	vadd.f32 v52, v51;
	v51 =	vmul.f32 v34, v2;
	v34 =	vld [tilespmem:s30+$0x310]  }
0x14a: {  	v22 =	vadd.f32 v23, v22;
	v23 =	vld [tilespmem:s30+$0x2F0];
	v58 =	vmul.f32 v59, v2;
	v11 =	vadd.f32 v20, v11  }
0x14b: {  	v59 =	vmul.f32 v60, v3;
	v60 =	vld [tilespmem:s30+$0x360];
	v20 =	vadd.f32 v62, v61;
	v61 =	vmul.f32 v29, v8  }
0x14c: {  	v49 =	vmul.f32 v55, v6;
	v29 =	vld [tilespmem:s30+$0x230];
	v11 =	vadd.f32 v12, v11  }
0x14d: {  	v53 =	vadd.f32 v28, v20;
	v20 =	vld [tilespmem:s30+$0x1F0];
	v16 =	vadd.f32 v16, v61  }
0x14e: {  	v12 =	vadd.f32 v50, v49;
	v50 =	vmul.f32 v32, v9;
	v32 =	vld [tilespmem:s30+$0x2E0];
	v11 =	vadd.f32 v14, v11  }
0x14f: {  	s23 =	sshll.u32 s23, $0x7;
	v13 =	vadd.f32 v16, v13;
	v16 =	vld [tilespmem:s30+$0x270]  }
0x150: {  	[tilespmem:s23+$0x10380] =	vst.add.f32.msk $0xffff, v11  }
0x151: {  	v12 =	vadd.f32 v15, v12;
	v11 =	vld [tilespmem:$0x1FF80]  }
0x152: {  	v54 =	vld [tilespmem:$0x1FF90]  }
0x153: {  	v12 =	vadd.f32 v12, v53;
	v55 =	vld [tilespmem:$0x1FFA0]  }
0x154: {  	s18 =	sshll.u32 s18, $0x7;
	v56 =	vld [tilespmem:$0x1FFB0]  }
0x155: {  	[tilespmem:s18+$0x10380] =	vst.add.f32.msk $0xffff, v12  }
0x156: {  	v62 =	vld [tilespmem:$0x1FFC0]  }
0x157: {  	v63 =	vld [tilespmem:$0x1FFD0]  }
0x158: {  	[tilespmem:s13+$0x12380] =	vst.add.f32.msk $0xffff, v1  }
0x159: {  	v10 =	vmul.f32 v10, v5;
	v27 =	vmul.f32 v27, v2;
	[tilespmem:s14+$0x12380] =	vst.add.f32.msk $0xffff, v1  }
0x15a: {  	v17 =	vmul.f32 v17, v7;
	v33 =	vmul.f32 v33, v6;
	[tilespmem:s15+$0x12380] =	vst.add.f32.msk $0xffff, v1  }
0x15b: {  	[tilespmem:s16+$0x12380] =	vst.add.f32.msk $0xffff, v1;
	v11 =	vmul.f32 v11, v2;
	v14 =	vmul.f32 v54, v3  }
0x15c: {  	v36 =	vmul.f32 v36, v6;
	[tilespmem:s17+$0x12380] =	vst.add.f32.msk $0xffff, v1;
	v15 =	vmul.f32 v55, v4  }
0x15d: {  	v28 =	vmul.f32 v56, v5;
	v54 =	vld [tilespmem:s30+$0x330];
	v14 =	vadd.f32 v14, v11;
	v11 =	vmul.f32 v46, v4  }
0x15e: {  	v56 =	vld [tilespmem:s30+$0x340];
	v46 =	vmul.f32 v62, v6;
	v47 =	vmul.f32 v63, v7  }
0x15f: {  	v31 =	vmul.f32 v31, v5;
	v18 =	vmul.f32 v18, v3;
	v15 =	vadd.f32 v28, v15;
	v28 =	vld [tilespmem:s30+$0x220]  }
0x160: {  	v45 =	vmul.f32 v24, v3;
	v52 =	vmul.f32 v40, v3;
	v12 =	vadd.f32 v47, v46;
	v46 =	vld [tilespmem:s30+$0x260]  }
0x161: {  	v18 =	vadd.f32 v18, v27;
	v48 =	vmul.f32 v48, v5;
	v63 =	vld [tilespmem:s30+$0x370];
	v10 =	vadd.f32 v10, v11  }
0x162: {  	v27 =	vadd.f32 v52, v51;
	v57 =	vmul.f32 v57, v7;
	v52 =	vmul.f32 v26, v2;
	v11 =	vld [tilespmem:s30+$0x240]  }
0x163: {  	v0 =	vmul.f32 v0, v8;
	v49 =	vmul.f32 v30, v8;
	v47 =	vld [tilespmem:s30+$0x2A0];
	v10 =	vadd.f32 v10, v41  }
0x164: {  	v18 =	vadd.f32 v22, v18;
	v23 =	vmul.f32 v23, v9;
	v53 =	vmul.f32 v44, v4;
	v41 =	vld [tilespmem:s30+$0x280]  }
0x165: {  	v10 =	vadd.f32 v13, v10;
	v13 =	vadd.f32 v42, v36;
	v42 =	vmul.f32 v46, v8;
	v46 =	vld [tilespmem:$0x1FFE0]  }
0x166: {  	v43 =	vadd.f32 v59, v58;
	v58 =	vmul.f32 v60, v8;
	v20 =	vmul.f32 v20, v9;
	[tilespmem:s24+$0x12380] =	vst.add.f32.msk $0xffff, v1  }
0x167: {  	v51 =	vmul.f32 v32, v8;
	v22 =	vadd.f32 v31, v53;
	v53 =	vmul.f32 v34, v3;
	[tilespmem:s23+$0x12380] =	vst.add.f32.msk $0xffff, v1  }
0x168: {  	s12 =	sshll.u32 s12, $0x7;
	v16 =	vmul.f32 v16, v9;
	[tilespmem:s18+$0x12380] =	vst.add.f32.msk $0xffff, v1;
	v13 =	vadd.f32 v21, v13;
	v21 =	vadd.f32 v50, v49  }
0x169: {  	s11 =	sshll.u32 s11, $0x7;
	v0 =	vadd.f32 v20, v0;
	v62 =	vmul.f32 v29, v5;
	v61 =	vmul.f32 v28, v4;
	[tilespmem:s12+$0x12380] =	vst.add.f32.msk $0xffff, v1  }
0x16a: {  	v22 =	vadd.f32 v22, v27;
	v59 =	vmul.f32 v63, v9;
	[tilespmem:s11+$0x12380] =	vst.add.f32.msk $0xffff, v1;
	v19 =	vadd.f32 v21, v19  }
0x16b: {  	v11 =	vmul.f32 v11, v6;
	v20 =	vadd.f32 v62, v61;
	[tilespmem:s12+$0x10380] =	vst.add.f32.msk $0xffff, v10;
	v13 =	vadd.f32 v13, v37  }
0x16c: {  	v55 =	vmul.f32 v35, v7;
	v60 =	vadd.f32 v59, v58;
	v21 =	vld [tilespmem:s30+$0x320];
	v18 =	vadd.f32 v19, v18  }
0x16d: {  	s8 =	sshll.u32 s8, $0x7;
	v49 =	vmul.f32 v25, v6;
	v11 =	vadd.f32 v17, v11;
	v16 =	vadd.f32 v16, v42;
	[tilespmem:s11+$0x10380] =	vst.add.f32.msk $0xffff, v13  }
0x16e: {  	v50 =	vmul.f32 v38, v7;
	v44 =	vmul.f32 v41, v2;
	v20 =	vadd.f32 v20, v43;
	[tilespmem:s8+$0x10380] =	vst.add.f32.msk $0xffff, v18  }
0x16f: {  	v54 =	vmul.f32 v54, v5;
	v11 =	vadd.f32 v16, v11;
	v19 =	vadd.f32 v55, v33;
	v18 =	vld [tilespmem:$0x1FFF0]  }
0x170: {  	v47 =	vmul.f32 v47, v4;
	v10 =	vadd.f32 v50, v49;
	v17 =	vadd.f32 v45, v44  }
0x171: {  	v56 =	vmul.f32 v56, v6;
	v11 =	vadd.f32 v11, v20;
	v0 =	vadd.f32 v0, v19  }
0x172: {  	s3 =	sshll.u32 s3, $0x7;
	v16 =	vmul.f32 v46, v8;
	v20 =	vadd.f32 v53, v52;
	v19 =	vadd.f32 v48, v47  }
0x173: {  	v21 =	vmul.f32 v21, v4;
	[tilespmem:s3+$0x10380] =	vst.add.f32.msk $0xffff, v11;
	v11 =	vadd.f32 v15, v14;
	v0 =	vadd.f32 v0, v22  }
0x174: {  	s7 =	sshll.u32 s7, $0x7;
	[tilespmem:s8+$0x12380] =	vst.add.f32.msk $0xffff, v1;
	v22 =	vadd.f32 v23, v51;
	v55 =	vadd.f32 v19, v17;
	v18 =	vmul.f32 v18, v9  }
0x175: {  	[tilespmem:s7+$0x12380] =	vst.add.f32.msk $0xffff, v1;
	v17 =	vadd.f32 v57, v56;
	v21 =	vadd.f32 v54, v21  }
0x176: {  	v10 =	vadd.f32 v22, v10;
	[tilespmem:s7+$0x10380] =	vst.add.f32.msk $0xffff, v0;
	v0 =	vadd.f32 v18, v16  }
0x177: {  	s1 =	sshll.u32 s25, $0x7;
	[tilespmem:s3+$0x12380] =	vst.add.f32.msk $0xffff, v1;
	v62 =	vadd.f32 v60, v17;
	v61 =	vadd.f32 v21, v20  }
0x178: {  	s2 =	sshll.u32 s2, $0x7;
	[tilespmem:s1+$0x12380] =	vst.add.f32.msk $0xffff, v1;
	v10 =	vadd.f32 v10, v55;
	v0 =	vadd.f32 v0, v12  }
0x179: {  	[tilespmem:s2+$0x12380] =	vst.add.f32.msk $0xffff, v1;
	v63 =	vadd.f32 v62, v61  }
0x17a: {  	[tilespmem:s1+$0x10380] =	vst.add.f32.msk $0xffff, v10;
	v0 =	vadd.f32 v0, v11  }
0x17b: {  	[tilespmem:s2+$0x10380] =	vst.add.f32.msk $0xffff, v63  }
0x17c: {  	s31 =	simm.s32 $0x0;
	[tilespmem:s0+$0x10380] =	vst.add.f32.msk $0xffff, v0;
	s0 =	simm.s32 $0x10018  }
.LBB2_3:
0x17d: {  	v0 =	vld [tilespmem:s0+$0x7];
	s31 =	sadd.s32 $0x10, s31  }
0x17e: {  	v10 =	vld [tilespmem:s0+$0xFFFFFFF9];
	p0 =	slt.u32 s31, $0xF0  }
0x17f: {  	v11 =	vld [tilespmem:s0+$0xFFFFFFFA]  }
0x180: {  	v12 =	vld [tilespmem:s0+$0xFFFFFFFB]  }
0x181: {  	v13 =	vld [tilespmem:s0+$0xFFFFFFFC]  }
0x182: {  	v14 =	vld [tilespmem:s0+$0xFFFFFFFD];
	(v2sf) =	vpush v0, $0x0  }
0x183: {  	v0 =	vld [tilespmem:s0+$0xFFFFFFFE];
	(v2sf) =	vpush v10, $0x0  }
0x184: {  	v10 =	vld [tilespmem:s0+$0xFFFFFFFF];
	(v2sf) =	vpush v11, $0x0  }
0x185: {  	v11 =	vld [tilespmem:s0+$0x0];
	(v2sf) =	vpush v12, $0x0  }
0x186: {  	v12 =	vld [tilespmem:s0+$0x1];
	(v2sf) =	vpush v13, $0x0  }
0x187: {  	v13 =	vld [tilespmem:s0+$0x2];
	(v2sf) =	vpush v14, $0x0  }
0x188: {  	v14 =	vld [tilespmem:s0+$0x3];
	(v2sf) =	vpush v0, $0x0  }
0x189: {  	v0 =	vld [tilespmem:s0+$0x4];
	(v2sf) =	vpush v10, $0x0  }
0x18a: {  	s30 =	sadd.s32 $0x800, s30;
	v10 =	vld [tilespmem:s0+$0x5];
	(v2sf) =	vpush v11, $0x0  }
0x18b: {  	v11 =	vld [tilespmem:s30+$0x380];
	(v2sf) =	vpush v12, $0x0  }
0x18c: {  	v12 =	vld [tilespmem:s30+$0x390];
	(v2sf) =	vpush v13, $0x0  }
0x18d: {  	v13 =	vld [tilespmem:s30+$0x3A0];
	(v2sf) =	vpush v14, $0x0  }
0x18e: {  	v14 =	vld [tilespmem:s30+$0x3B0];
	(v2sf) =	vpush v0, $0x0  }
0x18f: {  	v0 =	vld [tilespmem:s30+$0x3C0];
	(v2sf) =	vpush v10, $0x0  }
0x190: {  	v10 =	vmul.f32 v11, v2;
	v11 =	vld [tilespmem:s30+$0x3D0]  }
0x191: {  	v12 =	vmul.f32 v12, v3;
	v15 =	vld [tilespmem:s30+$0x3E0];
	s1 =	spop (v2sf)  }
0x192: {  	v13 =	vmul.f32 v13, v4;
	v16 =	vld [tilespmem:s30+$0x3F0];
	s2 =	sshll.u32 s1, $0x7;
	s1 =	spop (v2sf)  }
0x193: {  	s16 =	sshll.u32 s1, $0x7;
	v14 =	vmul.f32 v14, v5;
	v10 =	vadd.f32 v12, v10;
	[tilespmem:s2+$0x12380] =	vst.add.f32.msk $0xffff, v1;
	s1 =	spop (v2sf)  }
0x194: {  	s3 =	sshll.u32 s1, $0x7;
	v12 =	vld [tilespmem:s0+$0x6];
	v0 =	vmul.f32 v0, v6;
	s1 =	spop (v2sf)  }
0x195: {  	v17 =	vld [tilespmem:s0+$0xFFFFFFF8];
	s14 =	sshll.u32 s1, $0x7;
	v11 =	vmul.f32 v11, v7;
	v13 =	vadd.f32 v14, v13;
	s1 =	spop (v2sf)  }
0x196: {  	v14 =	vld [tilespmem:s30+$0xFFFFFC00];
	s23 =	sshll.u32 s1, $0x7;
	v15 =	vmul.f32 v15, v8;
	s1 =	spop (v2sf)  }
0x197: {  	v18 =	vld [tilespmem:s30+$0xFFFFFC10];
	s24 =	sshll.u32 s1, $0x7;
	v16 =	vmul.f32 v16, v9;
	v0 =	vadd.f32 v11, v0;
	v10 =	vadd.f32 v13, v10;
	s1 =	spop (v2sf)  }
0x198: {  	v11 =	vld [tilespmem:s30+$0xFFFFFC20];
	s7 =	sshll.u32 s1, $0x7;
	s1 =	spop (v2sf)  }
0x199: {  	v13 =	vld [tilespmem:s30+$0xFFFFFC30];
	s8 =	sshll.u32 s1, $0x7;
	v15 =	vadd.f32 v16, v15;
	s1 =	spop (v2sf);
	(v2sf) =	vpush v12, $0x0  }
0x19a: {  	v12 =	vld [tilespmem:s30+$0xFFFFFC40];
	s11 =	sshll.u32 s1, $0x7;
	(v2sf) =	vpush v17, $0x0;
	s1 =	spop (v2sf)  }
0x19b: {  	v14 =	vmul.f32 v14, v2;
	v16 =	vld [tilespmem:s30+$0xFFFFFC50];
	s12 =	sshll.u32 s1, $0x7;
	v0 =	vadd.f32 v15, v0;
	s1 =	spop (v2sf)  }
0x19c: {  	v15 =	vmul.f32 v18, v3;
	v17 =	vld [tilespmem:s30+$0xFFFFFC60];
	s13 =	sshll.u32 s1, $0x7;
	s1 =	spop (v2sf)  }
0x19d: {  	v11 =	vmul.f32 v11, v4;
	v18 =	vld [tilespmem:s30+$0xFFFFFC70];
	s15 =	sshll.u32 s1, $0x7;
	v10 =	vadd.f32 v0, v10;
	s1 =	spop (v2sf)  }
0x19e: {  	v0 =	vmul.f32 v13, v5;
	v13 =	vadd.f32 v15, v14;
	v14 =	vld [tilespmem:s30+$0xFFFFFC80];
	s25 =	sshll.u32 s1, $0x7;
	s1 =	spop (v2sf)  }
0x19f: {  	v12 =	vmul.f32 v12, v6;
	v15 =	vld [tilespmem:s30+$0xFFFFFC90];
	s17 =	sshll.u32 s1, $0x7  }
0x1a0: {  	v16 =	vmul.f32 v16, v7;
	v0 =	vadd.f32 v0, v11;
	v11 =	vld [tilespmem:s30+$0xFFFFFCA0]  }
0x1a1: {  	v17 =	vmul.f32 v17, v8;
	v19 =	vld [tilespmem:s30+$0xFFFFFCB0]  }
0x1a2: {  	v18 =	vmul.f32 v18, v9;
	v12 =	vadd.f32 v16, v12;
	v0 =	vadd.f32 v0, v13;
	v13 =	vld [tilespmem:s30+$0xFFFFFCC0]  }
0x1a3: {  	v14 =	vmul.f32 v14, v2;
	v16 =	vld [tilespmem:s30+$0xFFFFFCD0]  }
0x1a4: {  	v17 =	vadd.f32 v18, v17;
	v15 =	vmul.f32 v15, v3;
	v18 =	vld [tilespmem:s30+$0xFFFFFCE0]  }
0x1a5: {  	v20 =	vmul.f32 v11, v4;
	v21 =	vld [tilespmem:s30+$0xFFFFFCF0]  }
0x1a6: {  	v11 =	vadd.f32 v17, v12;
	v12 =	vmul.f32 v19, v5;
	v14 =	vadd.f32 v15, v14;
	v15 =	vld [tilespmem:s30+$0xFFFFFD00]  }
0x1a7: {  	v13 =	vmul.f32 v13, v6;
	v17 =	vld [tilespmem:s30+$0xFFFFFD10]  }
0x1a8: {  	v11 =	vadd.f32 v11, v0;
	v0 =	vmul.f32 v16, v7;
	v12 =	vadd.f32 v12, v20;
	v16 =	vld [tilespmem:s30+$0xFFFFFD20];
	s1 =	spop (v2sf)  }
0x1a9: {  	v18 =	vmul.f32 v18, v8;
	v19 =	vld [tilespmem:s30+$0xFFFFFD30];
	s18 =	sshll.u32 s1, $0x7;
	s1 =	spop (v2sf)  }
0x1aa: {  	s1 =	sshll.u32 s1, $0x7;
	v20 =	vmul.f32 v21, v9;
	v0 =	vadd.f32 v0, v13;
	v12 =	vadd.f32 v12, v14;
	v13 =	vld [tilespmem:s30+$0xFFFFFD40]  }
0x1ab: {  	v14 =	vmul.f32 v15, v2;
	v15 =	vld [tilespmem:s30+$0xFFFFFD50]  }
0x1ac: {  	v18 =	vadd.f32 v20, v18;
	v17 =	vmul.f32 v17, v3;
	v20 =	vld [tilespmem:s30+$0xFFFFFD60]  }
0x1ad: {  	v16 =	vmul.f32 v16, v4;
	v21 =	vld [tilespmem:s30+$0xFFFFFD70]  }
0x1ae: {  	v0 =	vadd.f32 v18, v0;
	v18 =	vmul.f32 v19, v5;
	v14 =	vadd.f32 v17, v14;
	v17 =	vld [tilespmem:s30+$0xFFFFFD80]  }
0x1af: {  	v13 =	vmul.f32 v13, v6;
	v19 =	vld [tilespmem:s30+$0xFFFFFD90]  }
0x1b0: {  	v12 =	vadd.f32 v0, v12;
	v0 =	vmul.f32 v15, v7;
	v15 =	vadd.f32 v18, v16;
	v16 =	vld [tilespmem:s30+$0xFFFFFDA0]  }
0x1b1: {  	v18 =	vmul.f32 v20, v8;
	v20 =	vld [tilespmem:s30+$0xFFFFFDB0]  }
0x1b2: {  	v21 =	vmul.f32 v21, v9;
	v0 =	vadd.f32 v0, v13;
	v13 =	vadd.f32 v15, v14;
	v14 =	vld [tilespmem:s30+$0xFFFFFDC0]  }
0x1b3: {  	v15 =	vmul.f32 v17, v2;
	v17 =	vld [tilespmem:s30+$0xFFFFFDD0]  }
0x1b4: {  	v18 =	vadd.f32 v21, v18;
	v19 =	vmul.f32 v19, v3;
	v21 =	vld [tilespmem:s30+$0xFFFFFDE0]  }
0x1b5: {  	v16 =	vmul.f32 v16, v4;
	v22 =	vld [tilespmem:s30+$0xFFFFFDF0]  }
0x1b6: {  	v0 =	vadd.f32 v18, v0;
	v18 =	vmul.f32 v20, v5;
	v15 =	vadd.f32 v19, v15;
	v19 =	vld [tilespmem:s30+$0xFFFFFE00]  }
0x1b7: {  	v14 =	vmul.f32 v14, v6;
	v20 =	vld [tilespmem:s30+$0xFFFFFE10]  }
0x1b8: {  	v13 =	vadd.f32 v0, v13;
	v0 =	vmul.f32 v17, v7;
	v16 =	vadd.f32 v18, v16;
	v17 =	vld [tilespmem:s30+$0xFFFFFE20]  }
0x1b9: {  	v18 =	vmul.f32 v21, v8;
	v21 =	vld [tilespmem:s30+$0xFFFFFE30]  }
0x1ba: {  	v22 =	vmul.f32 v22, v9;
	v0 =	vadd.f32 v0, v14;
	v14 =	vadd.f32 v16, v15;
	v15 =	vld [tilespmem:s30+$0xFFFFFE40]  }
0x1bb: {  	v16 =	vmul.f32 v19, v2;
	v19 =	vld [tilespmem:s30+$0xFFFFFE50]  }
0x1bc: {  	v18 =	vadd.f32 v22, v18;
	v20 =	vmul.f32 v20, v3;
	v22 =	vld [tilespmem:s30+$0xFFFFFE60]  }
0x1bd: {  	v17 =	vmul.f32 v17, v4;
	v23 =	vld [tilespmem:s30+$0xFFFFFE70]  }
0x1be: {  	v0 =	vadd.f32 v18, v0;
	v18 =	vmul.f32 v21, v5;
	v16 =	vadd.f32 v20, v16;
	v20 =	vld [tilespmem:s30+$0xFFFFFE80]  }
0x1bf: {  	v15 =	vmul.f32 v15, v6;
	v21 =	vld [tilespmem:s30+$0xFFFFFE90]  }
0x1c0: {  	v14 =	vadd.f32 v0, v14;
	v0 =	vmul.f32 v19, v7;
	v17 =	vadd.f32 v18, v17;
	v18 =	vld [tilespmem:s30+$0xFFFFFEA0]  }
0x1c1: {  	v19 =	vmul.f32 v22, v8;
	v22 =	vld [tilespmem:s30+$0xFFFFFEB0]  }
0x1c2: {  	v23 =	vmul.f32 v23, v9;
	v0 =	vadd.f32 v0, v15;
	v15 =	vadd.f32 v17, v16;
	v16 =	vld [tilespmem:s30+$0xFFFFFEC0]  }
0x1c3: {  	v17 =	vmul.f32 v20, v2;
	v20 =	vld [tilespmem:s30+$0xFFFFFED0]  }
0x1c4: {  	v19 =	vadd.f32 v23, v19;
	v21 =	vmul.f32 v21, v3;
	v23 =	vld [tilespmem:s30+$0xFFFFFEE0]  }
0x1c5: {  	v18 =	vmul.f32 v18, v4;
	v24 =	vld [tilespmem:s30+$0xFFFFFEF0]  }
0x1c6: {  	v0 =	vadd.f32 v19, v0;
	v19 =	vmul.f32 v22, v5;
	v17 =	vadd.f32 v21, v17;
	v21 =	vld [tilespmem:s30+$0xFFFFFF00]  }
0x1c7: {  	v16 =	vmul.f32 v16, v6;
	v22 =	vld [tilespmem:s30+$0xFFFFFF10]  }
0x1c8: {  	v15 =	vadd.f32 v0, v15;
	v0 =	vmul.f32 v20, v7;
	v18 =	vadd.f32 v19, v18;
	v19 =	vld [tilespmem:s30+$0xFFFFFF20]  }
0x1c9: {  	v20 =	vmul.f32 v23, v8;
	v23 =	vld [tilespmem:s30+$0xFFFFFF30]  }
0x1ca: {  	v24 =	vmul.f32 v24, v9;
	v0 =	vadd.f32 v0, v16;
	v16 =	vadd.f32 v18, v17;
	v17 =	vld [tilespmem:s30+$0xFFFFFF40]  }
0x1cb: {  	v18 =	vmul.f32 v21, v2;
	v21 =	vld [tilespmem:s30+$0xFFFFFF50]  }
0x1cc: {  	v20 =	vadd.f32 v24, v20;
	v22 =	vmul.f32 v22, v3;
	v24 =	vld [tilespmem:s30+$0xFFFFFF60]  }
0x1cd: {  	v19 =	vmul.f32 v19, v4;
	v25 =	vld [tilespmem:s30+$0xFFFFFF70]  }
0x1ce: {  	v0 =	vadd.f32 v20, v0;
	v20 =	vmul.f32 v23, v5;
	v18 =	vadd.f32 v22, v18;
	v22 =	vld [tilespmem:s30+$0xFFFFFF80]  }
0x1cf: {  	v17 =	vmul.f32 v17, v6;
	v23 =	vld [tilespmem:s30+$0xFFFFFF90]  }
0x1d0: {  	v16 =	vadd.f32 v0, v16;
	v0 =	vmul.f32 v21, v7;
	v19 =	vadd.f32 v20, v19;
	v20 =	vld [tilespmem:s30+$0xFFFFFFA0]  }
0x1d1: {  	v21 =	vmul.f32 v24, v8;
	v24 =	vld [tilespmem:s30+$0xFFFFFFB0]  }
0x1d2: {  	v25 =	vmul.f32 v25, v9;
	v0 =	vadd.f32 v0, v17;
	v17 =	vadd.f32 v19, v18;
	v18 =	vld [tilespmem:s30+$0xFFFFFFC0]  }
0x1d3: {  	v19 =	vmul.f32 v22, v2;
	v22 =	vld [tilespmem:s30+$0xFFFFFFD0]  }
0x1d4: {  	v21 =	vadd.f32 v25, v21;
	v23 =	vmul.f32 v23, v3;
	v25 =	vld [tilespmem:s30+$0xFFFFFFE0]  }
0x1d5: {  	v20 =	vmul.f32 v20, v4;
	v26 =	vld [tilespmem:s30+$0xFFFFFFF0]  }
0x1d6: {  	v0 =	vadd.f32 v21, v0;
	v21 =	vmul.f32 v24, v5;
	v19 =	vadd.f32 v23, v19;
	v23 =	vld [tilespmem:s30+$0x0]  }
0x1d7: {  	v18 =	vmul.f32 v18, v6;
	v24 =	vld [tilespmem:s30+$0x10]  }
0x1d8: {  	v17 =	vadd.f32 v0, v17;
	v0 =	vmul.f32 v22, v7;
	v20 =	vadd.f32 v21, v20;
	v21 =	vld [tilespmem:s30+$0x20]  }
0x1d9: {  	v22 =	vmul.f32 v25, v8;
	v25 =	vld [tilespmem:s30+$0x30]  }
0x1da: {  	v26 =	vmul.f32 v26, v9;
	v0 =	vadd.f32 v0, v18;
	v18 =	vadd.f32 v20, v19;
	v19 =	vld [tilespmem:s30+$0x40]  }
0x1db: {  	v20 =	vmul.f32 v23, v2;
	v23 =	vld [tilespmem:s30+$0x50]  }
0x1dc: {  	v22 =	vadd.f32 v26, v22;
	v24 =	vmul.f32 v24, v3;
	v26 =	vld [tilespmem:s30+$0x60]  }
0x1dd: {  	v21 =	vmul.f32 v21, v4;
	v27 =	vld [tilespmem:s30+$0x70]  }
0x1de: {  	v0 =	vadd.f32 v22, v0;
	v22 =	vmul.f32 v25, v5;
	v20 =	vadd.f32 v24, v20;
	v24 =	vld [tilespmem:s30+$0x80]  }
0x1df: {  	v19 =	vmul.f32 v19, v6;
	v25 =	vld [tilespmem:s30+$0x90]  }
0x1e0: {  	v18 =	vadd.f32 v0, v18;
	v0 =	vmul.f32 v23, v7;
	v21 =	vadd.f32 v22, v21;
	v22 =	vld [tilespmem:s30+$0xA0]  }
0x1e1: {  	v23 =	vmul.f32 v26, v8;
	v26 =	vld [tilespmem:s30+$0xB0]  }
0x1e2: {  	v27 =	vmul.f32 v27, v9;
	v0 =	vadd.f32 v0, v19;
	v19 =	vadd.f32 v21, v20;
	v20 =	vld [tilespmem:s30+$0xC0]  }
0x1e3: {  	v21 =	vmul.f32 v24, v2;
	v24 =	vld [tilespmem:s30+$0xD0]  }
0x1e4: {  	v23 =	vadd.f32 v27, v23;
	v25 =	vmul.f32 v25, v3;
	v27 =	vld [tilespmem:s30+$0xE0]  }
0x1e5: {  	v22 =	vmul.f32 v22, v4;
	v28 =	vld [tilespmem:s30+$0xF0]  }
0x1e6: {  	v0 =	vadd.f32 v23, v0;
	v23 =	vmul.f32 v26, v5;
	v21 =	vadd.f32 v25, v21;
	v25 =	vld [tilespmem:s30+$0x100]  }
0x1e7: {  	v20 =	vmul.f32 v20, v6;
	v26 =	vld [tilespmem:s30+$0x110]  }
0x1e8: {  	v19 =	vadd.f32 v0, v19;
	v0 =	vmul.f32 v24, v7;
	v22 =	vadd.f32 v23, v22;
	v23 =	vld [tilespmem:s30+$0x120]  }
0x1e9: {  	v24 =	vmul.f32 v27, v8;
	v27 =	vld [tilespmem:s30+$0x130]  }
0x1ea: {  	v28 =	vmul.f32 v28, v9;
	v0 =	vadd.f32 v0, v20;
	v20 =	vadd.f32 v22, v21;
	v21 =	vld [tilespmem:s30+$0x140]  }
0x1eb: {  	v22 =	vmul.f32 v25, v2;
	v25 =	vld [tilespmem:s30+$0x150]  }
0x1ec: {  	v24 =	vadd.f32 v28, v24;
	v26 =	vmul.f32 v26, v3;
	v28 =	vld [tilespmem:s30+$0x160]  }
0x1ed: {  	v23 =	vmul.f32 v23, v4;
	v29 =	vld [tilespmem:s30+$0x170]  }
0x1ee: {  	v0 =	vadd.f32 v24, v0;
	v24 =	vmul.f32 v27, v5;
	v22 =	vadd.f32 v26, v22;
	v26 =	vld [tilespmem:s30+$0x180]  }
0x1ef: {  	v21 =	vmul.f32 v21, v6;
	v27 =	vld [tilespmem:s30+$0x190]  }
0x1f0: {  	v20 =	vadd.f32 v0, v20;
	v0 =	vmul.f32 v25, v7;
	v23 =	vadd.f32 v24, v23;
	v24 =	vld [tilespmem:s30+$0x1A0]  }
0x1f1: {  	v25 =	vmul.f32 v28, v8;
	v28 =	vld [tilespmem:s30+$0x1B0]  }
0x1f2: {  	v29 =	vmul.f32 v29, v9;
	v0 =	vadd.f32 v0, v21;
	v21 =	vadd.f32 v23, v22;
	v22 =	vld [tilespmem:s30+$0x1C0]  }
0x1f3: {  	v23 =	vmul.f32 v26, v2;
	v26 =	vld [tilespmem:s30+$0x1D0]  }
0x1f4: {  	v25 =	vadd.f32 v29, v25;
	v27 =	vmul.f32 v27, v3;
	v29 =	vld [tilespmem:s30+$0x1E0]  }
0x1f5: {  	v24 =	vmul.f32 v24, v4;
	v30 =	vld [tilespmem:s30+$0x1F0]  }
0x1f6: {  	v0 =	vadd.f32 v25, v0;
	v25 =	vmul.f32 v28, v5;
	v23 =	vadd.f32 v27, v23;
	v27 =	vld [tilespmem:s30+$0x200]  }
0x1f7: {  	v22 =	vmul.f32 v22, v6;
	v28 =	vld [tilespmem:s30+$0x210]  }
0x1f8: {  	v21 =	vadd.f32 v0, v21;
	v0 =	vmul.f32 v26, v7;
	v24 =	vadd.f32 v25, v24;
	v25 =	vld [tilespmem:s30+$0x220]  }
0x1f9: {  	v26 =	vmul.f32 v29, v8;
	v29 =	vld [tilespmem:s30+$0x230]  }
0x1fa: {  	v30 =	vmul.f32 v30, v9;
	v0 =	vadd.f32 v0, v22;
	v22 =	vadd.f32 v24, v23;
	v23 =	vld [tilespmem:s30+$0x240]  }
0x1fb: {  	v24 =	vmul.f32 v27, v2;
	v27 =	vld [tilespmem:s30+$0x250]  }
0x1fc: {  	v26 =	vadd.f32 v30, v26;
	v28 =	vmul.f32 v28, v3;
	v30 =	vld [tilespmem:s30+$0x260]  }
0x1fd: {  	v25 =	vmul.f32 v25, v4;
	v31 =	vld [tilespmem:s30+$0x270]  }
0x1fe: {  	v0 =	vadd.f32 v26, v0;
	v26 =	vmul.f32 v29, v5;
	v24 =	vadd.f32 v28, v24;
	v28 =	vld [tilespmem:s30+$0x280]  }
0x1ff: {  	v23 =	vmul.f32 v23, v6;
	v29 =	vld [tilespmem:s30+$0x290]  }
0x200: {  	v0 =	vadd.f32 v0, v22;
	v22 =	vmul.f32 v27, v7;
	v25 =	vadd.f32 v26, v25;
	v26 =	vld [tilespmem:s30+$0x2A0]  }
0x201: {  	v27 =	vmul.f32 v30, v8;
	v30 =	vld [tilespmem:s30+$0x2B0]  }
0x202: {  	v31 =	vmul.f32 v31, v9;
	v22 =	vadd.f32 v22, v23;
	v23 =	vadd.f32 v25, v24;
	v24 =	vld [tilespmem:s30+$0x2C0]  }
0x203: {  	v25 =	vmul.f32 v28, v2;
	v28 =	vld [tilespmem:s30+$0x2D0]  }
0x204: {  	v27 =	vadd.f32 v31, v27;
	v29 =	vmul.f32 v29, v3;
	v31 =	vld [tilespmem:s30+$0x2E0]  }
0x205: {  	v26 =	vmul.f32 v26, v4;
	v32 =	vld [tilespmem:s30+$0x2F0]  }
0x206: {  	v22 =	vadd.f32 v27, v22;
	v27 =	vmul.f32 v30, v5;
	v25 =	vadd.f32 v29, v25;
	v29 =	vld [tilespmem:s30+$0x300]  }
0x207: {  	v24 =	vmul.f32 v24, v6;
	v30 =	vld [tilespmem:s30+$0x310]  }
0x208: {  	v22 =	vadd.f32 v22, v23;
	v23 =	vmul.f32 v28, v7;
	v26 =	vadd.f32 v27, v26;
	v27 =	vld [tilespmem:s30+$0x320]  }
0x209: {  	v28 =	vmul.f32 v31, v8;
	v31 =	vld [tilespmem:s30+$0x330]  }
0x20a: {  	v32 =	vmul.f32 v32, v9;
	v23 =	vadd.f32 v23, v24;
	v24 =	vadd.f32 v26, v25;
	v25 =	vld [tilespmem:s30+$0x340]  }
0x20b: {  	v26 =	vmul.f32 v29, v2;
	v29 =	vld [tilespmem:s30+$0x350]  }
0x20c: {  	v28 =	vadd.f32 v32, v28;
	v30 =	vmul.f32 v30, v3;
	v32 =	vld [tilespmem:s30+$0x360]  }
0x20d: {  	v27 =	vmul.f32 v27, v4;
	v33 =	vld [tilespmem:s30+$0x370]  }
0x20e: {  	[tilespmem:s1+$0x10380] =	vst.add.f32.msk $0xffff, v11;
	v11 =	vadd.f32 v28, v23;
	v23 =	vmul.f32 v31, v5;
	v26 =	vadd.f32 v30, v26  }
0x20f: {  	[tilespmem:s1+$0x12380] =	vst.add.f32.msk $0xffff, v1;
	v25 =	vmul.f32 v25, v6  }
0x210: {  	[tilespmem:s16+$0x10380] =	vst.add.f32.msk $0xffff, v12;
	v11 =	vadd.f32 v11, v24;
	v12 =	vmul.f32 v29, v7;
	v23 =	vadd.f32 v23, v27  }
0x211: {  	[tilespmem:s16+$0x12380] =	vst.add.f32.msk $0xffff, v1;
	v24 =	vmul.f32 v32, v8  }
0x212: {  	[tilespmem:s3+$0x10380] =	vst.add.f32.msk $0xffff, v13;
	v13 =	vmul.f32 v33, v9;
	v12 =	vadd.f32 v12, v25;
	v23 =	vadd.f32 v23, v26  }
0x213: {  	[tilespmem:s3+$0x12380] =	vst.add.f32.msk $0xffff, v1  }
0x214: {  	[tilespmem:s14+$0x10380] =	vst.add.f32.msk $0xffff, v14;
	v13 =	vadd.f32 v13, v24  }
0x215: {  	[tilespmem:s14+$0x12380] =	vst.add.f32.msk $0xffff, v1  }
0x216: {  	[tilespmem:s23+$0x10380] =	vst.add.f32.msk $0xffff, v15;
	v12 =	vadd.f32 v13, v12  }
0x217: {  	[tilespmem:s23+$0x12380] =	vst.add.f32.msk $0xffff, v1  }
0x218: {  	[tilespmem:s24+$0x10380] =	vst.add.f32.msk $0xffff, v16;
	v12 =	vadd.f32 v12, v23  }
0x219: {  	[tilespmem:s24+$0x12380] =	vst.add.f32.msk $0xffff, v1  }
0x21a: {  	[tilespmem:s7+$0x10380] =	vst.add.f32.msk $0xffff, v17  }
0x21b: {  	[tilespmem:s7+$0x12380] =	vst.add.f32.msk $0xffff, v1  }
0x21c: {  	[tilespmem:s8+$0x10380] =	vst.add.f32.msk $0xffff, v18  }
0x21d: {  	[tilespmem:s8+$0x12380] =	vst.add.f32.msk $0xffff, v1  }
0x21e: {  	[tilespmem:s11+$0x10380] =	vst.add.f32.msk $0xffff, v19  }
0x21f: {  	[tilespmem:s11+$0x12380] =	vst.add.f32.msk $0xffff, v1  }
0x220: {  	[tilespmem:s12+$0x10380] =	vst.add.f32.msk $0xffff, v20  }
0x221: {  	[tilespmem:s12+$0x12380] =	vst.add.f32.msk $0xffff, v1  }
0x222: {  	[tilespmem:s13+$0x10380] =	vst.add.f32.msk $0xffff, v21  }
0x223: {  	[tilespmem:s13+$0x12380] =	vst.add.f32.msk $0xffff, v1  }
0x224: {  	[tilespmem:s15+$0x10380] =	vst.add.f32.msk $0xffff, v0  }
0x225: {  	[tilespmem:s15+$0x12380] =	vst.add.f32.msk $0xffff, v1  }
0x226: {  	[tilespmem:s25+$0x10380] =	vst.add.f32.msk $0xffff, v22  }
0x227: {  	[tilespmem:s25+$0x12380] =	vst.add.f32.msk $0xffff, v1  }
.Ltmp4:
0x228: {  	[tilespmem:s17+$0x10380] =	vst.add.f32.msk $0xffff, v11;
	(pc) =	sbr.rel @p0 .LBB2_3-.Ltmp4, $4  }
0x229: {  	[tilespmem:s17+$0x12380] =	vst.add.f32.msk $0xffff, v1  }
0x22a: {  	[tilespmem:s18+$0x10380] =	vst.add.f32.msk $0xffff, v12  }
0x22b: {  	[tilespmem:s18+$0x12380] =	vst.add.f32.msk $0xffff, v1  }
0x22c: {  	s0 =	sadd.s32 $0x10, s0;
	[tilespmem:s2+$0x10380] =	vst.add.f32.msk $0xffff, v10  }
0x22d: {  	p0 =	seq.s32 s26, $0x3  }
0x22e: {  	s0 =	sadd.s32 @!p0 s29, s10  }
0x22f: {  	s1 =	sshll.u32 @!p0 s0, $0x4  }
0x230: {  	s2 =	simm.s32 @!p0 $0x0;
	s0 =	sshrl.u32 @!p0 s0, $0x3;
	s1 =	sadd.s32 @!p0 s6, s1  }
0x231: {  	[tilespmem:s2], [sflag:$0x1] =	stream.linear.gather @!p0 [hbm4b:s1+s2], $0x8000, $0x38;
	[tilespmem:$0x14380] =	vst v63  }
0x232: {  	s0 =	sadd.s32 @!p0 s5, s0;
	s1 =	simm.s32 @!p0 $0x10000  }
0x233: {  	[tilespmem:s1], [sflag:$0x2] =	stream.linear.gather @!p0 [hbm4b:s0+s2], $0x100, $0x38;
	[tilespmem:$0x14380] =	vst v63  }
0x234: {  	_ =	swait.ge [sflag:s21], $0x8000  }
0x235: {  	s30 =	sadd.s32 $0x100, s28;
	s31 =	rddreg [dreg:$0x4]  }
0x236: {  	s0 =	smin.u32 s31, s30  }
0x237: {  	s28 =	ssub.s32 s0, s28  }
0x238: {  	p0 =	slt.s32 s28, $0x1  }
.Ltmp5:
0x239: {  	[sflag:s21] =	ssyncset.done $0x0;
	(pc) =	sbr.rel @p0 .LBB2_7-.Ltmp5, $4  }
0x23a: {  	[sflag:s21] =	ssyncadd.s32 $0xFFFF8000  }
0x23b: {  	_ =	swait.ge [sflag:s22], $0x100  }
0x23c: {  	[sflag:s22] =	ssyncset.done $0x0  }
0x23d: {  	s25 =	smov.u32 s6;
	[sflag:s22] =	ssyncadd.s32 $0xFFFFFF00  }
0x23e: {  	s1 =	simm.s32 $0x10188  }
0x23f: {  	v0 =	vld [tilespmem:s1+$0x7]  }
0x240: {  	v18 =	vld [tilespmem:s1+$0xFFFFFFF9]  }
0x241: {  	v19 =	vld [tilespmem:s1+$0xFFFFFFFA]  }
0x242: {  	v20 =	vld [tilespmem:s1+$0xFFFFFFFB]  }
0x243: {  	v21 =	vld [tilespmem:s1+$0xFFFFFFFC]  }
0x244: {  	v22 =	vld [tilespmem:s1+$0xFFFFFFFD]  }
0x245: {  	v23 =	vld [tilespmem:s1+$0xFFFFFFFF]  }
0x246: {  	v25 =	vld [tilespmem:s1+$0x0]  }
0x247: {  	s29 =	simm.s32 $0x8400;
	v26 =	vld [tilespmem:s1+$0x1]  }
0x248: {  	v10 =	vld [tilespmem:s29+$0x380]  }
0x249: {  	v27 =	vld [tilespmem:s1+$0x2]  }
0x24a: {  	v28 =	vld [tilespmem:s1+$0x3]  }
0x24b: {  	v30 =	vld [tilespmem:s1+$0x4]  }
0x24c: {  	v31 =	vld [tilespmem:s1+$0x5]  }
0x24d: {  	(v2sf) =	vpush v0, $0x0;
	v0 =	vld [tilespmem:s1+$0xFFFFFFFE];
	[tilespmem:$0x1FEF0] =	vst v10  }
0x24e: {  	v10 =	vld [tilespmem:s29+$0x390];
	_ =	sdelay $0x4  }
0x24f: {  	[tilespmem:$0x1FF00] =	vst v10  }
0x250: {  	v10 =	vld [tilespmem:s29+$0x3A0];
	_ =	sdelay $0x4  }
0x251: {  	[tilespmem:$0x1FF10] =	vst v10  }
0x252: {  	v10 =	vld [tilespmem:s29+$0x3B0];
	_ =	sdelay $0x4  }
0x253: {  	[tilespmem:$0x1FF20] =	vst v10  }
0x254: {  	v10 =	vld [tilespmem:s29+$0x3C0];
	_ =	sdelay $0x4  }
0x255: {  	[tilespmem:$0x1FF30] =	vst v10  }
0x256: {  	v10 =	vld [tilespmem:s29+$0x3D0];
	_ =	sdelay $0x4  }
0x257: {  	[tilespmem:$0x1FF40] =	vst v10  }
0x258: {  	v10 =	vld [tilespmem:s29+$0x3E0];
	_ =	sdelay $0x4  }
0x259: {  	[tilespmem:$0x1FF50] =	vst v10  }
0x25a: {  	v10 =	vld [tilespmem:s29+$0x3F0];
	_ =	sdelay $0x3  }
0x25b: {  	s0 =	spop (v2sf)  }
0x25c: {  	s0 =	sshll.u32 s0, $0x7;
	[tilespmem:$0x1FF60] =	vst v10  }
0x25d: {  	[tilespmem:s0+$0x12380] =	vst.add.f32.msk $0xffff, v1  }
0x25e: {  	v32 =	vld [tilespmem:s1+$0x6]  }
0x25f: {  	v35 =	vld [tilespmem:s1+$0xFFFFFFF8]  }
0x260: {  	v40 =	vld [tilespmem:s29+$0xFFFFFC00]  }
0x261: {  	v41 =	vld [tilespmem:s29+$0xFFFFFC10]  }
0x262: {  	v44 =	vld [tilespmem:s29+$0xFFFFFC20]  }
0x263: {  	v45 =	vld [tilespmem:s29+$0xFFFFFC30]  }
0x264: {  	v46 =	vld [tilespmem:s29+$0xFFFFFC40]  }
0x265: {  	v47 =	vld [tilespmem:s29+$0xFFFFFC50]  }
0x266: {  	v48 =	vld [tilespmem:s29+$0xFFFFFC60]  }
0x267: {  	v49 =	vld [tilespmem:s29+$0xFFFFFC70]  }
0x268: {  	v50 =	vld [tilespmem:s29+$0xFFFFFC80]  }
0x269: {  	v51 =	vld [tilespmem:s29+$0xFFFFFC90]  }
0x26a: {  	v52 =	vld [tilespmem:s29+$0xFFFFFCA0]  }
0x26b: {  	v53 =	vld [tilespmem:s29+$0xFFFFFCB0]  }
0x26c: {  	v54 =	vld [tilespmem:s29+$0xFFFFFCC0]  }
0x26d: {  	v55 =	vld [tilespmem:s29+$0xFFFFFCD0]  }
0x26e: {  	v56 =	vld [tilespmem:s29+$0xFFFFFCE0]  }
0x26f: {  	v57 =	vld [tilespmem:s29+$0xFFFFFCF0]  }
0x270: {  	v58 =	vld [tilespmem:s29+$0xFFFFFD00]  }
0x271: {  	v59 =	vld [tilespmem:s29+$0xFFFFFD10]  }
0x272: {  	v60 =	vld [tilespmem:s29+$0xFFFFFD20]  }
0x273: {  	v61 =	vld [tilespmem:s29+$0xFFFFFD30]  }
0x274: {  	v62 =	vld [tilespmem:s29+$0xFFFFFD40]  }
0x275: {  	v63 =	vld [tilespmem:s29+$0xFFFFFD50]  }
0x276: {  	v10 =	vld [tilespmem:s29+$0xFFFFFD60]  }
0x277: {  	v11 =	vld [tilespmem:s29+$0xFFFFFD70]  }
0x278: {  	v12 =	vld [tilespmem:s29+$0xFFFFFD80]  }
0x279: {  	v13 =	vld [tilespmem:s29+$0xFFFFFD90]  }
0x27a: {  	v14 =	vld [tilespmem:s29+$0xFFFFFDA0]  }
0x27b: {  	v15 =	vld [tilespmem:s29+$0xFFFFFDB0]  }
0x27c: {  	v16 =	vld [tilespmem:s29+$0xFFFFFDC0]  }
0x27d: {  	v17 =	vld [tilespmem:s29+$0xFFFFFDD0]  }
0x27e: {  	v24 =	vld [tilespmem:s29+$0xFFFFFDE0]  }
0x27f: {  	(v2sf) =	vpush v18, $0x0;
	v29 =	vld [tilespmem:s29+$0xFFFFFDF0]  }
0x280: {  	(v2sf) =	vpush v19, $0x0;
	v43 =	vld [tilespmem:s29+$0xFFFFFE00]  }
0x281: {  	(v2sf) =	vpush v20, $0x0;
	v42 =	vld [tilespmem:s29+$0xFFFFFE10]  }
0x282: {  	(v2sf) =	vpush v21, $0x0;
	v36 =	vld [tilespmem:s29+$0xFFFFFE20]  }
0x283: {  	(v2sf) =	vpush v22, $0x0;
	v37 =	vld [tilespmem:s29+$0xFFFFFE30]  }
0x284: {  	(v2sf) =	vpush v0, $0x0;
	v33 =	vld [tilespmem:s29+$0xFFFFFE40]  }
0x285: {  	(v2sf) =	vpush v23, $0x0;
	v38 =	vld [tilespmem:s29+$0xFFFFFE50]  }
0x286: {  	(v2sf) =	vpush v25, $0x0;
	v34 =	vld [tilespmem:s29+$0xFFFFFE60]  }
0x287: {  	(v2sf) =	vpush v26, $0x0;
	v39 =	vld [tilespmem:s29+$0xFFFFFE70]  }
0x288: {  	(v2sf) =	vpush v27, $0x0;
	v21 =	vld [tilespmem:s29+$0xFFFFFE80]  }
0x289: {  	(v2sf) =	vpush v28, $0x0;
	v18 =	vld [tilespmem:s29+$0xFFFFFE90]  }
0x28a: {  	(v2sf) =	vpush v30, $0x0;
	v22 =	vld [tilespmem:s29+$0xFFFFFEA0]  }
0x28b: {  	(v2sf) =	vpush v31, $0x0;
	v31 =	vld [tilespmem:s29+$0xFFFFFF00]  }
0x28c: {  	v25 =	vld [tilespmem:s29+$0xFFFFFEB0]  }
0x28d: {  	v26 =	vld [tilespmem:s29+$0xFFFFFEC0]  }
0x28e: {  	v0 =	vld [tilespmem:s29+$0xFFFFFED0]  }
0x28f: {  	v27 =	vld [tilespmem:s29+$0xFFFFFEE0]  }
0x290: {  	v30 =	vld [tilespmem:s29+$0xFFFFFEF0];
	[tilespmem:$0x1FEE0] =	vst v31;
	v31 =	vmul.f32 v40, v2  }
0x291: {  	(v2sf) =	vpush v32, $0x0;
	v32 =	vmul.f32 v41, v3;
	v40 =	vmul.f32 v45, v5;
	v20 =	vld [tilespmem:s29+$0xFFFFFF10]  }
0x292: {  	v41 =	vmul.f32 v46, v6;
	v45 =	vmul.f32 v48, v8;
	v19 =	vld [tilespmem:s29+$0xFFFFFF20]  }
0x293: {  	v49 =	vmul.f32 v49, v9;
	v46 =	vmul.f32 v51, v3;
	v23 =	vld [tilespmem:s29+$0xFFFFFF30]  }
0x294: {  	v51 =	vmul.f32 v60, v4;
	v60 =	vmul.f32 v61, v5;
	v28 =	vld [tilespmem:s29+$0xFFFFFF40]  }
0x295: {  	v61 =	vmul.f32 v62, v6;
	v62 =	vmul.f32 v63, v7;
	v48 =	vadd.f32 v32, v31;
	v31 =	vld [tilespmem:s29+$0xFFFFFF50]  }
0x296: {  	v10 =	vmul.f32 v10, v8;
	v11 =	vmul.f32 v11, v9;
	v32 =	vld [tilespmem:s29+$0xFFFFFF60]  }
0x297: {  	(v2sf) =	vpush v35, $0x0;
	v51 =	vadd.f32 v60, v51;
	v60 =	vmul.f32 v17, v7;
	v17 =	vld [tilespmem:s29+$0x50]  }
0x298: {  	v35 =	vmul.f32 v44, v4;
	v63 =	vadd.f32 v62, v61;
	v62 =	vmul.f32 v29, v9;
	v29 =	vld [tilespmem:s29+$0x60]  }
0x299: {  	v44 =	vmul.f32 v47, v7;
	v61 =	vmul.f32 v24, v8;
	v24 =	vld [tilespmem:s29+$0xD0]  }
0x29a: {  	v49 =	vadd.f32 v49, v45;
	v45 =	vmul.f32 v50, v2;
	v40 =	vadd.f32 v40, v35;
	v35 =	vld [tilespmem:s29+$0xFFFFFF70]  }
0x29b: {  	v52 =	vmul.f32 v52, v4;
	v10 =	vadd.f32 v11, v10;
	v41 =	vadd.f32 v44, v41;
	v44 =	vld [tilespmem:s29+$0xFFFFFF90]  }
0x29c: {  	v53 =	vmul.f32 v53, v5;
	v45 =	vadd.f32 v46, v45;
	v46 =	vmul.f32 v54, v6;
	v54 =	vld [tilespmem:s29+$0xFFFFFFC0]  }
0x29d: {  	v10 =	vadd.f32 v10, v63;
	v63 =	vmul.f32 v43, v2;
	v43 =	vmul.f32 v30, v9;
	v30 =	vld [tilespmem:s29+$0x1B0]  }
0x29e: {  	v47 =	vadd.f32 v40, v48;
	v40 =	vld [tilespmem:s29+$0xFFFFFF80]  }
0x29f: {  	v48 =	vadd.f32 v53, v52;
	v52 =	vld [tilespmem:s29+$0xFFFFFFB0]  }
0x2a0: {  	v41 =	vadd.f32 v49, v41;
	v49 =	vmul.f32 v56, v8;
	v56 =	vld [tilespmem:s29+$0xFFFFFFD0]  }
0x2a1: {  	v53 =	vmul.f32 v59, v3;
	v59 =	vld [tilespmem:s29+$0xFFFFFFF0]  }
0x2a2: {  	v57 =	vmul.f32 v57, v9;
	v50 =	vadd.f32 v41, v47;
	v47 =	vld [tilespmem:s29+$0xFFFFFFA0]  }
0x2a3: {  	v41 =	vmul.f32 v55, v7;
	v48 =	vadd.f32 v48, v45;
	v45 =	vld [tilespmem:s29+$0x10]  }
0x2a4: {  	v49 =	vadd.f32 v57, v49;
	v57 =	vmul.f32 v13, v3;
	v13 =	vld [tilespmem:s29+$0x40]  }
0x2a5: {  	s14 =	spop (v2sf);
	v55 =	vmul.f32 v38, v7;
	v38 =	vld [tilespmem:s29+$0xA0];
	v41 =	vadd.f32 v41, v46  }
0x2a6: {  	s15 =	spop (v2sf);
	v46 =	vmul.f32 v58, v2;
	v58 =	vld [tilespmem:s29+$0xFFFFFFE0]  }
0x2a7: {  	s16 =	spop (v2sf);
	v49 =	vadd.f32 v49, v41;
	v41 =	vld [tilespmem:s29+$0x0]  }
0x2a8: {  	s17 =	spop (v2sf);
	v53 =	vadd.f32 v53, v46;
	v46 =	vld [tilespmem:s29+$0x20]  }
0x2a9: {  	s24 =	spop (v2sf);
	v17 =	vmul.f32 v17, v7;
	v11 =	vadd.f32 v49, v48;
	v49 =	vld [tilespmem:s29+$0x30]  }
0x2aa: {  	s23 =	spop (v2sf);
	v13 =	vmul.f32 v13, v6;
	v48 =	vmul.f32 v42, v3;
	v42 =	vld [tilespmem:s29+$0x80]  }
0x2ab: {  	s18 =	spop (v2sf);
	v53 =	vadd.f32 v51, v53;
	v51 =	vmul.f32 v37, v5;
	v37 =	vld [tilespmem:s29+$0x90]  }
0x2ac: {  	s14 =	sshll.u32 s14, $0x7;
	s12 =	spop (v2sf);
	v13 =	vadd.f32 v17, v13;
	v17 =	vld [tilespmem:s29+$0x250]  }
0x2ad: {  	s11 =	spop (v2sf);
	v14 =	vmul.f32 v14, v4;
	v15 =	vmul.f32 v15, v5;
	[tilespmem:s14+$0x10380] =	vst.add.f32.msk $0xffff, v11  }
0x2ae: {  	s8 =	spop (v2sf);
	v11 =	vmul.f32 v12, v2;
	v12 =	vadd.f32 v62, v61;
	v62 =	vmul.f32 v21, v2;
	v21 =	vld [tilespmem:s29+$0xE0]  }
0x2af: {  	s7 =	spop (v2sf);
	v10 =	vadd.f32 v10, v53;
	v53 =	vmul.f32 v33, v6;
	v33 =	vmul.f32 v25, v5;
	v25 =	vld [tilespmem:s29+$0xF0]  }
0x2b0: {  	s3 =	spop (v2sf);
	v14 =	vadd.f32 v15, v14;
	v15 =	vadd.f32 v48, v63;
	v48 =	vmul.f32 v20, v3;
	v20 =	vld [tilespmem:s29+$0x120]  }
0x2b1: {  	s15 =	sshll.u32 s15, $0x7;
	s6 =	spop (v2sf);
	v63 =	vmul.f32 v22, v4;
	v22 =	vld [tilespmem:s29+$0x140]  }
0x2b2: {  	s2 =	spop (v2sf);
	[tilespmem:s15+$0x10380] =	vst.add.f32.msk $0xffff, v10  }
0x2b3: {  	s13 =	spop (v2sf);
	v10 =	vmul.f32 v16, v6;
	v16 =	vld [tilespmem:s29+$0x70]  }
0x2b4: {  	s13 =	sshll.u32 s13, $0x7;
	v11 =	vadd.f32 v57, v11;
	v57 =	vmul.f32 v34, v8;
	v34 =	vmul.f32 v27, v8;
	v27 =	vld [tilespmem:s29+$0x100]  }
0x2b5: {  	[tilespmem:s13+$0x10380] =	vst.add.f32.msk $0xffff, v50  }
0x2b6: {  	v50 =	vmul.f32 v36, v4;
	v36 =	vld [tilespmem:s29+$0xC0]  }
0x2b7: {  	v10 =	vadd.f32 v60, v10;
	v11 =	vadd.f32 v14, v11;
	v60 =	vmul.f32 v39, v9;
	v39 =	vld [tilespmem:s29+$0xB0]  }
0x2b8: {  	v14 =	vadd.f32 v33, v63;
	v63 =	vmul.f32 v47, v4;
	v47 =	vmul.f32 v52, v5;
	v33 =	vld [tilespmem:s29+$0x180]  }
0x2b9: {  	v52 =	vmul.f32 v59, v9;
	v59 =	vmul.f32 v45, v3;
	v45 =	vld [tilespmem:s29+$0x210]  }
0x2ba: {  	v10 =	vadd.f32 v12, v10;
	v12 =	vadd.f32 v55, v53;
	v53 =	vmul.f32 v28, v6;
	v28 =	vld [tilespmem:s29+$0x160]  }
0x2bb: {  	v21 =	vmul.f32 v21, v8;
	v55 =	vmul.f32 v31, v7;
	v31 =	vld [tilespmem:s29+$0x170]  }
0x2bc: {  	v25 =	vmul.f32 v25, v9;
	v61 =	vadd.f32 v60, v57;
	v60 =	vmul.f32 v35, v9;
	v35 =	vld [tilespmem:s29+$0x190]  }
0x2bd: {  	v57 =	vmul.f32 v32, v8;
	v32 =	vld [tilespmem:s29+$0x1C0]  }
0x2be: {  	v18 =	vmul.f32 v18, v3;
	v21 =	vadd.f32 v25, v21;
	v25 =	vld [tilespmem:s29+$0x2C0]  }
0x2bf: {  	v10 =	vadd.f32 v10, v11;
	v11 =	vadd.f32 v51, v50;
	v51 =	vmul.f32 v23, v5;
	v23 =	vld [tilespmem:s29+$0x150]  }
0x2c0: {  	s16 =	sshll.u32 s16, $0x7;
	v50 =	vmul.f32 v19, v4;
	v19 =	vadd.f32 v60, v57;
	v60 =	vmul.f32 v49, v5;
	v49 =	vld [tilespmem:s29+$0x290]  }
0x2c1: {  	v0 =	vmul.f32 v0, v7;
	v38 =	vmul.f32 v38, v4;
	[tilespmem:s16+$0x10380] =	vst.add.f32.msk $0xffff, v10  }
0x2c2: {  	v11 =	vadd.f32 v11, v15;
	v10 =	vmul.f32 v26, v6;
	v15 =	vadd.f32 v18, v62;
	v18 =	vld [tilespmem:s29+$0x110]  }
0x2c3: {  	v42 =	vmul.f32 v42, v2;
	v12 =	vadd.f32 v61, v12;
	v62 =	vmul.f32 v44, v3;
	v44 =	vld [tilespmem:s29+$0x240]  }
0x2c4: {  	v37 =	vmul.f32 v37, v3;
	v0 =	vadd.f32 v0, v10;
	v10 =	vadd.f32 v43, v34;
	v43 =	vld [tilespmem:s29+$0x1A0]  }
0x2c5: {  	v39 =	vmul.f32 v39, v5;
	v11 =	vadd.f32 v12, v11;
	v14 =	vadd.f32 v14, v15;
	v34 =	vld [tilespmem:s29+$0x1D0]  }
0x2c6: {  	s17 =	sshll.u32 s17, $0x7;
	v15 =	vadd.f32 v51, v50;
	v51 =	vmul.f32 v58, v8;
	v58 =	vmul.f32 v41, v2;
	v41 =	vld [tilespmem:s29+$0x200]  }
0x2c7: {  	v37 =	vadd.f32 v37, v42;
	v38 =	vadd.f32 v39, v38;
	[tilespmem:s17+$0x10380] =	vst.add.f32.msk $0xffff, v11  }
0x2c8: {  	v12 =	vadd.f32 v55, v53;
	v11 =	vld [tilespmem:$0x1FEE0]  }
0x2c9: {  	v22 =	vmul.f32 v22, v6;
	v61 =	vmul.f32 v40, v2;
	v37 =	vadd.f32 v38, v37;
	v38 =	vld [tilespmem:s29+$0x2D0]  }
0x2ca: {  	v23 =	vmul.f32 v23, v7;
	v0 =	vadd.f32 v10, v0;
	v10 =	vld [tilespmem:s29+$0x130];
	v12 =	vadd.f32 v19, v12  }
0x2cb: {  	v19 =	vadd.f32 v52, v51;
	v40 =	vadd.f32 v59, v58;
	v52 =	vmul.f32 v31, v9;
	v31 =	vld [tilespmem:s29+$0x2E0]  }
0x2cc: {  	v16 =	vmul.f32 v16, v9;
	v59 =	vld [tilespmem:s29+$0x340];
	v22 =	vadd.f32 v23, v22;
	v0 =	vadd.f32 v0, v14  }
0x2cd: {  	v23 =	vld [tilespmem:s29+$0x300];
	v14 =	vadd.f32 v62, v61;
	v61 =	vmul.f32 v29, v8;
	v11 =	vmul.f32 v11, v2  }
0x2ce: {  	s24 =	sshll.u32 s24, $0x7;
	v20 =	vmul.f32 v20, v4;
	v29 =	vld [tilespmem:s29+$0x230]  }
0x2cf: {  	v50 =	vmul.f32 v56, v7;
	[tilespmem:s24+$0x10380] =	vst.add.f32.msk $0xffff, v0;
	v16 =	vadd.f32 v16, v61;
	v11 =	vadd.f32 v48, v11  }
0x2d0: {  	v26 =	vadd.f32 v47, v63;
	v0 =	vld [tilespmem:s29+$0x1E0];
	v10 =	vmul.f32 v10, v5;
	v48 =	vmul.f32 v54, v6  }
0x2d1: {  	v13 =	vadd.f32 v16, v13;
	v16 =	vld [tilespmem:s29+$0x270];
	v11 =	vadd.f32 v15, v11  }
0x2d2: {  	v10 =	vadd.f32 v10, v20;
	v20 =	vld [tilespmem:s29+$0x2F0];
	v15 =	vadd.f32 v50, v48  }
0x2d3: {  	v50 =	vld [tilespmem:s29+$0x2A0];
	v11 =	vadd.f32 v12, v11  }
0x2d4: {  	s23 =	sshll.u32 s23, $0x7;
	v53 =	vadd.f32 v26, v14;
	v54 =	vadd.f32 v19, v15;
	v19 =	vld [tilespmem:s29+$0x1F0]  }
0x2d5: {  	[tilespmem:s23+$0x10380] =	vst.add.f32.msk $0xffff, v11  }
0x2d6: {  	v12 =	vadd.f32 v54, v53;
	v53 =	vmul.f32 v33, v2;
	v33 =	vld [tilespmem:s29+$0x310]  }
0x2d7: {  	v11 =	vld [tilespmem:$0x1FEF0]  }
0x2d8: {  	v55 =	vld [tilespmem:$0x1FF00]  }
0x2d9: {  	v56 =	vld [tilespmem:$0x1FF10]  }
0x2da: {  	s18 =	sshll.u32 s18, $0x7;
	v57 =	vld [tilespmem:$0x1FF20]  }
0x2db: {  	[tilespmem:s18+$0x10380] =	vst.add.f32.msk $0xffff, v12  }
0x2dc: {  	v62 =	vld [tilespmem:$0x1FF30]  }
0x2dd: {  	v63 =	vld [tilespmem:$0x1FF40]  }
0x2de: {  	v30 =	vmul.f32 v30, v5;
	[tilespmem:s13+$0x12380] =	vst.add.f32.msk $0xffff, v1  }
0x2df: {  	v17 =	vmul.f32 v17, v7;
	v27 =	vmul.f32 v27, v2;
	[tilespmem:s14+$0x12380] =	vst.add.f32.msk $0xffff, v1  }
0x2e0: {  	v36 =	vmul.f32 v36, v6;
	v32 =	vmul.f32 v32, v6;
	[tilespmem:s15+$0x12380] =	vst.add.f32.msk $0xffff, v1  }
0x2e1: {  	v51 =	vmul.f32 v28, v8;
	v18 =	vmul.f32 v18, v3;
	[tilespmem:s16+$0x12380] =	vst.add.f32.msk $0xffff, v1  }
0x2e2: {  	[tilespmem:s17+$0x12380] =	vst.add.f32.msk $0xffff, v1;
	v11 =	vmul.f32 v11, v2;
	v14 =	vmul.f32 v55, v3  }
0x2e3: {  	v18 =	vadd.f32 v18, v27;
	v15 =	vmul.f32 v56, v4;
	v26 =	vmul.f32 v57, v5;
	v57 =	vld [tilespmem:s29+$0x330]  }
0x2e4: {  	v56 =	vmul.f32 v43, v4;
	v43 =	vld [tilespmem:s29+$0x370];
	v14 =	vadd.f32 v14, v11;
	v11 =	vmul.f32 v46, v4  }
0x2e5: {  	v15 =	vadd.f32 v26, v15;
	v26 =	vld [tilespmem:s29+$0x220];
	v46 =	vmul.f32 v62, v6;
	v47 =	vmul.f32 v63, v7  }
0x2e6: {  	v58 =	vmul.f32 v34, v7;
	v61 =	vmul.f32 v41, v2;
	v63 =	vld [tilespmem:s29+$0x360];
	v11 =	vadd.f32 v60, v11  }
0x2e7: {  	v59 =	vmul.f32 v59, v6;
	v54 =	vmul.f32 v35, v3;
	v12 =	vadd.f32 v47, v46;
	v46 =	vld [tilespmem:s29+$0x260]  }
0x2e8: {  	v42 =	vmul.f32 v29, v5;
	v48 =	vmul.f32 v24, v7;
	v47 =	vld [tilespmem:s29+$0x280];
	v11 =	vadd.f32 v11, v40  }
0x2e9: {  	v0 =	vmul.f32 v0, v8;
	v20 =	vmul.f32 v20, v9;
	v27 =	vadd.f32 v54, v53;
	v60 =	vld [tilespmem:s29+$0x350]  }
0x2ea: {  	v54 =	vmul.f32 v31, v8;
	v11 =	vadd.f32 v13, v11;
	v13 =	vadd.f32 v48, v36;
	v36 =	vld [tilespmem:s29+$0x2B0]  }
0x2eb: {  	v10 =	vadd.f32 v10, v18;
	v19 =	vmul.f32 v19, v9;
	v48 =	vmul.f32 v49, v3;
	v49 =	vld [tilespmem:$0x1FF50]  }
0x2ec: {  	v18 =	vadd.f32 v58, v32;
	v16 =	vmul.f32 v16, v9;
	v50 =	vmul.f32 v50, v4;
	[tilespmem:s24+$0x12380] =	vst.add.f32.msk $0xffff, v1  }
0x2ed: {  	v20 =	vadd.f32 v20, v54;
	v0 =	vadd.f32 v19, v0;
	v62 =	vmul.f32 v45, v3;
	[tilespmem:s23+$0x12380] =	vst.add.f32.msk $0xffff, v1  }
0x2ee: {  	s12 =	sshll.u32 s12, $0x7;
	v45 =	vmul.f32 v44, v6;
	[tilespmem:s18+$0x12380] =	vst.add.f32.msk $0xffff, v1;
	v13 =	vadd.f32 v21, v13;
	v21 =	vadd.f32 v52, v51  }
0x2ef: {  	s11 =	sshll.u32 s11, $0x7;
	v53 =	vmul.f32 v38, v7;
	v0 =	vadd.f32 v0, v18;
	v32 =	vadd.f32 v62, v61;
	[tilespmem:s12+$0x12380] =	vst.add.f32.msk $0xffff, v1  }
0x2f0: {  	v17 =	vadd.f32 v17, v45;
	v41 =	vmul.f32 v26, v4;
	[tilespmem:s11+$0x12380] =	vst.add.f32.msk $0xffff, v1;
	v55 =	vadd.f32 v21, v22  }
0x2f1: {  	v57 =	vmul.f32 v57, v5;
	v46 =	vmul.f32 v46, v8;
	[tilespmem:s12+$0x10380] =	vst.add.f32.msk $0xffff, v11;
	v13 =	vadd.f32 v13, v37  }
0x2f2: {  	v62 =	vmul.f32 v43, v9;
	v19 =	vadd.f32 v42, v41;
	v21 =	vld [tilespmem:s29+$0x320];
	v10 =	vadd.f32 v55, v10  }
0x2f3: {  	s8 =	sshll.u32 s8, $0x7;
	v47 =	vmul.f32 v47, v2;
	v52 =	vmul.f32 v25, v6;
	v16 =	vadd.f32 v16, v46;
	[tilespmem:s11+$0x10380] =	vst.add.f32.msk $0xffff, v13  }
0x2f4: {  	v61 =	vmul.f32 v63, v8;
	v19 =	vadd.f32 v19, v32;
	v22 =	vadd.f32 v30, v56;
	[tilespmem:s8+$0x10380] =	vst.add.f32.msk $0xffff, v10  }
0x2f5: {  	v60 =	vmul.f32 v60, v7;
	v18 =	vadd.f32 v48, v47;
	v11 =	vadd.f32 v53, v52;
	v10 =	vld [tilespmem:$0x1FF60]  }
0x2f6: {  	v56 =	vmul.f32 v33, v3;
	v51 =	vmul.f32 v36, v5;
	v22 =	vadd.f32 v22, v27  }
0x2f7: {  	v16 =	vadd.f32 v16, v17;
	v17 =	vmul.f32 v49, v8;
	v11 =	vadd.f32 v20, v11  }
0x2f8: {  	v55 =	vmul.f32 v23, v2;
	v0 =	vadd.f32 v0, v22;
	v22 =	vadd.f32 v51, v50  }
0x2f9: {  	s7 =	sshll.u32 s7, $0x7;
	v20 =	vadd.f32 v62, v61;
	v16 =	vadd.f32 v16, v19;
	v21 =	vmul.f32 v21, v4;
	[tilespmem:s8+$0x12380] =	vst.add.f32.msk $0xffff, v1  }
0x2fa: {  	s3 =	sshll.u32 s3, $0x7;
	[tilespmem:s7+$0x12380] =	vst.add.f32.msk $0xffff, v1;
	v58 =	vadd.f32 v22, v18;
	v18 =	vadd.f32 v60, v59;
	v10 =	vmul.f32 v10, v9  }
0x2fb: {  	v19 =	vadd.f32 v56, v55;
	[tilespmem:s3+$0x10380] =	vst.add.f32.msk $0xffff, v16;
	v21 =	vadd.f32 v57, v21  }
0x2fc: {  	[tilespmem:s7+$0x10380] =	vst.add.f32.msk $0xffff, v0;
	v63 =	vadd.f32 v20, v18;
	v0 =	vadd.f32 v10, v17  }
0x2fd: {  	p0 =	sgt.s32 s28, $0x10;
	s1 =	sshll.u32 s6, $0x7;
	[tilespmem:s3+$0x12380] =	vst.add.f32.msk $0xffff, v1;
	v10 =	vadd.f32 v11, v58;
	v11 =	vadd.f32 v21, v19  }
.Ltmp6:
0x2fe: {  	s2 =	sshll.u32 s2, $0x7;
	v14 =	vadd.f32 v15, v14;
	[tilespmem:s1+$0x12380] =	vst.add.f32.msk $0xffff, v1;
	v0 =	vadd.f32 v0, v12;
	(pc) =	sbr.rel @!p0 .LBB2_7-.Ltmp6, $4  }
0x2ff: {  	[tilespmem:s2+$0x12380] =	vst.add.f32.msk $0xffff, v1;
	v11 =	vadd.f32 v63, v11  }
0x300: {  	[tilespmem:s1+$0x10380] =	vst.add.f32.msk $0xffff, v10;
	v0 =	vadd.f32 v0, v14  }
0x301: {  	[tilespmem:s2+$0x10380] =	vst.add.f32.msk $0xffff, v11  }
0x302: {  	s30 =	simm.s32 $0x10;
	s31 =	simm.s32 $0x10198;
	[tilespmem:s0+$0x10380] =	vst.add.f32.msk $0xffff, v0  }
.LBB2_6:
0x303: {  	v0 =	vld [tilespmem:s31+$0x7];
	s30 =	sadd.s32 $0x10, s30  }
0x304: {  	v10 =	vld [tilespmem:s31+$0xFFFFFFF9];
	p0 =	slt.s32 s30, s28  }
0x305: {  	v11 =	vld [tilespmem:s31+$0xFFFFFFFA]  }
0x306: {  	v12 =	vld [tilespmem:s31+$0xFFFFFFFB]  }
0x307: {  	v13 =	vld [tilespmem:s31+$0xFFFFFFFC]  }
0x308: {  	v14 =	vld [tilespmem:s31+$0xFFFFFFFD];
	(v2sf) =	vpush v0, $0x0  }
0x309: {  	v0 =	vld [tilespmem:s31+$0xFFFFFFFE];
	(v2sf) =	vpush v10, $0x0  }
0x30a: {  	v10 =	vld [tilespmem:s31+$0xFFFFFFFF];
	(v2sf) =	vpush v11, $0x0  }
0x30b: {  	v11 =	vld [tilespmem:s31+$0x0];
	(v2sf) =	vpush v12, $0x0  }
0x30c: {  	v12 =	vld [tilespmem:s31+$0x1];
	(v2sf) =	vpush v13, $0x0  }
0x30d: {  	v13 =	vld [tilespmem:s31+$0x2];
	(v2sf) =	vpush v14, $0x0  }
0x30e: {  	v14 =	vld [tilespmem:s31+$0x3];
	(v2sf) =	vpush v0, $0x0  }
0x30f: {  	v0 =	vld [tilespmem:s31+$0x4];
	(v2sf) =	vpush v10, $0x0  }
0x310: {  	s29 =	sadd.s32 $0x800, s29;
	v10 =	vld [tilespmem:s31+$0x5];
	(v2sf) =	vpush v11, $0x0  }
0x311: {  	v11 =	vld [tilespmem:s29+$0x380];
	(v2sf) =	vpush v12, $0x0  }
0x312: {  	v12 =	vld [tilespmem:s29+$0x390];
	(v2sf) =	vpush v13, $0x0  }
0x313: {  	v13 =	vld [tilespmem:s29+$0x3A0];
	(v2sf) =	vpush v14, $0x0  }
0x314: {  	v14 =	vld [tilespmem:s29+$0x3B0];
	(v2sf) =	vpush v0, $0x0  }
0x315: {  	v0 =	vld [tilespmem:s29+$0x3C0];
	(v2sf) =	vpush v10, $0x0  }
0x316: {  	v10 =	vmul.f32 v11, v2;
	v11 =	vld [tilespmem:s29+$0x3D0]  }
0x317: {  	v12 =	vmul.f32 v12, v3;
	v15 =	vld [tilespmem:s29+$0x3E0];
	s0 =	spop (v2sf)  }
0x318: {  	v13 =	vmul.f32 v13, v4;
	v16 =	vld [tilespmem:s29+$0x3F0];
	s0 =	sshll.u32 s0, $0x7;
	s1 =	spop (v2sf)  }
0x319: {  	s14 =	sshll.u32 s1, $0x7;
	v14 =	vmul.f32 v14, v5;
	v10 =	vadd.f32 v12, v10;
	[tilespmem:s0+$0x12380] =	vst.add.f32.msk $0xffff, v1;
	s1 =	spop (v2sf)  }
0x31a: {  	s2 =	sshll.u32 s1, $0x7;
	v12 =	vld [tilespmem:s31+$0x6];
	v0 =	vmul.f32 v0, v6;
	s1 =	spop (v2sf)  }
0x31b: {  	v17 =	vld [tilespmem:s31+$0xFFFFFFF8];
	s3 =	sshll.u32 s1, $0x7;
	v11 =	vmul.f32 v11, v7;
	v13 =	vadd.f32 v14, v13;
	s1 =	spop (v2sf)  }
0x31c: {  	v14 =	vld [tilespmem:s29+$0xFFFFFC00];
	s16 =	sshll.u32 s1, $0x7;
	v15 =	vmul.f32 v15, v8;
	s1 =	spop (v2sf)  }
0x31d: {  	v18 =	vld [tilespmem:s29+$0xFFFFFC10];
	s23 =	sshll.u32 s1, $0x7;
	v16 =	vmul.f32 v16, v9;
	v0 =	vadd.f32 v11, v0;
	v10 =	vadd.f32 v13, v10;
	s1 =	spop (v2sf)  }
0x31e: {  	v11 =	vld [tilespmem:s29+$0xFFFFFC20];
	s7 =	sshll.u32 s1, $0x7;
	s1 =	spop (v2sf)  }
0x31f: {  	v13 =	vld [tilespmem:s29+$0xFFFFFC30];
	s8 =	sshll.u32 s1, $0x7;
	v15 =	vadd.f32 v16, v15;
	s1 =	spop (v2sf);
	(v2sf) =	vpush v12, $0x0  }
0x320: {  	v12 =	vld [tilespmem:s29+$0xFFFFFC40];
	s11 =	sshll.u32 s1, $0x7;
	(v2sf) =	vpush v17, $0x0;
	s1 =	spop (v2sf)  }
0x321: {  	v14 =	vmul.f32 v14, v2;
	v16 =	vld [tilespmem:s29+$0xFFFFFC50];
	s12 =	sshll.u32 s1, $0x7;
	v0 =	vadd.f32 v15, v0;
	s1 =	spop (v2sf)  }
0x322: {  	v15 =	vmul.f32 v18, v3;
	v17 =	vld [tilespmem:s29+$0xFFFFFC60];
	s13 =	sshll.u32 s1, $0x7;
	s1 =	spop (v2sf)  }
0x323: {  	v11 =	vmul.f32 v11, v4;
	v18 =	vld [tilespmem:s29+$0xFFFFFC70];
	s15 =	sshll.u32 s1, $0x7;
	v10 =	vadd.f32 v0, v10;
	s1 =	spop (v2sf)  }
0x324: {  	v0 =	vmul.f32 v13, v5;
	v13 =	vadd.f32 v15, v14;
	v14 =	vld [tilespmem:s29+$0xFFFFFC80];
	s24 =	sshll.u32 s1, $0x7;
	s1 =	spop (v2sf)  }
0x325: {  	v12 =	vmul.f32 v12, v6;
	v15 =	vld [tilespmem:s29+$0xFFFFFC90];
	s17 =	sshll.u32 s1, $0x7  }
0x326: {  	v16 =	vmul.f32 v16, v7;
	v0 =	vadd.f32 v0, v11;
	v11 =	vld [tilespmem:s29+$0xFFFFFCA0]  }
0x327: {  	v17 =	vmul.f32 v17, v8;
	v19 =	vld [tilespmem:s29+$0xFFFFFCB0]  }
0x328: {  	v18 =	vmul.f32 v18, v9;
	v12 =	vadd.f32 v16, v12;
	v0 =	vadd.f32 v0, v13;
	v13 =	vld [tilespmem:s29+$0xFFFFFCC0]  }
0x329: {  	v14 =	vmul.f32 v14, v2;
	v16 =	vld [tilespmem:s29+$0xFFFFFCD0]  }
0x32a: {  	v17 =	vadd.f32 v18, v17;
	v15 =	vmul.f32 v15, v3;
	v18 =	vld [tilespmem:s29+$0xFFFFFCE0]  }
0x32b: {  	v20 =	vmul.f32 v11, v4;
	v21 =	vld [tilespmem:s29+$0xFFFFFCF0]  }
0x32c: {  	v11 =	vadd.f32 v17, v12;
	v12 =	vmul.f32 v19, v5;
	v14 =	vadd.f32 v15, v14;
	v15 =	vld [tilespmem:s29+$0xFFFFFD00]  }
0x32d: {  	v13 =	vmul.f32 v13, v6;
	v17 =	vld [tilespmem:s29+$0xFFFFFD10]  }
0x32e: {  	v11 =	vadd.f32 v11, v0;
	v0 =	vmul.f32 v16, v7;
	v12 =	vadd.f32 v12, v20;
	v16 =	vld [tilespmem:s29+$0xFFFFFD20];
	s1 =	spop (v2sf)  }
0x32f: {  	v18 =	vmul.f32 v18, v8;
	v19 =	vld [tilespmem:s29+$0xFFFFFD30];
	s18 =	sshll.u32 s1, $0x7;
	s1 =	spop (v2sf)  }
0x330: {  	s1 =	sshll.u32 s1, $0x7;
	v20 =	vmul.f32 v21, v9;
	v0 =	vadd.f32 v0, v13;
	v12 =	vadd.f32 v12, v14;
	v13 =	vld [tilespmem:s29+$0xFFFFFD40]  }
0x331: {  	v14 =	vmul.f32 v15, v2;
	v15 =	vld [tilespmem:s29+$0xFFFFFD50]  }
0x332: {  	v18 =	vadd.f32 v20, v18;
	v17 =	vmul.f32 v17, v3;
	v20 =	vld [tilespmem:s29+$0xFFFFFD60]  }
0x333: {  	v16 =	vmul.f32 v16, v4;
	v21 =	vld [tilespmem:s29+$0xFFFFFD70]  }
0x334: {  	v0 =	vadd.f32 v18, v0;
	v18 =	vmul.f32 v19, v5;
	v14 =	vadd.f32 v17, v14;
	v17 =	vld [tilespmem:s29+$0xFFFFFD80]  }
0x335: {  	v13 =	vmul.f32 v13, v6;
	v19 =	vld [tilespmem:s29+$0xFFFFFD90]  }
0x336: {  	v12 =	vadd.f32 v0, v12;
	v0 =	vmul.f32 v15, v7;
	v15 =	vadd.f32 v18, v16;
	v16 =	vld [tilespmem:s29+$0xFFFFFDA0]  }
0x337: {  	v18 =	vmul.f32 v20, v8;
	v20 =	vld [tilespmem:s29+$0xFFFFFDB0]  }
0x338: {  	v21 =	vmul.f32 v21, v9;
	v0 =	vadd.f32 v0, v13;
	v13 =	vadd.f32 v15, v14;
	v14 =	vld [tilespmem:s29+$0xFFFFFDC0]  }
0x339: {  	v15 =	vmul.f32 v17, v2;
	v17 =	vld [tilespmem:s29+$0xFFFFFDD0]  }
0x33a: {  	v18 =	vadd.f32 v21, v18;
	v19 =	vmul.f32 v19, v3;
	v21 =	vld [tilespmem:s29+$0xFFFFFDE0]  }
0x33b: {  	v16 =	vmul.f32 v16, v4;
	v22 =	vld [tilespmem:s29+$0xFFFFFDF0]  }
0x33c: {  	v0 =	vadd.f32 v18, v0;
	v18 =	vmul.f32 v20, v5;
	v15 =	vadd.f32 v19, v15;
	v19 =	vld [tilespmem:s29+$0xFFFFFE00]  }
0x33d: {  	v14 =	vmul.f32 v14, v6;
	v20 =	vld [tilespmem:s29+$0xFFFFFE10]  }
0x33e: {  	v13 =	vadd.f32 v0, v13;
	v0 =	vmul.f32 v17, v7;
	v16 =	vadd.f32 v18, v16;
	v17 =	vld [tilespmem:s29+$0xFFFFFE20]  }
0x33f: {  	v18 =	vmul.f32 v21, v8;
	v21 =	vld [tilespmem:s29+$0xFFFFFE30]  }
0x340: {  	v22 =	vmul.f32 v22, v9;
	v0 =	vadd.f32 v0, v14;
	v14 =	vadd.f32 v16, v15;
	v15 =	vld [tilespmem:s29+$0xFFFFFE40]  }
0x341: {  	v16 =	vmul.f32 v19, v2;
	v19 =	vld [tilespmem:s29+$0xFFFFFE50]  }
0x342: {  	v18 =	vadd.f32 v22, v18;
	v20 =	vmul.f32 v20, v3;
	v22 =	vld [tilespmem:s29+$0xFFFFFE60]  }
0x343: {  	v17 =	vmul.f32 v17, v4;
	v23 =	vld [tilespmem:s29+$0xFFFFFE70]  }
0x344: {  	v0 =	vadd.f32 v18, v0;
	v18 =	vmul.f32 v21, v5;
	v16 =	vadd.f32 v20, v16;
	v20 =	vld [tilespmem:s29+$0xFFFFFE80]  }
0x345: {  	v15 =	vmul.f32 v15, v6;
	v21 =	vld [tilespmem:s29+$0xFFFFFE90]  }
0x346: {  	v14 =	vadd.f32 v0, v14;
	v0 =	vmul.f32 v19, v7;
	v17 =	vadd.f32 v18, v17;
	v18 =	vld [tilespmem:s29+$0xFFFFFEA0]  }
0x347: {  	v19 =	vmul.f32 v22, v8;
	v22 =	vld [tilespmem:s29+$0xFFFFFEB0]  }
0x348: {  	v23 =	vmul.f32 v23, v9;
	v0 =	vadd.f32 v0, v15;
	v15 =	vadd.f32 v17, v16;
	v16 =	vld [tilespmem:s29+$0xFFFFFEC0]  }
0x349: {  	v17 =	vmul.f32 v20, v2;
	v20 =	vld [tilespmem:s29+$0xFFFFFED0]  }
0x34a: {  	v19 =	vadd.f32 v23, v19;
	v21 =	vmul.f32 v21, v3;
	v23 =	vld [tilespmem:s29+$0xFFFFFEE0]  }
0x34b: {  	v18 =	vmul.f32 v18, v4;
	v24 =	vld [tilespmem:s29+$0xFFFFFEF0]  }
0x34c: {  	v0 =	vadd.f32 v19, v0;
	v19 =	vmul.f32 v22, v5;
	v17 =	vadd.f32 v21, v17;
	v21 =	vld [tilespmem:s29+$0xFFFFFF00]  }
0x34d: {  	v16 =	vmul.f32 v16, v6;
	v22 =	vld [tilespmem:s29+$0xFFFFFF10]  }
0x34e: {  	v15 =	vadd.f32 v0, v15;
	v0 =	vmul.f32 v20, v7;
	v18 =	vadd.f32 v19, v18;
	v19 =	vld [tilespmem:s29+$0xFFFFFF20]  }
0x34f: {  	v20 =	vmul.f32 v23, v8;
	v23 =	vld [tilespmem:s29+$0xFFFFFF30]  }
0x350: {  	v24 =	vmul.f32 v24, v9;
	v0 =	vadd.f32 v0, v16;
	v16 =	vadd.f32 v18, v17;
	v17 =	vld [tilespmem:s29+$0xFFFFFF40]  }
0x351: {  	v18 =	vmul.f32 v21, v2;
	v21 =	vld [tilespmem:s29+$0xFFFFFF50]  }
0x352: {  	v20 =	vadd.f32 v24, v20;
	v22 =	vmul.f32 v22, v3;
	v24 =	vld [tilespmem:s29+$0xFFFFFF60]  }
0x353: {  	v19 =	vmul.f32 v19, v4;
	v25 =	vld [tilespmem:s29+$0xFFFFFF70]  }
0x354: {  	v0 =	vadd.f32 v20, v0;
	v20 =	vmul.f32 v23, v5;
	v18 =	vadd.f32 v22, v18;
	v22 =	vld [tilespmem:s29+$0xFFFFFF80]  }
0x355: {  	v17 =	vmul.f32 v17, v6;
	v23 =	vld [tilespmem:s29+$0xFFFFFF90]  }
0x356: {  	v16 =	vadd.f32 v0, v16;
	v0 =	vmul.f32 v21, v7;
	v19 =	vadd.f32 v20, v19;
	v20 =	vld [tilespmem:s29+$0xFFFFFFA0]  }
0x357: {  	v21 =	vmul.f32 v24, v8;
	v24 =	vld [tilespmem:s29+$0xFFFFFFB0]  }
0x358: {  	v25 =	vmul.f32 v25, v9;
	v0 =	vadd.f32 v0, v17;
	v17 =	vadd.f32 v19, v18;
	v18 =	vld [tilespmem:s29+$0xFFFFFFC0]  }
0x359: {  	v19 =	vmul.f32 v22, v2;
	v22 =	vld [tilespmem:s29+$0xFFFFFFD0]  }
0x35a: {  	v21 =	vadd.f32 v25, v21;
	v23 =	vmul.f32 v23, v3;
	v25 =	vld [tilespmem:s29+$0xFFFFFFE0]  }
0x35b: {  	v20 =	vmul.f32 v20, v4;
	v26 =	vld [tilespmem:s29+$0xFFFFFFF0]  }
0x35c: {  	v0 =	vadd.f32 v21, v0;
	v21 =	vmul.f32 v24, v5;
	v19 =	vadd.f32 v23, v19;
	v23 =	vld [tilespmem:s29+$0x0]  }
0x35d: {  	v18 =	vmul.f32 v18, v6;
	v24 =	vld [tilespmem:s29+$0x10]  }
0x35e: {  	v17 =	vadd.f32 v0, v17;
	v0 =	vmul.f32 v22, v7;
	v20 =	vadd.f32 v21, v20;
	v21 =	vld [tilespmem:s29+$0x20]  }
0x35f: {  	v22 =	vmul.f32 v25, v8;
	v25 =	vld [tilespmem:s29+$0x30]  }
0x360: {  	v26 =	vmul.f32 v26, v9;
	v0 =	vadd.f32 v0, v18;
	v18 =	vadd.f32 v20, v19;
	v19 =	vld [tilespmem:s29+$0x40]  }
0x361: {  	v20 =	vmul.f32 v23, v2;
	v23 =	vld [tilespmem:s29+$0x50]  }
0x362: {  	v22 =	vadd.f32 v26, v22;
	v24 =	vmul.f32 v24, v3;
	v26 =	vld [tilespmem:s29+$0x60]  }
0x363: {  	v21 =	vmul.f32 v21, v4;
	v27 =	vld [tilespmem:s29+$0x70]  }
0x364: {  	v0 =	vadd.f32 v22, v0;
	v22 =	vmul.f32 v25, v5;
	v20 =	vadd.f32 v24, v20;
	v24 =	vld [tilespmem:s29+$0x80]  }
0x365: {  	v19 =	vmul.f32 v19, v6;
	v25 =	vld [tilespmem:s29+$0x90]  }
0x366: {  	v18 =	vadd.f32 v0, v18;
	v0 =	vmul.f32 v23, v7;
	v21 =	vadd.f32 v22, v21;
	v22 =	vld [tilespmem:s29+$0xA0]  }
0x367: {  	v23 =	vmul.f32 v26, v8;
	v26 =	vld [tilespmem:s29+$0xB0]  }
0x368: {  	v27 =	vmul.f32 v27, v9;
	v0 =	vadd.f32 v0, v19;
	v19 =	vadd.f32 v21, v20;
	v20 =	vld [tilespmem:s29+$0xC0]  }
0x369: {  	v21 =	vmul.f32 v24, v2;
	v24 =	vld [tilespmem:s29+$0xD0]  }
0x36a: {  	v23 =	vadd.f32 v27, v23;
	v25 =	vmul.f32 v25, v3;
	v27 =	vld [tilespmem:s29+$0xE0]  }
0x36b: {  	v22 =	vmul.f32 v22, v4;
	v28 =	vld [tilespmem:s29+$0xF0]  }
0x36c: {  	v0 =	vadd.f32 v23, v0;
	v23 =	vmul.f32 v26, v5;
	v21 =	vadd.f32 v25, v21;
	v25 =	vld [tilespmem:s29+$0x100]  }
0x36d: {  	v20 =	vmul.f32 v20, v6;
	v26 =	vld [tilespmem:s29+$0x110]  }
0x36e: {  	v19 =	vadd.f32 v0, v19;
	v0 =	vmul.f32 v24, v7;
	v22 =	vadd.f32 v23, v22;
	v23 =	vld [tilespmem:s29+$0x120]  }
0x36f: {  	v24 =	vmul.f32 v27, v8;
	v27 =	vld [tilespmem:s29+$0x130]  }
0x370: {  	v28 =	vmul.f32 v28, v9;
	v0 =	vadd.f32 v0, v20;
	v20 =	vadd.f32 v22, v21;
	v21 =	vld [tilespmem:s29+$0x140]  }
0x371: {  	v22 =	vmul.f32 v25, v2;
	v25 =	vld [tilespmem:s29+$0x150]  }
0x372: {  	v24 =	vadd.f32 v28, v24;
	v26 =	vmul.f32 v26, v3;
	v28 =	vld [tilespmem:s29+$0x160]  }
0x373: {  	v23 =	vmul.f32 v23, v4;
	v29 =	vld [tilespmem:s29+$0x170]  }
0x374: {  	v0 =	vadd.f32 v24, v0;
	v24 =	vmul.f32 v27, v5;
	v22 =	vadd.f32 v26, v22;
	v26 =	vld [tilespmem:s29+$0x180]  }
0x375: {  	v21 =	vmul.f32 v21, v6;
	v27 =	vld [tilespmem:s29+$0x190]  }
0x376: {  	v20 =	vadd.f32 v0, v20;
	v0 =	vmul.f32 v25, v7;
	v23 =	vadd.f32 v24, v23;
	v24 =	vld [tilespmem:s29+$0x1A0]  }
0x377: {  	v25 =	vmul.f32 v28, v8;
	v28 =	vld [tilespmem:s29+$0x1B0]  }
0x378: {  	v29 =	vmul.f32 v29, v9;
	v0 =	vadd.f32 v0, v21;
	v21 =	vadd.f32 v23, v22;
	v22 =	vld [tilespmem:s29+$0x1C0]  }
0x379: {  	v23 =	vmul.f32 v26, v2;
	v26 =	vld [tilespmem:s29+$0x1D0]  }
0x37a: {  	v25 =	vadd.f32 v29, v25;
	v27 =	vmul.f32 v27, v3;
	v29 =	vld [tilespmem:s29+$0x1E0]  }
0x37b: {  	v24 =	vmul.f32 v24, v4;
	v30 =	vld [tilespmem:s29+$0x1F0]  }
0x37c: {  	v0 =	vadd.f32 v25, v0;
	v25 =	vmul.f32 v28, v5;
	v23 =	vadd.f32 v27, v23;
	v27 =	vld [tilespmem:s29+$0x200]  }
0x37d: {  	v22 =	vmul.f32 v22, v6;
	v28 =	vld [tilespmem:s29+$0x210]  }
0x37e: {  	v21 =	vadd.f32 v0, v21;
	v0 =	vmul.f32 v26, v7;
	v24 =	vadd.f32 v25, v24;
	v25 =	vld [tilespmem:s29+$0x220]  }
0x37f: {  	v26 =	vmul.f32 v29, v8;
	v29 =	vld [tilespmem:s29+$0x230]  }
0x380: {  	v30 =	vmul.f32 v30, v9;
	v0 =	vadd.f32 v0, v22;
	v22 =	vadd.f32 v24, v23;
	v23 =	vld [tilespmem:s29+$0x240]  }
0x381: {  	v24 =	vmul.f32 v27, v2;
	v27 =	vld [tilespmem:s29+$0x250]  }
0x382: {  	v26 =	vadd.f32 v30, v26;
	v28 =	vmul.f32 v28, v3;
	v30 =	vld [tilespmem:s29+$0x260]  }
0x383: {  	v25 =	vmul.f32 v25, v4;
	v31 =	vld [tilespmem:s29+$0x270]  }
0x384: {  	v0 =	vadd.f32 v26, v0;
	v26 =	vmul.f32 v29, v5;
	v24 =	vadd.f32 v28, v24;
	v28 =	vld [tilespmem:s29+$0x280]  }
0x385: {  	v23 =	vmul.f32 v23, v6;
	v29 =	vld [tilespmem:s29+$0x290]  }
0x386: {  	v0 =	vadd.f32 v0, v22;
	v22 =	vmul.f32 v27, v7;
	v25 =	vadd.f32 v26, v25;
	v26 =	vld [tilespmem:s29+$0x2A0]  }
0x387: {  	v27 =	vmul.f32 v30, v8;
	v30 =	vld [tilespmem:s29+$0x2B0]  }
0x388: {  	v31 =	vmul.f32 v31, v9;
	v22 =	vadd.f32 v22, v23;
	v23 =	vadd.f32 v25, v24;
	v24 =	vld [tilespmem:s29+$0x2C0]  }
0x389: {  	v25 =	vmul.f32 v28, v2;
	v28 =	vld [tilespmem:s29+$0x2D0]  }
0x38a: {  	v27 =	vadd.f32 v31, v27;
	v29 =	vmul.f32 v29, v3;
	v31 =	vld [tilespmem:s29+$0x2E0]  }
0x38b: {  	v26 =	vmul.f32 v26, v4;
	v32 =	vld [tilespmem:s29+$0x2F0]  }
0x38c: {  	v22 =	vadd.f32 v27, v22;
	v27 =	vmul.f32 v30, v5;
	v25 =	vadd.f32 v29, v25;
	v29 =	vld [tilespmem:s29+$0x300]  }
0x38d: {  	v24 =	vmul.f32 v24, v6;
	v30 =	vld [tilespmem:s29+$0x310]  }
0x38e: {  	v22 =	vadd.f32 v22, v23;
	v23 =	vmul.f32 v28, v7;
	v26 =	vadd.f32 v27, v26;
	v27 =	vld [tilespmem:s29+$0x320]  }
0x38f: {  	v28 =	vmul.f32 v31, v8;
	v31 =	vld [tilespmem:s29+$0x330]  }
0x390: {  	v32 =	vmul.f32 v32, v9;
	v23 =	vadd.f32 v23, v24;
	v24 =	vadd.f32 v26, v25;
	v25 =	vld [tilespmem:s29+$0x340]  }
0x391: {  	v26 =	vmul.f32 v29, v2;
	v29 =	vld [tilespmem:s29+$0x350]  }
0x392: {  	v28 =	vadd.f32 v32, v28;
	v30 =	vmul.f32 v30, v3;
	v32 =	vld [tilespmem:s29+$0x360]  }
0x393: {  	v27 =	vmul.f32 v27, v4;
	v33 =	vld [tilespmem:s29+$0x370]  }
0x394: {  	[tilespmem:s1+$0x10380] =	vst.add.f32.msk $0xffff, v11;
	v11 =	vadd.f32 v28, v23;
	v23 =	vmul.f32 v31, v5;
	v26 =	vadd.f32 v30, v26  }
0x395: {  	[tilespmem:s1+$0x12380] =	vst.add.f32.msk $0xffff, v1;
	v25 =	vmul.f32 v25, v6  }
0x396: {  	[tilespmem:s14+$0x10380] =	vst.add.f32.msk $0xffff, v12;
	v11 =	vadd.f32 v11, v24;
	v12 =	vmul.f32 v29, v7;
	v23 =	vadd.f32 v23, v27  }
0x397: {  	[tilespmem:s14+$0x12380] =	vst.add.f32.msk $0xffff, v1;
	v24 =	vmul.f32 v32, v8  }
0x398: {  	[tilespmem:s2+$0x10380] =	vst.add.f32.msk $0xffff, v13;
	v13 =	vmul.f32 v33, v9;
	v12 =	vadd.f32 v12, v25;
	v23 =	vadd.f32 v23, v26  }
0x399: {  	[tilespmem:s2+$0x12380] =	vst.add.f32.msk $0xffff, v1  }
0x39a: {  	[tilespmem:s3+$0x10380] =	vst.add.f32.msk $0xffff, v14;
	v13 =	vadd.f32 v13, v24  }
0x39b: {  	[tilespmem:s3+$0x12380] =	vst.add.f32.msk $0xffff, v1  }
0x39c: {  	[tilespmem:s16+$0x10380] =	vst.add.f32.msk $0xffff, v15;
	v12 =	vadd.f32 v13, v12  }
0x39d: {  	[tilespmem:s16+$0x12380] =	vst.add.f32.msk $0xffff, v1  }
0x39e: {  	[tilespmem:s23+$0x10380] =	vst.add.f32.msk $0xffff, v16;
	v12 =	vadd.f32 v12, v23  }
0x39f: {  	[tilespmem:s23+$0x12380] =	vst.add.f32.msk $0xffff, v1  }
0x3a0: {  	[tilespmem:s7+$0x10380] =	vst.add.f32.msk $0xffff, v17  }
0x3a1: {  	[tilespmem:s7+$0x12380] =	vst.add.f32.msk $0xffff, v1  }
0x3a2: {  	[tilespmem:s8+$0x10380] =	vst.add.f32.msk $0xffff, v18  }
0x3a3: {  	[tilespmem:s8+$0x12380] =	vst.add.f32.msk $0xffff, v1  }
0x3a4: {  	[tilespmem:s11+$0x10380] =	vst.add.f32.msk $0xffff, v19  }
0x3a5: {  	[tilespmem:s11+$0x12380] =	vst.add.f32.msk $0xffff, v1  }
0x3a6: {  	[tilespmem:s12+$0x10380] =	vst.add.f32.msk $0xffff, v20  }
0x3a7: {  	[tilespmem:s12+$0x12380] =	vst.add.f32.msk $0xffff, v1  }
0x3a8: {  	[tilespmem:s13+$0x10380] =	vst.add.f32.msk $0xffff, v21  }
0x3a9: {  	[tilespmem:s13+$0x12380] =	vst.add.f32.msk $0xffff, v1  }
0x3aa: {  	[tilespmem:s15+$0x10380] =	vst.add.f32.msk $0xffff, v0  }
0x3ab: {  	[tilespmem:s15+$0x12380] =	vst.add.f32.msk $0xffff, v1  }
0x3ac: {  	[tilespmem:s24+$0x10380] =	vst.add.f32.msk $0xffff, v22  }
0x3ad: {  	[tilespmem:s24+$0x12380] =	vst.add.f32.msk $0xffff, v1  }
.Ltmp7:
0x3ae: {  	[tilespmem:s17+$0x10380] =	vst.add.f32.msk $0xffff, v11;
	(pc) =	sbr.rel @p0 .LBB2_6-.Ltmp7, $4  }
0x3af: {  	[tilespmem:s17+$0x12380] =	vst.add.f32.msk $0xffff, v1  }
0x3b0: {  	[tilespmem:s18+$0x10380] =	vst.add.f32.msk $0xffff, v12  }
0x3b1: {  	[tilespmem:s18+$0x12380] =	vst.add.f32.msk $0xffff, v1  }
0x3b2: {  	s31 =	sadd.s32 $0x10, s31;
	[tilespmem:s0+$0x10380] =	vst.add.f32.msk $0xffff, v10  }
.Ltmp8:
0x3b3: {  	_ = 	snop;
	(pc) =	sbr.rel .LBB2_7-.Ltmp8, $1  }
0x3b4: {  	_ =	sdelay $0x3  }
.LBB2_9:
0x3b5: {  	_ =	sfence.sel $0x180000  }
0x3b6: {  	[bflag:$0x0] =	sbarrier.arrive $0xFFFF  }
0x3b7: {  	_ =	strace $0x90000047  }
0x3b8: {  	s0 =	stileid.u32;
	[bflag:$0x2] =	sbarrier.arrive $0xFFFF  }
0x3b9: {  	p0 =	sne.s32 s0, $0x0;
	s0 =	rddreg [dreg:$0x3]  }
0x3ba: {  	s0 =	sadd.s32 @!p0 $0x100000, s0  }
0x3bb: {  	[sflag:s0] =	ssyncadd.tile.s32 @!p0 $0x1;
	_ =	shalt  }
.Lfunc_end2:
_tile_overlayer_lowered:
.L_overlay_start_2:
0x3bc: {  	(tag) =	ssettag $0x2  }
0x3bd: {  	s0 =	rddreg [dreg:$0x0];
	s2 =	stileid.u32  }
0x3be: {  	s1 =	rddreg [dreg:$0x1];
	p0 =	sne.s32 s2, $0x0  }
0x3bf: {  	s3 =	rddreg [dreg:$0x2];
	[bflag:$0x3] =	sbarrier.arrive $0xFFFF;
	s2 =	simm.s32 @!p0 $0x1C05  }
0x3c0: {  	[timem:s3], [sflag:s2] =	dma.local @!p0 [hbm:s0], s1  }
0x3c1: {  	s0 =	simm.s32 @!p0 $0x5  }
0x3c2: {  	_ =	swait.ge @!p0 [sflag:s0], s1  }
0x3c3: {  	s1 =	ssub.s32 @!p0 $0x0, s1;
	[sflag:s0] =	ssyncset.done @!p0 $0x0  }
0x3c4: {  	[sflag:s0] =	ssyncadd.s32 @!p0 s1  }
0x3c5: {  	[bflag:$0x3] =	sbarrier.arrive $0xFFFF  }
0x3c6: {  	_ =	shalt  }

// kernel: kernel.8.cloned.1.call-start
scs
__scs_entry_jumppad:
0x0: {  	(pc) =	sbr.rel $0x88, $3  }
0x1: {  	(tag) =	ssettag $0x0;
	lr =	simm.s32 $0x1  }
0x2: {  	[smem:$0x3F9D] =	sst lr;
	_ =	strace $0xD0000000  }
0x3: {  	_ = 	snop  }
0x4: {  	_ = 	snop  }
0x5: {  	_ = 	snop  }
0x6: {  	_ = 	snop  }
0x7: {  	_ = 	snop  }
__scs_overlays_trampoline_lowered:
0x8: {  	[smem:$0x3FAC] =	sst s0  }
0x9: {  	[smem:$0x3FAD] =	sst s1  }
0xa: {  	[smem:$0x3FAE] =	sst s2  }
0xb: {  	[smem:$0x3FAF] =	sst s3  }
0xc: {  	[smem:$0x3FB0] =	sst s4  }
0xd: {  	[smem:$0x3FB1] =	sst s5  }
0xe: {  	[smem:$0x3FB2] =	sst s6  }
0xf: {  	[smem:$0x3FB3] =	sst s7  }
0x10: {  	[smem:$0x3FB4] =	sst s8  }
0x11: {  	[smem:$0x3FB5] =	sst s9;
	s0 =	simm.s32 @!p0 $0x0  }
0x12: {  	s1 =	sld [smem:$0x3F9B];
	s0 =	simm.s32 @p0 $0x1  }
0x13: {  	[smem:$0x3FB6] =	sst s0;
	s0 =	simm.s32 @!p1 $0x0  }
0x14: {  	s2 =	sld [smem:$0x3F9A];
	s0 =	simm.s32 @p1 $0x1  }
0x15: {  	[smem:$0x3FB7] =	sst s0;
	s0 =	simm.s32 @!p2 $0x0  }
0x16: {  	s3 =	sld [smem:$0x3FDB];
	s0 =	simm.s32 @p2 $0x1  }
0x17: {  	s4 =	simm.s32 $0x1BF5;
	[smem:$0x3FB9] =	sst s0  }
0x18: {  	s0 =	sld [smem:$0x3F9C];
	_ =	swait.ge [sflag:s4], $0x0  }
0x19: {  	s7 =	sld [smem:$0x3F9D]  }
0x1a: {  	s8 =	sadd.s32 $0xFFFFE003, lr  }
0x1b: {  	s9 =	sadd.s32 $0xFFFFFEF7, lr;
	s5 =	simm.s32 $0xFFFFFFFF;
	p2 =	slt.u32 s8, $0xFFFFF086  }
0x1c: {  	p1 =	slt.u32 s9, $0xF7A;
	s5 =	simm.s32 @!p2 $0x0  }
0x1d: {  	s5 =	simm.s32 @p1 $0x1;
	p0 =	seq.s32 s7, s2  }
0x1e: {  	s7 =	smul.u32 @!p0 $0xF7A, s2;
	p2 =	seq.s32 @!p0 s5, $0x0  }
0x1f: {  	s9 =	smul.u32 $0xF7A, s1;
	s8 =	simm.s32 @!p0 $0x1BF5;
	p2 =	por !p2, p0  }
0x20: {  	[sflag:s8] =	ssyncset.s32 @!p0 $0xFFFFF086;
	s6 =	sadd.s32 @!p0 s3, s7;
	s7 =	simm.s32 @!p0 $0x108  }
0x21: {  	s3 =	sadd.s32 s3, s9;
	s6 =	sadd.s32 @!p0 $0x88, s6;
	s7 =	simm.s32 @p2 $0x1082  }
0x22: {  	[simem:s7], [sflag:s8] =	dma.local @!p0 [hbm:s6], $0xF7A  }
0x23: {  	s9 =	sor.u32 $0xD0000000, s2;
	s6 =	simm.s32 $0x108;
	_ =	swait.ge @!p0 [sflag:s8], $0x0  }
0x24: {  	s3 =	sadd.s32 $0x88, s3;
	s6 =	simm.s32 @!p1 $0x1082;
	[sflag:s4] =	ssyncset.s32 $0xFFFFF086  }
0x25: {  	[simem:s6], [sflag:s4] =	dma.local [hbm:s3], $0xF7A  }
0x26: {  	[smem:$0x3F9D] =	sst s1;
	(tag) =	ssettag s2;
	_ =	strace s9  }
0x27: {  	s1 =	sld [smem:$0x3FAD]  }
0x28: {  	s2 =	sld [smem:$0x3FAE]  }
0x29: {  	s4 =	sld [smem:$0x3FB0]  }
0x2a: {  	p0 =	seq.s32 s5, $0x0;
	s5 =	sld [smem:$0x3FB1]  }
0x2b: {  	s6 =	sld [smem:$0x3FB2]  }
0x2c: {  	s7 =	sld [smem:$0x3FB3]  }
0x2d: {  	s3 =	simm.s32 $0x108;
	s8 =	sld [smem:$0x3FB4]  }
0x2e: {  	s3 =	simm.s32 @!p0 $0x1082;
	s9 =	sld [smem:$0x3FB5]  }
0x2f: {  	lr =	sadd.s32 s0, s3;
	s0 =	sld [smem:$0x3FAC]  }
0x30: {  	s3 =	sld [smem:$0x3FAF]  }
0x31: {  	[smem:$0x3FB8] =	sst s10  }
0x32: {  	s10 =	sld [smem:$0x3FB6];
	_ =	sdelay $0x3  }
0x33: {  	p0 =	seq.s32 s10, $0x1;
	s10 =	sld [smem:$0x3FB8];
	_ =	sdelay $0x3  }
0x34: {  	[smem:$0x3FB8] =	sst s10  }
0x35: {  	s10 =	sld [smem:$0x3FB7];
	_ =	sdelay $0x3  }
0x36: {  	p1 =	seq.s32 s10, $0x1;
	s10 =	sld [smem:$0x3FB8];
	_ =	sdelay $0x3  }
0x37: {  	[smem:$0x3FB8] =	sst s10  }
0x38: {  	s10 =	sld [smem:$0x3FB9]  }
0x39: {  	_ = 	snop;
	(pc) =	sbr.ind lr, $3  }
0x3a: {  	_ = 	snop  }
0x3b: {  	_ = 	snop  }
0x3c: {  	p2 =	seq.s32 s10, $0x1;
	s10 =	sld [smem:$0x3FB8]  }
0x3d: {  	_ =	shalt  }
0x3e: {  	_ =	shalt  }
0x3f: {  	_ =	shalt  }
0x40: {  	_ =	shalt  }
0x41: {  	_ =	shalt  }
0x42: {  	_ =	shalt  }
0x43: {  	_ =	shalt  }
0x44: {  	_ =	shalt  }
0x45: {  	_ =	shalt  }
0x46: {  	_ =	shalt  }
0x47: {  	_ =	shalt  }
0x48: {  	_ =	shalt  }
0x49: {  	_ =	shalt  }
0x4a: {  	_ =	shalt  }
0x4b: {  	_ =	shalt  }
0x4c: {  	_ =	shalt  }
0x4d: {  	_ =	shalt  }
0x4e: {  	_ =	shalt  }
0x4f: {  	_ =	shalt  }
0x50: {  	_ =	shalt  }
0x51: {  	_ =	shalt  }
0x52: {  	_ =	shalt  }
0x53: {  	_ =	shalt  }
0x54: {  	_ =	shalt  }
0x55: {  	_ =	shalt  }
0x56: {  	_ =	shalt  }
0x57: {  	_ =	shalt  }
0x58: {  	_ =	shalt  }
0x59: {  	_ =	shalt  }
0x5a: {  	_ =	shalt  }
0x5b: {  	_ =	shalt  }
0x5c: {  	_ =	shalt  }
0x5d: {  	_ =	shalt  }
0x5e: {  	_ =	shalt  }
0x5f: {  	_ =	shalt  }
0x60: {  	_ =	shalt  }
0x61: {  	_ =	shalt  }
0x62: {  	_ =	shalt  }
0x63: {  	_ =	shalt  }
0x64: {  	_ =	shalt  }
0x65: {  	_ =	shalt  }
0x66: {  	_ =	shalt  }
0x67: {  	_ =	shalt  }
0x68: {  	_ =	shalt  }
0x69: {  	_ =	shalt  }
0x6a: {  	_ =	shalt  }
0x6b: {  	_ =	shalt  }
0x6c: {  	_ =	shalt  }
0x6d: {  	_ =	shalt  }
0x6e: {  	_ =	shalt  }
0x6f: {  	_ =	shalt  }
0x70: {  	_ =	shalt  }
0x71: {  	_ =	shalt  }
0x72: {  	_ =	shalt  }
0x73: {  	_ =	shalt  }
0x74: {  	_ =	shalt  }
0x75: {  	_ =	shalt  }
0x76: {  	_ =	shalt  }
0x77: {  	_ =	shalt  }
0x78: {  	_ =	shalt  }
0x79: {  	_ =	shalt  }
0x7a: {  	_ =	shalt  }
0x7b: {  	_ =	shalt  }
0x7c: {  	_ =	shalt  }
0x7d: {  	_ =	shalt  }
0x7e: {  	_ =	shalt  }
0x7f: {  	_ =	shalt  }
0x80: {  	_ =	shalt  }
0x81: {  	_ =	shalt  }
0x82: {  	_ =	shalt  }
0x83: {  	_ =	shalt  }
0x84: {  	_ =	shalt  }
0x85: {  	_ =	shalt  }
0x86: {  	_ =	shalt  }
0x87: {  	_ =	shalt  }
.Lfunc_end0:
.L_simem_size_0:
called_computation.1_lowered:
.L_overlay_start_0:
0x88: {  	s2 =	sld [smem:$0x3FD9]  }
0x89: {  	s3 =	sld [smem:$0x3FFE];
	_ =	sdelay $0x1  }
0x8a: {  	s1 =	srdreg.scid  }
0x8b: {  	s0 =	sand.u32 $0x1, s1  }
0x8c: {  	s16 =	sshll.u32 s0, $0xA;
	s2 =	sadd.s32 s3, s2  }
0x8d: {  	s2 =	sadd.s32 s2, s16  }
0x8e: {  	[smem:$0x3FC4] =	sst s2  }
0x8f: {  	_ = 	snop  }
0x90: {  	(tm) =	ssettm $0x1  }
0x91: {  	s17 =	sld [smem:$0x3FFB];
	_ =	sdelay $0x3  }
0x92: {  	_ =	strace s17  }
0x93: {  	s2 =	sld [smem:$0x3FFC];
	_ =	sdelay $0x3  }
0x94: {  	_ =	strace s2  }
0x95: {  	s2 =	sld [smem:$0x3FFD];
	_ =	sdelay $0x3  }
0x96: {  	_ =	strace s2  }
0x97: {  	_ =	strace $0x8FFFFFFF  }
0x98: {  	s18 =	sld [smem:$0x3FDB];
	_ =	sdelay $0x1  }
0x99: {  	s19 =	simm.s32 $_scs_section_size  }
0x9a: {  	s4 =	simm.s32 $_size__tile_overlayer_lowered;
	s5 =	simm.s32 $_tile_overlayer_lowered  }
0x9b: {  	s22 =	simm.s32 $0x1BFF;
	s21 =	sshll.u32 s5, $0x1;
	s2 =	sadd.s32 s19, s18  }
0x9c: {  	s6 =	simm.s32 $0x0;
	s20 =	sshll.u32 s4, $0x1;
	s4 =	sadd.s32 s21, s2  }
0x9d: {  	[timem:s6], [sflag:s22] =	dma.local [hbm:s4], s20  }
0x9e: {  	_ =	swait.ge [sflag:s22], s20  }
0x9f: {  	s3 =	ssub.s32 $0x0, s20;
	[sflag:s22] =	ssyncset.done $0x0  }
0xa0: {  	[sflag:s22] =	ssyncadd.s32 s3;
	_ =	sdelay $0x1  }
0xa1: {  	s23 =	simm.s32 $0x1B8B  }
0xa2: {  	_ =	swait.ge [sflag:s23], $0x1  }
0xa3: {  	[sflag:s23] =	ssyncset.done $0x0  }
0xa4: {  	s25 =	simm.s32 $0x1B8E;
	s24 =	sld [smem:$0x3FFE];
	[sflag:s23] =	ssyncadd.s32 $0xFFFFFFFF  }
0xa5: {  	s26 =	simm.s32 $execute0_lowered;
	[smem:$0x3FD2] =	sst s25  }
0xa6: {  	s4 =	sshll.u32 s26, $0x1;
	_ =	strace $0x80000049;
	[dreg:$0x1] =	wrdreg $0xFFFFFFFF  }
0xa7: {  	s28 =	simm.s32 $_size_execute0_lowered;
	s2 =	sadd.s32 s2, s4;
	[dreg:$0x0] =	wrdreg $0x0  }
0xa8: {  	s4 =	sshll.u32 s28, $0x1;
	[dreg:$0x2] =	wrdreg s2  }
0xa9: {  	[dreg:$0x3] =	wrdreg s4  }
0xaa: {  	[dreg:$0x4] =	wrdreg $0xC0  }
0xab: {  	_ =	task [dreg:s6], $0x5FFFF  }
0xac: {  	[dreg:$0x1] =	wrdreg $0xFFFFFFFF  }
0xad: {  	[dreg:$0x0] =	wrdreg $0x60  }
0xae: {  	[dreg:$0x2] =	wrdreg s24  }
0xaf: {  	[dreg:$0x3] =	wrdreg $0x9  }
0xb0: {  	_ =	task.clear_ibuf [dreg:s6], $0x4FFFF;
	_ =	strace $0x90000049  }
0xb1: {  	s29 =	simm.s32 $0x9;
	_ =	strace $0x8000004B  }
0xb2: {  	_ =	swait.ge [sflag:s29], $0x1  }
0xb3: {  	[sflag:s29] =	ssyncadd.s32 $0xFFFFFFFF  }
0xb4: {  	_ =	strace $0x9000004B  }
0xb5: {  	_ =	sfence  }
0xb6: {  	s30 =	sld [smem:$0x0];
	_ =	sdelay $0x2  }
0xb7: {  	s31 =	sshll.u32 s1, $0xD;
	s1 =	sshrl.u32 s1, $0x2  }
0xb8: {  	s3 =	sand.u32 $0x4000, s31;
	s1 =	sadd.s32 s1, s30  }
0xb9: {  	s0 =	sor.u32 s3, s0;
	s1 =	sshll.u32 s1, $0x11  }
0xba: {  	s0 =	sor.u32 s1, s0  }
0xbb: {  	s0 =	sadd.s32 $0x8F2B, s0  }
0xbc: {  	[sflag:s0] =	ssyncadd.remote.s32 $0x1  }
0xbd: {  	_ =	sfence.sel $0xFFFF  }
0xbe: {  	[dreg:$0x0] =	wrdreg $0xFFFFFFFF;
	(pc) =	sbr.abs _section_cstart, $3  }
0xbf: {  	[dreg:$0x1] =	wrdreg $0xFFFFFFFF  }
0xc0: {  	_ =	task.clear_ibuf [dreg:s6], $0x2FFFF;
	_ =	strace $0x9FFFFFFF  }
0xc1: {  	(tm) =	ssettm $0x7FFFFFFF  }
tec
execute0_lowered:
.L_overlay_start_1:
0x0: {  	(tag) =	ssettag $0x1  }
0x1: {  	s4 =	rddreg [dreg:$0x0]  }
0x2: {  	s0 =	rddreg [dreg:$0x1];
	s3 =	srdreg.scid  }
0x3: {  	s2 =	simm.s32 $0x0;
	s1 =	stileid.u32;
	s10 =	simm.s32 $0x100  }
0x4: {  	s11 =	simm.s32 $0x2000;
	s12 =	simm.s32 $0x1;
	s13 =	simm.s32 $0x4000  }
0x5: {  	s14 =	simm.s32 $0x4100;
	s15 =	simm.s32 $0x4200;
	s16 =	simm.s32 $0x4300  }
0x6: {  	s17 =	simm.s32 $0x0;
	s3 =	sand.u32 $0x1, s3;
	[smem:$0x7FF] =	sst s2  }
0x7: {  	s5 =	sshll.u32 s1, $0x6;
	s6 =	sshll.u32 s3, $0x5;
	s30 =	ssub.s32 $0x2, s3  }
0x8: {  	_ =	strace $0x8000004A;
	s5 =	sor.u32 s6, s5;
	s31 =	sshrl.u32 s30, $0x1  }
0x9: {  	s3 =	sadd.s32 $0x1400, s4;
	s8 =	sadd.s32 s5, s4;
	s9 =	ssub.s32 s30, s31  }
0xa: {  	s4 =	sadd.s32 $0x7600, s8;
	s5 =	sadd.s32 $0xF600, s8;
	s6 =	sadd.s32 $0x17600, s8  }
0xb: {  	v0 =	vimm.f32 $0.0e+00;
	s7 =	sadd.s32 $0x17A00, s8;
	s8 =	sadd.s32 $0x1600, s8;
	s9 =	smax.u32 s9, $0x1  }
.LBB2_1:
0xc: {  	[tilespmem:s2], [sflag:$0x1] =	stream.strided.gather [hbm4b:s4+s10], $0x2000, s11, s10, $0x38;
	[tilespmem:$0x4400] =	vst v63  }
0xd: {  	_ =	swait.ge [sflag:s12], $0x2000  }
0xe: {  	[sflag:s12] =	ssyncset.done $0x0  }
0xf: {  	[sflag:s12] =	ssyncadd.s32 $0xFFFFE000  }
0x10: {  	[tilespmem:s11], [sflag:$0x1] =	stream.strided.gather [hbm4b:s5+s10], $0x2000, s11, s10, $0x38;
	[tilespmem:$0x4400] =	vst v63  }
0x11: {  	_ =	swait.ge [sflag:s12], $0x2000  }
0x12: {  	[sflag:s12] =	ssyncset.done $0x0  }
0x13: {  	[sflag:s12] =	ssyncadd.s32 $0xFFFFE000  }
0x14: {  	[tilespmem:s13], [sflag:$0x1] =	stream.linear.gather [hbm4b:s6+s2], $0x100, $0x38;
	[tilespmem:$0x4400] =	vst v63  }
0x15: {  	_ =	swait.ge [sflag:s12], $0x100  }
0x16: {  	[sflag:s12] =	ssyncset.done $0x0  }
0x17: {  	[sflag:s12] =	ssyncadd.s32 $0xFFFFFF00  }
0x18: {  	[tilespmem:s14], [sflag:$0x1] =	stream.linear.gather [hbm4b:s7+s2], $0x100, $0x38;
	[tilespmem:$0x4400] =	vst v63  }
0x19: {  	_ =	swait.ge [sflag:s12], $0x100  }
0x1a: {  	[sflag:s12] =	ssyncset.done $0x0  }
0x1b: {  	[sflag:s12] =	ssyncadd.s32 $0xFFFFFF00  }
0x1c: {  	[tilespmem:s15], [sflag:$0x1] =	stream.linear.gather [hbm4b:s3+s2], $0x80, $0x38;
	[tilespmem:$0x4400] =	vst v63  }
0x1d: {  	_ =	swait.ge [sflag:s12], $0x80  }
0x1e: {  	[sflag:s12] =	ssyncset.done $0x0  }
0x1f: {  	s19 =	simm.s32 $0x0;
	[sflag:s12] =	ssyncadd.s32 $0xFFFFFF80  }
0x20: {  	v1 =	vld [tilespmem:s19+$0x2080]  }
0x21: {  	v7 =	vld [tilespmem:s19+$0x0]  }
0x22: {  	v2 =	vimm.f32 $0.0e+00;
	v3 =	vld [tilespmem:s19+$0x2000]  }
0x23: {  	s18 =	simm.s32 $0x400;
	v8 =	vimm.f32 $0.0e+00;
	v4 =	vimm.f32 $0.0e+00;
	v6 =	vimm.f32 $0.0e+00;
	v5 =	vld [tilespmem:s19+$0x80]  }
.LBB2_2:
0x24: {  	p0 =	sne.s32 s18, $0x7C00  }
.Ltmp0:
0x25: {  	s19 =	sshra.s32 s18, $0x2;
	s18 =	sadd.s32 $0x400, s18;
	v2 =	vadd.f32 v1, v2;
	(pc) =	sbr.rel @p0 .LBB2_2-.Ltmp0, $4  }
0x26: {  	v1 =	vld [tilespmem:s19+$0x2080];
	v8 =	vadd.f32 v7, v8  }
0x27: {  	v7 =	vld [tilespmem:s19+$0x0];
	v4 =	vadd.f32 v3, v4  }
0x28: {  	v3 =	vld [tilespmem:s19+$0x2000];
	v6 =	vadd.f32 v5, v6  }
0x29: {  	v5 =	vld [tilespmem:s19+$0x80]  }
0x2a: {  	v9 =	vld [tilespmem:$0x4000];
	_ =	sdelay $0x2  }
0x2b: {  	v7 =	vadd.f32 v7, v8;
	_ =	sdelay $0x1  }
0x2c: {  	v7 =	vadd.f32 v9, v7  }
0x2d: {  	[tilespmem:$0x4290] =	vst v0  }
0x2e: {  	[tilespmem:$0x4280] =	vst v7  }
0x2f: {  	v52 =	vld [tilespmem:$0x4288];
	_ =	sdelay $0x4  }
0x30: {  	v7 =	vadd.f32 v52, v7;
	_ =	sdelay $0x1  }
0x31: {  	[tilespmem:$0x4280] =	vst v7  }
0x32: {  	v53 =	vld [tilespmem:$0x4284];
	_ =	sdelay $0x4  }
0x33: {  	v7 =	vadd.f32 v53, v7;
	_ =	sdelay $0x1  }
0x34: {  	[tilespmem:$0x4280] =	vst v7  }
0x35: {  	v54 =	vld [tilespmem:$0x4282]  }
0x36: {  	v55 =	vld [tilespmem:$0x4080];
	_ =	sdelay $0x2  }
0x37: {  	v5 =	vadd.f32 v5, v6  }
0x38: {  	v56 =	vadd.f32 v54, v7  }
0x39: {  	v5 =	vadd.f32 v55, v5  }
0x3a: {  	[tilespmem:$0x4280] =	vst v56  }
0x3b: {  	v57 =	vld [tilespmem:$0x4281];
	[tilespmem:$0x4280] =	vst v5  }
0x3c: {  	v58 =	vld [tilespmem:$0x4288];
	_ =	sdelay $0x4  }
0x3d: {  	v5 =	vadd.f32 v58, v5;
	_ =	sdelay $0x1  }
0x3e: {  	[tilespmem:$0x4280] =	vst v5  }
0x3f: {  	v59 =	vld [tilespmem:$0x4284];
	_ =	sdelay $0x2  }
0x40: {  	v60 =	vld [tilespmem:$0x4100];
	_ =	sdelay $0x1  }
0x41: {  	v61 =	vld [tilespmem:$0x4180];
	v5 =	vadd.f32 v59, v5  }
0x42: {  	v3 =	vadd.f32 v3, v4  }
0x43: {  	[tilespmem:$0x4280] =	vst v5  }
0x44: {  	v1 =	vadd.f32 v1, v2;
	v2 =	vadd.f32 v60, v3;
	v3 =	vld [tilespmem:$0x4282];
	_ =	sdelay $0x1  }
0x45: {  	v1 =	vadd.f32 v61, v1;
	v2 =	vmax.f32 v2, $1.000000000e+00  }
0x46: {  	(erf) = vrcp.f32 v2  }
0x47: {  	v1 =	vmax.f32 v1, $1.000000000e+00  }
0x48: {  	(erf) = vrcp.f32 v1;
	v2 =	vadd.f32 v3, v5;
	_ =	sdelay $0x1  }
0x49: {  	[tilespmem:$0x4280] =	vst v2  }
0x4a: {  	v1 =	vld [tilespmem:$0x4281];
	_ =	sdelay $0x1  }
0x4b: {  	v3 =	vld [tilespmem:$0x4200]  }
0x4c: {  	v62 =	vadd.f32 v57, v56  }
0x4d: {  	v63 =	vpop (erf)  }
0x4e: {  	v4 =	vmul.f32 v62, v63;
	v1 =	vadd.f32 v1, v2  }
0x4f: {  	v2 =	vpop (erf)  }
0x50: {  	v4 =	vadd.f32 v4, v3;
	v2 =	vmul.f32 v1, v2;
	_ =	sdelay $0x1  }
0x51: {  	s17 =	sadd.s32 $0x1, s17;
	[tilespmem:$0x4300] =	vst v4;
	v2 =	vadd.f32 v2, v3  }
0x52: {  	p0 =	sne.s32 s17, s9;
	[tilespmem:$0x4280] =	vst v1  }
.Ltmp1:
0x53: {  	[tilespmem:$0x4380] =	vst v2;
	(pc) =	sbr.rel @p0 .LBB2_1-.Ltmp1, $4  }
0x54: {  	[hbm4b:s8+s2] =	stream.linear.scatter [tilespmem:s16], [sflag:$0x1], $0x100, $0x38;
	[tilespmem:$0x4400] =	vst v63  }
0x55: {  	_ =	swait.ge [sflag:s12], $0x100  }
0x56: {  	[sflag:s12] =	ssyncset.done $0x0  }
0x57: {  	[sflag:s12] =	ssyncadd.s32 $0xFFFFFF00  }
0x58: {  	_ =	sfence.sel $0x180000  }
0x59: {  	[bflag:$0x0] =	sbarrier.arrive $0xFFFF  }
0x5a: {  	p0 =	sne.s32 s1, $0x0;
	_ =	strace $0x9000004A  }
0x5b: {  	s0 =	sadd.s32 @!p0 $0x100000, s0;
	[bflag:$0x2] =	sbarrier.arrive $0xFFFF  }
0x5c: {  	[sflag:s0] =	ssyncadd.tile.s32 @!p0 $0x1;
	_ =	shalt  }
.Lfunc_end2:
_tile_overlayer_lowered:
.L_overlay_start_2:
0x5d: {  	(tag) =	ssettag $0x2  }
0x5e: {  	s0 =	rddreg [dreg:$0x0];
	s2 =	stileid.u32  }
0x5f: {  	s1 =	rddreg [dreg:$0x1];
	p0 =	sne.s32 s2, $0x0  }
0x60: {  	s3 =	rddreg [dreg:$0x2];
	[bflag:$0x3] =	sbarrier.arrive $0xFFFF;
	s2 =	simm.s32 @!p0 $0x1C01  }
0x61: {  	[timem:s3], [sflag:s2] =	dma.local @!p0 [hbm:s0], s1  }
0x62: {  	s0 =	simm.s32 @!p0 $0x1  }
0x63: {  	_ =	swait.ge @!p0 [sflag:s0], s1  }
0x64: {  	s1 =	ssub.s32 @!p0 $0x0, s1;
	[sflag:s0] =	ssyncset.done @!p0 $0x0  }
0x65: {  	[sflag:s0] =	ssyncadd.s32 @!p0 s1  }
0x66: {  	[bflag:$0x3] =	sbarrier.arrive $0xFFFF  }
0x67: {  	_ =	shalt  }

</sc_bundles>
